<compile_context>
chip_gen: v7x
topology: tpu7x:2x2x1
jax: 0.10.2.dev20260603
libtpu: 0.0.44.dev20260713+nightly
codegen_flags: <defaults>
</compile_context>

<pallas_src>
import functools

import jax
import jax.numpy as jnp
from jax import lax
from jax.experimental import pallas as pl
from jax.experimental.pallas import tpu as pltpu
from jax.experimental.pallas import tpu_sc as plsc

_N = 10000
_E = 320000
_D = 64
_G = 100
_CLS = 15

_NC = 2
_NS = 16
_NW = _NC * _NS
_CH = 125
_EPW = _E // _NW
_NCH = _EPW // _CH
_NP = 10240
_RPT = _NP // _NS
_ZR = 128

@functools.cache
def _make_propagate(width):
    mesh = plsc.VectorSubcoreMesh(core_axis_name="c", subcore_axis_name="s",
                                  num_cores=_NC, num_subcores=_NS)

    @functools.partial(
        pl.kernel,
        out_type=jax.ShapeDtypeStruct((_NC, _NP, width), jnp.float32),
        mesh=mesh,
        scratch_types=[
            pltpu.VMEM((_NCH, _CH), jnp.int32),
            pltpu.VMEM((_NCH, _CH), jnp.int32),
            [pltpu.VMEM((_CH, width), jnp.float32)] * 8,
            pltpu.VMEM((_ZR, width), jnp.float32),
            pltpu.VMEM_SHARED((_NP, width), jnp.float32),
            [pltpu.SemaphoreType.DMA] * 5,
            [pltpu.SemaphoreType.DMA] * 5,
        ],
        compiler_params=pltpu.CompilerParams(use_tc_tiling_on_sc=False),
    )
    def prop(s_hbm, ei_hbm, out_hbm, srcv, dstv, rows, zbuf, acc,
             gsem, ssem):
        c = lax.axis_index("c")
        s = lax.axis_index("s")
        wid = c * _NS + s
        pltpu.sync_copy(ei_hbm.at[0, wid], srcv)
        pltpu.sync_copy(ei_hbm.at[1, wid], dstv)

        def _zrow(i, carry):
            def _zcol(j, carry2):
                zbuf[i, pl.ds(j * 16, 16)] = jnp.zeros((16,), jnp.float32)
                return carry2
            return lax.fori_loop(0, width // 16, _zcol, carry)
        lax.fori_loop(0, _ZR, _zrow, 0)

        def _zslice(k, carry):
            pltpu.sync_copy(zbuf, acc.at[pl.ds(s * _RPT + k * _ZR, _ZR)])
            return carry
        lax.fori_loop(0, _RPT // _ZR, _zslice, 0)
        plsc.subcore_barrier()

        nbuf = 5
        for b in range(nbuf):
            pltpu.async_copy(s_hbm.at[srcv.at[b]], rows[b], gsem[b])

        def _body(k, carry):
            for b in range(nbuf):
                c = nbuf * k + b
                pltpu.make_async_copy(s_hbm.at[srcv.at[c]], rows[b],
                                      gsem[b]).wait()
                pltpu.async_copy(rows[b], acc.at[dstv.at[c]], ssem[b],
                                 add=True)

                @pl.when(k < _NCH // nbuf - 1)
                def _():
                    pltpu.make_async_copy(rows[b], acc.at[dstv.at[c]],
                                          ssem[b]).wait()
                    pltpu.async_copy(s_hbm.at[srcv.at[c + nbuf]], rows[b],
                                     gsem[b])
            return carry
        lax.fori_loop(0, _NCH // nbuf, _body, 0)
        for b in range(nbuf):
            pltpu.make_async_copy(rows[b], acc.at[dstv.at[0]], ssem[b]).wait()
        plsc.subcore_barrier()

        pltpu.sync_copy(acc.at[pl.ds(s * _RPT, _RPT)],
                        out_hbm.at[c, pl.ds(s * _RPT, _RPT)])

    return prop


def _propagate(s_tab, ei4):
    return _make_propagate(s_tab.shape[1])(s_tab, ei4)


@functools.cache
def _make_deg():
    mesh = plsc.VectorSubcoreMesh(core_axis_name="c", subcore_axis_name="s",
                                  num_cores=_NC, num_subcores=_NS)

    @functools.partial(
        pl.kernel,
        out_type=jax.ShapeDtypeStruct((_NC, _NP, 16), jnp.float32),
        mesh=mesh,
        scratch_types=[
            pltpu.VMEM((_NCH, _CH), jnp.int32),
            pltpu.VMEM((_CH, 16), jnp.float32),
            pltpu.VMEM((_ZR, 16), jnp.float32),
            pltpu.VMEM_SHARED((_NP, 16), jnp.float32),
            [pltpu.SemaphoreType.DMA] * 5,
        ],
        compiler_params=pltpu.CompilerParams(use_tc_tiling_on_sc=False),
    )
    def degk(ei_hbm, out_hbm, dstv, obuf, zbuf, acc, ssem):
        c = lax.axis_index("c")
        s = lax.axis_index("s")
        pltpu.sync_copy(ei_hbm.at[1, c * _NS + s], dstv)

        def _fill(i, carry):
            obuf[i, pl.ds(0, 16)] = jnp.ones((16,), jnp.float32)
            return carry
        lax.fori_loop(0, _CH, _fill, 0)

        def _zfill(i, carry):
            zbuf[i, pl.ds(0, 16)] = jnp.zeros((16,), jnp.float32)
            return carry
        lax.fori_loop(0, _ZR, _zfill, 0)

        def _zslice(k, carry):
            pltpu.sync_copy(zbuf, acc.at[pl.ds(s * _RPT + k * _ZR, _ZR)])
            return carry
        lax.fori_loop(0, _RPT // _ZR, _zslice, 0)
        plsc.subcore_barrier()

        nbuf = 5

        def _body(k, carry):
            for b in range(nbuf):
                cc = nbuf * k + b

                @pl.when(k > 0)
                def _():
                    pltpu.make_async_copy(obuf, acc.at[dstv.at[0]],
                                          ssem[b]).wait()
                pltpu.async_copy(obuf, acc.at[dstv.at[cc]], ssem[b], add=True)
            return carry
        lax.fori_loop(0, _NCH // nbuf, _body, 0)
        for b in range(nbuf):
            pltpu.make_async_copy(obuf, acc.at[dstv.at[0]], ssem[b]).wait()
        plsc.subcore_barrier()

        pltpu.sync_copy(acc.at[pl.ds(s * _RPT, _RPT)],
                        out_hbm.at[c, pl.ds(s * _RPT, _RPT)])

    return degk


def _degrees(ei4):
    return _make_deg()(ei4)


_BR = 1000


def _matmul(x, W):
    din = x.shape[1]

    def body(x_ref, w_ref, t_ref):
        t_ref[...] = jnp.dot(x_ref[...], w_ref[...],
                             preferred_element_type=jnp.float32)

    return pl.pallas_call(
        body,
        grid=(_N // _BR,),
        in_specs=[
            pl.BlockSpec((_BR, din), lambda i: (i, 0)),
            pl.BlockSpec((din, _D), lambda i: (0, 0)),
        ],
        out_specs=pl.BlockSpec((_BR, _D), lambda i: (i, 0)),
        out_shape=jax.ShapeDtypeStruct((_N, _D), jnp.float32),
    )(x, W)


def _scale_dinv(t, degacc):
    def body(t_ref, d_ref, s_ref, dv_ref):
        dv = lax.rsqrt(d_ref[0, :, 0:1] + d_ref[1, :, 0:1] + 1.0)
        dv_ref[...] = dv
        s_ref[...] = t_ref[...] * dv

    return pl.pallas_call(
        body,
        grid=(_N // _BR,),
        in_specs=[
            pl.BlockSpec((_BR, _D), lambda i: (i, 0)),
            pl.BlockSpec((2, _BR, 16), lambda i: (0, i, 0)),
        ],
        out_specs=[
            pl.BlockSpec((_BR, _D), lambda i: (i, 0)),
            pl.BlockSpec((_BR, 1), lambda i: (i, 0)),
        ],
        out_shape=[
            jax.ShapeDtypeStruct((_N, _D), jnp.float32),
            jax.ShapeDtypeStruct((_N, 1), jnp.float32),
        ],
    )(t, degacc)


def _combine_matmul_scale(p, s_prev, b, dinv, W):
    def body(p_ref, s_ref, b_ref, dv_ref, w_ref, sn_ref):
        dv = dv_ref[...]
        a = jnp.maximum(
            dv * (p_ref[0] + p_ref[1] + s_ref[...]) + b_ref[...], 0.0)
        sn_ref[...] = jnp.dot(a, w_ref[...],
                              preferred_element_type=jnp.float32) * dv

    return pl.pallas_call(
        body,
        grid=(_N // _BR,),
        in_specs=[
            pl.BlockSpec((2, _BR, _D), lambda i: (0, i, 0)),
            pl.BlockSpec((_BR, _D), lambda i: (i, 0)),
            pl.BlockSpec((1, _D), lambda i: (0, 0)),
            pl.BlockSpec((_BR, 1), lambda i: (i, 0)),
            pl.BlockSpec((_D, _D), lambda i: (0, 0)),
        ],
        out_specs=pl.BlockSpec((_BR, _D), lambda i: (i, 0)),
        out_shape=jax.ShapeDtypeStruct((_N, _D), jnp.float32),
    )(p, s_prev, b, dinv, W)


def _pool_head(p, s_prev, b, dinv, batch2d, fc_W, fc_b):
    steps = _N // _BR

    def body(p_ref, s_ref, b_ref, dv_ref, bt_ref, fw_ref, fb_ref,
             acc_ref, out_ref):
        i = pl.program_id(0)
        dv = dv_ref[...]
        a = jnp.maximum(
            dv * (p_ref[0] + p_ref[1] + s_ref[...]) + b_ref[...], 0.0)
        aug = jnp.concatenate([a, jnp.ones((_BR, 1), jnp.float32)], axis=1)
        gids = lax.broadcasted_iota(jnp.int32, (_G, _BR), 0)
        oh = (gids == bt_ref[0]).astype(jnp.float32)
        part = jnp.dot(oh, aug, preferred_element_type=jnp.float32)

        @pl.when(i == 0)
        def _():
            acc_ref[...] = jnp.zeros_like(acc_ref)

        acc_ref[...] += part

        @pl.when(i == steps - 1)
        def _():
            accv = acc_ref[...]
            pooled = accv[:, :_D] / jnp.maximum(accv[:, _D:], 1.0)
            logits = jnp.dot(pooled, fw_ref[...],
                             preferred_element_type=jnp.float32) + fb_ref[...]
            m = jnp.max(logits, axis=1, keepdims=True)
            lse = jnp.log(jnp.sum(jnp.exp(logits - m), axis=1, keepdims=True)) + m
            out_ref[...] = logits - lse

    _, out = pl.pallas_call(
        body,
        grid=(steps,),
        in_specs=[
            pl.BlockSpec((2, _BR, _D), lambda i: (0, i, 0)),
            pl.BlockSpec((_BR, _D), lambda i: (i, 0)),
            pl.BlockSpec((1, _D), lambda i: (0, 0)),
            pl.BlockSpec((_BR, 1), lambda i: (i, 0)),
            pl.BlockSpec((1, 1, _BR), lambda i: (i, 0, 0)),
            pl.BlockSpec((_D, _CLS), lambda i: (0, 0)),
            pl.BlockSpec((1, _CLS), lambda i: (0, 0)),
        ],
        out_specs=[
            pl.BlockSpec((_G, _D + 1), lambda i: (0, 0)),
            pl.BlockSpec((_G, _CLS), lambda i: (0, 0)),
        ],
        out_shape=[
            jax.ShapeDtypeStruct((_G, _D + 1), jnp.float32),
            jax.ShapeDtypeStruct((_G, _CLS), jnp.float32),
        ],
    )(p, s_prev, b, dinv, batch2d, fc_W, fc_b)
    return out


def kernel(x, edge_index, batch, W0, b0, W1, b1, W2, b2, fc_W, fc_b):
    ei4 = edge_index.reshape(2, _NW, _NCH, _CH)

    t0 = _matmul(x, W0)
    deg = _degrees(ei4)
    s0, dinv = _scale_dinv(t0, deg)
    p0 = _propagate(s0, ei4)
    s1 = _combine_matmul_scale(p0, s0, b0.reshape(1, _D), dinv, W1)
    p1 = _propagate(s1, ei4)
    s2 = _combine_matmul_scale(p1, s1, b1.reshape(1, _D), dinv, W2)
    p2 = _propagate(s2, ei4)
    return _pool_head(p2, s2, b2.reshape(1, _D), dinv,
                      batch.reshape(_N // _BR, 1, _BR), fc_W,
                      fc_b.reshape(1, _CLS))

# --- scband reference (transcript-rebuilt; emitter-appended) ---
"""Pipeline reference for scband-gnn-2156073582596 (READ-ONLY COPY).

The authoritative reference and input builder live on the scoring server;
editing this copy changes nothing except your own understanding.
"""

import jax, jax.numpy as jnp
import numpy as np

N = 10000
E = 320000
D_IN = 128
D_HID = 64
NUM_CLASSES = 15
NUM_GRAPHS = 100


def setup_inputs(seed: int = 0) -> dict:
    key = jax.random.key(seed)
    ks = jax.random.split(key, 12)
    x = jax.random.normal(ks[0], (N, D_IN), dtype=jnp.float32)
    edge_index = jax.random.randint(ks[1], (2, E), 0, N, dtype=jnp.int32)
    batch = jnp.sort(jax.random.randint(ks[2], (N,), 0, NUM_GRAPHS, dtype=jnp.int32))
    W0 = jax.random.normal(ks[3], (D_IN, D_HID), dtype=jnp.float32) * (1.0 / np.sqrt(D_IN))
    b0 = jnp.zeros((D_HID,), dtype=jnp.float32)
    W1 = jax.random.normal(ks[4], (D_HID, D_HID), dtype=jnp.float32) * (1.0 / np.sqrt(D_HID))
    b1 = jnp.zeros((D_HID,), dtype=jnp.float32)
    W2 = jax.random.normal(ks[5], (D_HID, D_HID), dtype=jnp.float32) * (1.0 / np.sqrt(D_HID))
    b2 = jnp.zeros((D_HID,), dtype=jnp.float32)
    fc_W = jax.random.normal(ks[6], (D_HID, NUM_CLASSES), dtype=jnp.float32) * (1.0 / np.sqrt(D_HID))
    fc_b = jnp.zeros((NUM_CLASSES,), dtype=jnp.float32)
    return {"x": x, "edge_index": edge_index, "batch": batch,
            "W0": W0, "b0": b0, "W1": W1, "b1": b1, "W2": W2, "b2": b2,
            "fc_W": fc_W, "fc_b": fc_b}


def _gcn_conv(x, edge_index, W, b):
    # GCNConv: x' = D^{-1/2} (A + I) D^{-1/2} (x W) + b
    h = x @ W
    src = edge_index[0]
    dst = edge_index[1]
    loop = jnp.arange(N, dtype=src.dtype)
    src = jnp.concatenate([src, loop], axis=0)
    dst = jnp.concatenate([dst, loop], axis=0)
    ones = jnp.ones(src.shape[0], dtype=h.dtype)
    deg = jax.ops.segment_sum(ones, dst, num_segments=N)
    dinv = jnp.where(deg > 0, deg ** -0.5, 0.0)
    norm = dinv[src] * dinv[dst]
    msgs = h[src] * norm[:, None]
    out = jax.ops.segment_sum(msgs, dst, num_segments=N)
    return out + b


def reference(x, edge_index, batch, W0, b0, W1, b1, W2, b2, fc_W, fc_b):
    h = jax.nn.relu(_gcn_conv(x, edge_index, W0, b0))
    h = jax.nn.relu(_gcn_conv(h, edge_index, W1, b1))
    h = jax.nn.relu(_gcn_conv(h, edge_index, W2, b2))
    # global_mean_pool over batch assignment
    sums = jax.ops.segment_sum(h, batch, num_segments=NUM_GRAPHS)
    counts = jax.ops.segment_sum(jnp.ones((N,), dtype=h.dtype), batch, num_segments=NUM_GRAPHS)
    pooled = sums / jnp.clip(counts, 1.0, None)[:, None]
    out = pooled @ fc_W + fc_b
    return jax.nn.log_softmax(out, axis=1)

if __name__ == "__main__":
    import jax
    _d = setup_inputs()
    print(jax.jit(kernel)(*tuple(_d.values())))

</pallas_src>

<mosaic_0001>
#map = affine_map<(d0, d1) -> (0, 0)>
#map1 = affine_map<(d0, d1) -> (0, 0, 0, 0)>
#map2 = affine_map<(d0, d1) -> (0, 0, 0)>
module attributes {stable_mosaic.version = 14 : i64} {
  func.func @prop(%arg0: i32, %arg1: i32, %arg2: memref<10000x64xf32, #tpu.memory_space<hbm>>, %arg3: memref<2x32x80x125xi32, #tpu.memory_space<hbm>>, %arg4: memref<2x10240x64xf32, #tpu.memory_space<hbm>>, %arg5: memref<80x125xi32, #tpu.memory_space<vmem>>, %arg6: memref<80x125xi32, #tpu.memory_space<vmem>>, %arg7: memref<125x64xf32, #tpu.memory_space<vmem>>, %arg8: memref<125x64xf32, #tpu.memory_space<vmem>>, %arg9: memref<125x64xf32, #tpu.memory_space<vmem>>, %arg10: memref<125x64xf32, #tpu.memory_space<vmem>>, %arg11: memref<125x64xf32, #tpu.memory_space<vmem>>, %arg12: memref<125x64xf32, #tpu.memory_space<vmem>>, %arg13: memref<125x64xf32, #tpu.memory_space<vmem>>, %arg14: memref<125x64xf32, #tpu.memory_space<vmem>>, %arg15: memref<128x64xf32, #tpu.memory_space<vmem>>, %arg16: memref<10240x64xf32, #tpu.memory_space<vmem_shared>>, %arg17: memref<!tpu.dma_semaphore, #tpu.memory_space<semaphore_mem>>, %arg18: memref<!tpu.dma_semaphore, #tpu.memory_space<semaphore_mem>>, %arg19: memref<!tpu.dma_semaphore, #tpu.memory_space<semaphore_mem>>, %arg20: memref<!tpu.dma_semaphore, #tpu.memory_space<semaphore_mem>>, %arg21: memref<!tpu.dma_semaphore, #tpu.memory_space<semaphore_mem>>, %arg22: memref<!tpu.dma_semaphore, #tpu.memory_space<semaphore_mem>>, %arg23: memref<!tpu.dma_semaphore, #tpu.memory_space<semaphore_mem>>, %arg24: memref<!tpu.dma_semaphore, #tpu.memory_space<semaphore_mem>>, %arg25: memref<!tpu.dma_semaphore, #tpu.memory_space<semaphore_mem>>, %arg26: memref<!tpu.dma_semaphore, #tpu.memory_space<semaphore_mem>>) attributes {dimension_semantics = [#tpu.dimension_semantics<core_parallel>, #tpu.dimension_semantics<subcore_parallel>], iteration_bounds = array<i64: 2, 16>, scalar_prefetch = 0 : i64, scratch_operands = 22 : i64, tpu.core_type = #tpu.core_type<sc_vector_subcore>, window_params = [{transform_indices = #map}, {transform_indices = #map1}, {transform_indices = #map2}]} {
    %mul3A = arith.constant 16 : i32
    %mul3A_0 = arith.muli %arg0, %mul3A : i32
    %add3A = arith.addi %mul3A_0, %arg1 : i32
    %run_scoped3A = arith.constant 0 : i32
    "tpu.region"() ({
      %run_scoped3A_92 = tpu.sem_alloc : memref<!tpu.dma_semaphore, #tpu.memory_space<semaphore_mem>>
      %dma_start3A_93 = arith.constant 0 : i32
      %dma_start3A_94 = arith.constant 0 : i32
      %dma_start3A_95 = tpu.memref_slice %arg3[%run_scoped3A, %add3A, %dma_start3A_93, %dma_start3A_94] : memref<2x32x80x125xi32, #tpu.memory_space<hbm>> -> memref<1x1x80x125xi32, #tpu.memory_space<hbm>>
      %dma_start3A_96 = tpu.memref_squeeze %dma_start3A_95 : memref<1x1x80x125xi32, #tpu.memory_space<hbm>> -> memref<80x125xi32, #tpu.memory_space<hbm>>
      %dma_start3A_97 = arith.constant 0 : i32
      %dma_start3A_98 = arith.constant 0 : i32
      %dma_start3A_99 = tpu.memref_slice %arg3[%run_scoped3A, %add3A, %dma_start3A_97, %dma_start3A_98] : memref<2x32x80x125xi32, #tpu.memory_space<hbm>> -> memref<1x1x80x125xi32, #tpu.memory_space<hbm>>
      %dma_start3A_100 = tpu.memref_squeeze %dma_start3A_99 : memref<1x1x80x125xi32, #tpu.memory_space<hbm>> -> memref<80x125xi32, #tpu.memory_space<hbm>>
      tpu.enqueue_dma source(%dma_start3A_100 : memref<80x125xi32, #tpu.memory_space<hbm>>) target(%arg5 : memref<80x125xi32, #tpu.memory_space<vmem>>) target_semaphore(%run_scoped3A_92 : memref<!tpu.dma_semaphore, #tpu.memory_space<semaphore_mem>>)
      %dma_wait3A_101 = arith.constant 0 : i32
      %dma_wait3A_102 = arith.constant 0 : i32
      %dma_wait3A_103 = tpu.memref_slice %arg3[%run_scoped3A, %add3A, %dma_wait3A_101, %dma_wait3A_102] : memref<2x32x80x125xi32, #tpu.memory_space<hbm>> -> memref<1x1x80x125xi32, #tpu.memory_space<hbm>>
      %dma_wait3A_104 = tpu.memref_squeeze %dma_wait3A_103 : memref<1x1x80x125xi32, #tpu.memory_space<hbm>> -> memref<80x125xi32, #tpu.memory_space<hbm>>
      %dma_wait3A_105 = arith.constant 0 : i32
      %dma_wait3A_106 = arith.constant 0 : i32
      %dma_wait3A_107 = tpu.memref_slice %arg3[%run_scoped3A, %add3A, %dma_wait3A_105, %dma_wait3A_106] : memref<2x32x80x125xi32, #tpu.memory_space<hbm>> -> memref<1x1x80x125xi32, #tpu.memory_space<hbm>>
      %dma_wait3A_108 = tpu.memref_squeeze %dma_wait3A_107 : memref<1x1x80x125xi32, #tpu.memory_space<hbm>> -> memref<80x125xi32, #tpu.memory_space<hbm>>
      tpu.wait_dma2 semaphore(%run_scoped3A_92 : memref<!tpu.dma_semaphore, #tpu.memory_space<semaphore_mem>>) src(%dma_wait3A_108 : memref<80x125xi32, #tpu.memory_space<hbm>>) dst(%arg5 : memref<80x125xi32, #tpu.memory_space<vmem>>)
      tpu.yield
    }) : () -> ()
    %run_scoped3A_1 = arith.constant 1 : i32
    "tpu.region"() ({
      %run_scoped3A_92 = tpu.sem_alloc : memref<!tpu.dma_semaphore, #tpu.memory_space<semaphore_mem>>
      %dma_start3A_93 = arith.constant 0 : i32
      %dma_start3A_94 = arith.constant 0 : i32
      %dma_start3A_95 = tpu.memref_slice %arg3[%run_scoped3A_1, %add3A, %dma_start3A_93, %dma_start3A_94] : memref<2x32x80x125xi32, #tpu.memory_space<hbm>> -> memref<1x1x80x125xi32, #tpu.memory_space<hbm>>
      %dma_start3A_96 = tpu.memref_squeeze %dma_start3A_95 : memref<1x1x80x125xi32, #tpu.memory_space<hbm>> -> memref<80x125xi32, #tpu.memory_space<hbm>>
      %dma_start3A_97 = arith.constant 0 : i32
      %dma_start3A_98 = arith.constant 0 : i32
      %dma_start3A_99 = tpu.memref_slice %arg3[%run_scoped3A_1, %add3A, %dma_start3A_97, %dma_start3A_98] : memref<2x32x80x125xi32, #tpu.memory_space<hbm>> -> memref<1x1x80x125xi32, #tpu.memory_space<hbm>>
      %dma_start3A_100 = tpu.memref_squeeze %dma_start3A_99 : memref<1x1x80x125xi32, #tpu.memory_space<hbm>> -> memref<80x125xi32, #tpu.memory_space<hbm>>
      tpu.enqueue_dma source(%dma_start3A_100 : memref<80x125xi32, #tpu.memory_space<hbm>>) target(%arg6 : memref<80x125xi32, #tpu.memory_space<vmem>>) target_semaphore(%run_scoped3A_92 : memref<!tpu.dma_semaphore, #tpu.memory_space<semaphore_mem>>)
      %dma_wait3A_101 = arith.constant 0 : i32
      %dma_wait3A_102 = arith.constant 0 : i32
      %dma_wait3A_103 = tpu.memref_slice %arg3[%run_scoped3A_1, %add3A, %dma_wait3A_101, %dma_wait3A_102] : memref<2x32x80x125xi32, #tpu.memory_space<hbm>> -> memref<1x1x80x125xi32, #tpu.memory_space<hbm>>
      %dma_wait3A_104 = tpu.memref_squeeze %dma_wait3A_103 : memref<1x1x80x125xi32, #tpu.memory_space<hbm>> -> memref<80x125xi32, #tpu.memory_space<hbm>>
      %dma_wait3A_105 = arith.constant 0 : i32
      %dma_wait3A_106 = arith.constant 0 : i32
      %dma_wait3A_107 = tpu.memref_slice %arg3[%run_scoped3A_1, %add3A, %dma_wait3A_105, %dma_wait3A_106] : memref<2x32x80x125xi32, #tpu.memory_space<hbm>> -> memref<1x1x80x125xi32, #tpu.memory_space<hbm>>
      %dma_wait3A_108 = tpu.memref_squeeze %dma_wait3A_107 : memref<1x1x80x125xi32, #tpu.memory_space<hbm>> -> memref<80x125xi32, #tpu.memory_space<hbm>>
      tpu.wait_dma2 semaphore(%run_scoped3A_92 : memref<!tpu.dma_semaphore, #tpu.memory_space<semaphore_mem>>) src(%dma_wait3A_108 : memref<80x125xi32, #tpu.memory_space<hbm>>) dst(%arg6 : memref<80x125xi32, #tpu.memory_space<vmem>>)
      tpu.yield
    }) : () -> ()
    %scan3A = arith.constant 0 : i32
    %scan3A_2 = arith.constant 0 : i32
    %scan3A_3 = arith.constant 128 : i32
    %scan3A_4 = arith.addi %scan3A_2, %scan3A_3 : i32
    %scan3A_5 = arith.constant 1 : i32
    scf.for %scan3A_92 = %scan3A_2 to %scan3A_4 step %scan3A_5  : i32 {
      %scan3A_93 = arith.constant 0 : i32
      %scan3A_94 = arith.constant 4 : i32
      %scan3A_95 = arith.addi %scan3A_93, %scan3A_94 : i32
      %scan3A_96 = arith.constant 1 : i32
      scf.for %scan3A_98 = %scan3A_93 to %scan3A_95 step %scan3A_96  : i32 {
        %broadcast_in_dim3A = arith.constant 0.000000e+00 : f32
        %broadcast_in_dim3A_99 = vector.broadcast %broadcast_in_dim3A : f32 to vector<16xf32>
        %mul3A_100 = arith.constant 16 : i32
        %mul3A_101 = arith.muli %scan3A_98, %mul3A_100 : i32
        %swap3A = arith.index_cast %scan3A_92 : i32 to index
        %swap3A_102 = arith.index_cast %mul3A_101 : i32 to index
        %swap3A_103 = tpu.vector_load %arg15[%swap3A, %swap3A_102] {strides = array<i32>} : memref<128x64xf32, #tpu.memory_space<vmem>>, vector<1x16xf32>,
        %swap3A_104 = vector.shape_cast %swap3A_103 : vector<1x16xf32> to vector<16xf32>
        %swap3A_105 = vector.shape_cast %broadcast_in_dim3A_99 : vector<16xf32> to vector<1x16xf32>
        tpu.vector_store %arg15[%swap3A, %swap3A_102], %swap3A_105 {strides = array<i32>} : memref<128x64xf32, #tpu.memory_space<vmem>>, vector<1x16xf32>,
      }
      %scan3A_97 = arith.constant 4 : i32
    }
    %scan3A_6 = arith.constant 128 : i32
    %scan3A_7 = arith.constant 0 : i32
    %scan3A_8 = arith.constant 0 : i32
    %scan3A_9 = arith.constant 5 : i32
    %scan3A_10 = arith.addi %scan3A_8, %scan3A_9 : i32
    %scan3A_11 = arith.constant 1 : i32
    scf.for %scan3A_92 = %scan3A_8 to %scan3A_10 step %scan3A_11  : i32 {
      %mul3A_93 = arith.constant 640 : i32
      %mul3A_94 = arith.muli %arg1, %mul3A_93 : i32
      %mul3A_95 = arith.constant 128 : i32
      %mul3A_96 = arith.muli %scan3A_92, %mul3A_95 : i32
      %add3A_97 = arith.addi %mul3A_94, %mul3A_96 : i32
      "tpu.region"() ({
        %run_scoped3A_98 = tpu.sem_alloc : memref<!tpu.dma_semaphore, #tpu.memory_space<semaphore_mem>>
        %dma_start3A_99 = arith.constant 0 : i32
        %dma_start3A_100 = tpu.memref_slice %arg16[%add3A_97, %dma_start3A_99] : memref<10240x64xf32, #tpu.memory_space<vmem_shared>> -> memref<128x64xf32, #tpu.memory_space<vmem_shared>>
        %dma_start3A_101 = arith.constant 0 : i32
        %dma_start3A_102 = tpu.memref_slice %arg16[%add3A_97, %dma_start3A_101] : memref<10240x64xf32, #tpu.memory_space<vmem_shared>> -> memref<128x64xf32, #tpu.memory_space<vmem_shared>>
        tpu.enqueue_dma source(%arg15 : memref<128x64xf32, #tpu.memory_space<vmem>>) target(%dma_start3A_102 : memref<128x64xf32, #tpu.memory_space<vmem_shared>>) target_semaphore(%run_scoped3A_98 : memref<!tpu.dma_semaphore, #tpu.memory_space<semaphore_mem>>)
        %dma_wait3A_103 = arith.constant 0 : i32
        %dma_wait3A_104 = tpu.memref_slice %arg16[%add3A_97, %dma_wait3A_103] : memref<10240x64xf32, #tpu.memory_space<vmem_shared>> -> memref<128x64xf32, #tpu.memory_space<vmem_shared>>
        %dma_wait3A_105 = arith.constant 0 : i32
        %dma_wait3A_106 = tpu.memref_slice %arg16[%add3A_97, %dma_wait3A_105] : memref<10240x64xf32, #tpu.memory_space<vmem_shared>> -> memref<128x64xf32, #tpu.memory_space<vmem_shared>>
        tpu.wait_dma2 semaphore(%run_scoped3A_98 : memref<!tpu.dma_semaphore, #tpu.memory_space<semaphore_mem>>) src(%arg15 : memref<128x64xf32, #tpu.memory_space<vmem>>) dst(%dma_wait3A_106 : memref<128x64xf32, #tpu.memory_space<vmem_shared>>)
        tpu.yield
      }) : () -> ()
    }
    %scan3A_12 = arith.constant 5 : i32
    %barrier3A = arith.constant 0 : index
    tpu.barrier barrier_id(%barrier3A)
    %dma_start3A = arith.constant 0 : i32
    %dma_start3A_13 = arith.constant 0 : i32
    %dma_start3A_14 = tpu.memref_slice %arg5[%dma_start3A, %dma_start3A_13] : memref<80x125xi32, #tpu.memory_space<vmem>> -> memref<1x125xi32, #tpu.memory_space<vmem>>
    %dma_start3A_15 = tpu.memref_squeeze %dma_start3A_14 : memref<1x125xi32, #tpu.memory_space<vmem>> -> memref<125xi32, #tpu.memory_space<vmem>>
    %dma_start3A_16 = arith.constant 0 : i32
    %dma_start3A_17 = arith.constant 0 : i32
    %dma_start3A_18 = tpu.memref_slice %arg2[%dma_start3A_16, %dma_start3A_17] : memref<10000x64xf32, #tpu.memory_space<hbm>> -> memref<10000x64xf32, #tpu.memory_space<hbm>>
    tpu.enqueue_indirect_dma source(%dma_start3A_18 : memref<10000x64xf32, #tpu.memory_space<hbm>>) target(%arg7 : memref<125x64xf32, #tpu.memory_space<vmem>>) offsets(%dma_start3A_15 : memref<125xi32, #tpu.memory_space<vmem>>) semaphore(%arg17 : memref<!tpu.dma_semaphore, #tpu.memory_space<semaphore_mem>>)
    %dma_start3A_19 = arith.constant 1 : i32
    %dma_start3A_20 = arith.constant 0 : i32
    %dma_start3A_21 = tpu.memref_slice %arg5[%dma_start3A_19, %dma_start3A_20] : memref<80x125xi32, #tpu.memory_space<vmem>> -> memref<1x125xi32, #tpu.memory_space<vmem>>
    %dma_start3A_22 = tpu.memref_squeeze %dma_start3A_21 : memref<1x125xi32, #tpu.memory_space<vmem>> -> memref<125xi32, #tpu.memory_space<vmem>>
    %dma_start3A_23 = arith.constant 0 : i32
    %dma_start3A_24 = arith.constant 0 : i32
    %dma_start3A_25 = tpu.memref_slice %arg2[%dma_start3A_23, %dma_start3A_24] : memref<10000x64xf32, #tpu.memory_space<hbm>> -> memref<10000x64xf32, #tpu.memory_space<hbm>>
    tpu.enqueue_indirect_dma source(%dma_start3A_25 : memref<10000x64xf32, #tpu.memory_space<hbm>>) target(%arg8 : memref<125x64xf32, #tpu.memory_space<vmem>>) offsets(%dma_start3A_22 : memref<125xi32, #tpu.memory_space<vmem>>) semaphore(%arg18 : memref<!tpu.dma_semaphore, #tpu.memory_space<semaphore_mem>>)
    %dma_start3A_26 = arith.constant 2 : i32
    %dma_start3A_27 = arith.constant 0 : i32
    %dma_start3A_28 = tpu.memref_slice %arg5[%dma_start3A_26, %dma_start3A_27] : memref<80x125xi32, #tpu.memory_space<vmem>> -> memref<1x125xi32, #tpu.memory_space<vmem>>
    %dma_start3A_29 = tpu.memref_squeeze %dma_start3A_28 : memref<1x125xi32, #tpu.memory_space<vmem>> -> memref<125xi32, #tpu.memory_space<vmem>>
    %dma_start3A_30 = arith.constant 0 : i32
    %dma_start3A_31 = arith.constant 0 : i32
    %dma_start3A_32 = tpu.memref_slice %arg2[%dma_start3A_30, %dma_start3A_31] : memref<10000x64xf32, #tpu.memory_space<hbm>> -> memref<10000x64xf32, #tpu.memory_space<hbm>>
    tpu.enqueue_indirect_dma source(%dma_start3A_32 : memref<10000x64xf32, #tpu.memory_space<hbm>>) target(%arg9 : memref<125x64xf32, #tpu.memory_space<vmem>>) offsets(%dma_start3A_29 : memref<125xi32, #tpu.memory_space<vmem>>) semaphore(%arg19 : memref<!tpu.dma_semaphore, #tpu.memory_space<semaphore_mem>>)
    %dma_start3A_33 = arith.constant 3 : i32
    %dma_start3A_34 = arith.constant 0 : i32
    %dma_start3A_35 = tpu.memref_slice %arg5[%dma_start3A_33, %dma_start3A_34] : memref<80x125xi32, #tpu.memory_space<vmem>> -> memref<1x125xi32, #tpu.memory_space<vmem>>
    %dma_start3A_36 = tpu.memref_squeeze %dma_start3A_35 : memref<1x125xi32, #tpu.memory_space<vmem>> -> memref<125xi32, #tpu.memory_space<vmem>>
    %dma_start3A_37 = arith.constant 0 : i32
    %dma_start3A_38 = arith.constant 0 : i32
    %dma_start3A_39 = tpu.memref_slice %arg2[%dma_start3A_37, %dma_start3A_38] : memref<10000x64xf32, #tpu.memory_space<hbm>> -> memref<10000x64xf32, #tpu.memory_space<hbm>>
    tpu.enqueue_indirect_dma source(%dma_start3A_39 : memref<10000x64xf32, #tpu.memory_space<hbm>>) target(%arg10 : memref<125x64xf32, #tpu.memory_space<vmem>>) offsets(%dma_start3A_36 : memref<125xi32, #tpu.memory_space<vmem>>) semaphore(%arg20 : memref<!tpu.dma_semaphore, #tpu.memory_space<semaphore_mem>>)
    %dma_start3A_40 = arith.constant 4 : i32
    %dma_start3A_41 = arith.constant 0 : i32
    %dma_start3A_42 = tpu.memref_slice %arg5[%dma_start3A_40, %dma_start3A_41] : memref<80x125xi32, #tpu.memory_space<vmem>> -> memref<1x125xi32, #tpu.memory_space<vmem>>
    %dma_start3A_43 = tpu.memref_squeeze %dma_start3A_42 : memref<1x125xi32, #tpu.memory_space<vmem>> -> memref<125xi32, #tpu.memory_space<vmem>>
    %dma_start3A_44 = arith.constant 0 : i32
    %dma_start3A_45 = arith.constant 0 : i32
    %dma_start3A_46 = tpu.memref_slice %arg2[%dma_start3A_44, %dma_start3A_45] : memref<10000x64xf32, #tpu.memory_space<hbm>> -> memref<10000x64xf32, #tpu.memory_space<hbm>>
    tpu.enqueue_indirect_dma source(%dma_start3A_46 : memref<10000x64xf32, #tpu.memory_space<hbm>>) target(%arg11 : memref<125x64xf32, #tpu.memory_space<vmem>>) offsets(%dma_start3A_43 : memref<125xi32, #tpu.memory_space<vmem>>) semaphore(%arg21 : memref<!tpu.dma_semaphore, #tpu.memory_space<semaphore_mem>>)
    %scan3A_47 = arith.constant 0 : i32
    %scan3A_48 = arith.constant 0 : i32
    %scan3A_49 = arith.constant 16 : i32
    %scan3A_50 = arith.addi %scan3A_48, %scan3A_49 : i32
    %scan3A_51 = arith.constant 1 : i32
    scf.for %scan3A_92 = %scan3A_48 to %scan3A_50 step %scan3A_51  : i32 {
      %mul3A_93 = arith.constant 5 : i32
      %mul3A_94 = arith.muli %mul3A_93, %scan3A_92 : i32
      %add3A_95 = arith.constant 0 : i32
      %add3A_96 = arith.addi %mul3A_94, %add3A_95 : i32
      %dma_wait3A_97 = arith.constant 0 : i32
      %dma_wait3A_98 = tpu.memref_slice %arg5[%add3A_96, %dma_wait3A_97] : memref<80x125xi32, #tpu.memory_space<vmem>> -> memref<1x125xi32, #tpu.memory_space<vmem>>
      %dma_wait3A_99 = tpu.memref_squeeze %dma_wait3A_98 : memref<1x125xi32, #tpu.memory_space<vmem>> -> memref<125xi32, #tpu.memory_space<vmem>>
      %dma_wait3A_100 = arith.constant 0 : i32
      %dma_wait3A_101 = arith.constant 0 : i32
      %dma_wait3A_102 = tpu.memref_slice %arg2[%dma_wait3A_100, %dma_wait3A_101] : memref<10000x64xf32, #tpu.memory_space<hbm>> -> memref<10000x64xf32, #tpu.memory_space<hbm>>
      tpu.wait_indirect_dma semaphore(%arg17 : memref<!tpu.dma_semaphore, #tpu.memory_space<semaphore_mem>>) src(%dma_wait3A_102 : memref<10000x64xf32, #tpu.memory_space<hbm>>) dst(%arg7 : memref<125x64xf32, #tpu.memory_space<vmem>>)
      %dma_start3A_103 = arith.constant 0 : i32
      %dma_start3A_104 = tpu.memref_slice %arg6[%add3A_96, %dma_start3A_103] : memref<80x125xi32, #tpu.memory_space<vmem>> -> memref<1x125xi32, #tpu.memory_space<vmem>>
      %dma_start3A_105 = tpu.memref_squeeze %dma_start3A_104 : memref<1x125xi32, #tpu.memory_space<vmem>> -> memref<125xi32, #tpu.memory_space<vmem>>
      %dma_start3A_106 = arith.constant 0 : i32
      %dma_start3A_107 = arith.constant 0 : i32
      %dma_start3A_108 = tpu.memref_slice %arg16[%dma_start3A_106, %dma_start3A_107] : memref<10240x64xf32, #tpu.memory_space<vmem_shared>> -> memref<10240x64xf32, #tpu.memory_space<vmem_shared>>
      tpu.enqueue_indirect_dma source(%arg7 : memref<125x64xf32, #tpu.memory_space<vmem>>) target(%dma_start3A_108 : memref<10240x64xf32, #tpu.memory_space<vmem_shared>>) offsets(%dma_start3A_105 : memref<125xi32, #tpu.memory_space<vmem>>) semaphore(%arg22 : memref<!tpu.dma_semaphore, #tpu.memory_space<semaphore_mem>>) {add = true}
      %lt3A = arith.constant 15 : i32
      %lt3A_109 = arith.cmpi slt, %scan3A_92, %lt3A : i32
      %convert_element_type3A = arith.extui %lt3A_109 : i1 to i32
      %cond3A = arith.constant 0 : i32
      %cond3A_110 = arith.cmpi ne, %convert_element_type3A, %cond3A : i32
      scf.if %cond3A_110 {
        %dma_wait3A_195 = arith.constant 0 : i32
        %dma_wait3A_196 = tpu.memref_slice %arg6[%add3A_96, %dma_wait3A_195] : memref<80x125xi32, #tpu.memory_space<vmem>> -> memref<1x125xi32, #tpu.memory_space<vmem>>
        %dma_wait3A_197 = tpu.memref_squeeze %dma_wait3A_196 : memref<1x125xi32, #tpu.memory_space<vmem>> -> memref<125xi32, #tpu.memory_space<vmem>>
        %dma_wait3A_198 = arith.constant 0 : i32
        %dma_wait3A_199 = arith.constant 0 : i32
        %dma_wait3A_200 = tpu.memref_slice %arg16[%dma_wait3A_198, %dma_wait3A_199] : memref<10240x64xf32, #tpu.memory_space<vmem_shared>> -> memref<10240x64xf32, #tpu.memory_space<vmem_shared>>
        tpu.wait_indirect_dma semaphore(%arg22 : memref<!tpu.dma_semaphore, #tpu.memory_space<semaphore_mem>>) src(%arg7 : memref<125x64xf32, #tpu.memory_space<vmem>>) dst(%dma_wait3A_200 : memref<10240x64xf32, #tpu.memory_space<vmem_shared>>)
        %add3A_201 = arith.constant 5 : i32
        %add3A_202 = arith.addi %add3A_96, %add3A_201 : i32
        %dma_start3A_203 = arith.constant 0 : i32
        %dma_start3A_204 = tpu.memref_slice %arg5[%add3A_202, %dma_start3A_203] : memref<80x125xi32, #tpu.memory_space<vmem>> -> memref<1x125xi32, #tpu.memory_space<vmem>>
        %dma_start3A_205 = tpu.memref_squeeze %dma_start3A_204 : memref<1x125xi32, #tpu.memory_space<vmem>> -> memref<125xi32, #tpu.memory_space<vmem>>
        %dma_start3A_206 = arith.constant 0 : i32
        %dma_start3A_207 = arith.constant 0 : i32
        %dma_start3A_208 = tpu.memref_slice %arg2[%dma_start3A_206, %dma_start3A_207] : memref<10000x64xf32, #tpu.memory_space<hbm>> -> memref<10000x64xf32, #tpu.memory_space<hbm>>
        tpu.enqueue_indirect_dma source(%dma_start3A_208 : memref<10000x64xf32, #tpu.memory_space<hbm>>) target(%arg7 : memref<125x64xf32, #tpu.memory_space<vmem>>) offsets(%dma_start3A_205 : memref<125xi32, #tpu.memory_space<vmem>>) semaphore(%arg17 : memref<!tpu.dma_semaphore, #tpu.memory_space<semaphore_mem>>)
      } else {
      }
      %mul3A_111 = arith.constant 5 : i32
      %mul3A_112 = arith.muli %mul3A_111, %scan3A_92 : i32
      %add3A_113 = arith.constant 1 : i32
      %add3A_114 = arith.addi %mul3A_112, %add3A_113 : i32
      %dma_wait3A_115 = arith.constant 0 : i32
      %dma_wait3A_116 = tpu.memref_slice %arg5[%add3A_114, %dma_wait3A_115] : memref<80x125xi32, #tpu.memory_space<vmem>> -> memref<1x125xi32, #tpu.memory_space<vmem>>
      %dma_wait3A_117 = tpu.memref_squeeze %dma_wait3A_116 : memref<1x125xi32, #tpu.memory_space<vmem>> -> memref<125xi32, #tpu.memory_space<vmem>>
      %dma_wait3A_118 = arith.constant 0 : i32
      %dma_wait3A_119 = arith.constant 0 : i32
      %dma_wait3A_120 = tpu.memref_slice %arg2[%dma_wait3A_118, %dma_wait3A_119] : memref<10000x64xf32, #tpu.memory_space<hbm>> -> memref<10000x64xf32, #tpu.memory_space<hbm>>
      tpu.wait_indirect_dma semaphore(%arg18 : memref<!tpu.dma_semaphore, #tpu.memory_space<semaphore_mem>>) src(%dma_wait3A_120 : memref<10000x64xf32, #tpu.memory_space<hbm>>) dst(%arg8 : memref<125x64xf32, #tpu.memory_space<vmem>>)
      %dma_start3A_121 = arith.constant 0 : i32
      %dma_start3A_122 = tpu.memref_slice %arg6[%add3A_114, %dma_start3A_121] : memref<80x125xi32, #tpu.memory_space<vmem>> -> memref<1x125xi32, #tpu.memory_space<vmem>>
      %dma_start3A_123 = tpu.memref_squeeze %dma_start3A_122 : memref<1x125xi32, #tpu.memory_space<vmem>> -> memref<125xi32, #tpu.memory_space<vmem>>
      %dma_start3A_124 = arith.constant 0 : i32
      %dma_start3A_125 = arith.constant 0 : i32
      %dma_start3A_126 = tpu.memref_slice %arg16[%dma_start3A_124, %dma_start3A_125] : memref<10240x64xf32, #tpu.memory_space<vmem_shared>> -> memref<10240x64xf32, #tpu.memory_space<vmem_shared>>
      tpu.enqueue_indirect_dma source(%arg8 : memref<125x64xf32, #tpu.memory_space<vmem>>) target(%dma_start3A_126 : memref<10240x64xf32, #tpu.memory_space<vmem_shared>>) offsets(%dma_start3A_123 : memref<125xi32, #tpu.memory_space<vmem>>) semaphore(%arg23 : memref<!tpu.dma_semaphore, #tpu.memory_space<semaphore_mem>>) {add = true}
      %lt3A_127 = arith.constant 15 : i32
      %lt3A_128 = arith.cmpi slt, %scan3A_92, %lt3A_127 : i32
      %convert_element_type3A_129 = arith.extui %lt3A_128 : i1 to i32
      %cond3A_130 = arith.constant 0 : i32
      %cond3A_131 = arith.cmpi ne, %convert_element_type3A_129, %cond3A_130 : i32
      scf.if %cond3A_131 {
        %dma_wait3A_195 = arith.constant 0 : i32
        %dma_wait3A_196 = tpu.memref_slice %arg6[%add3A_114, %dma_wait3A_195] : memref<80x125xi32, #tpu.memory_space<vmem>> -> memref<1x125xi32, #tpu.memory_space<vmem>>
        %dma_wait3A_197 = tpu.memref_squeeze %dma_wait3A_196 : memref<1x125xi32, #tpu.memory_space<vmem>> -> memref<125xi32, #tpu.memory_space<vmem>>
        %dma_wait3A_198 = arith.constant 0 : i32
        %dma_wait3A_199 = arith.constant 0 : i32
        %dma_wait3A_200 = tpu.memref_slice %arg16[%dma_wait3A_198, %dma_wait3A_199] : memref<10240x64xf32, #tpu.memory_space<vmem_shared>> -> memref<10240x64xf32, #tpu.memory_space<vmem_shared>>
        tpu.wait_indirect_dma semaphore(%arg23 : memref<!tpu.dma_semaphore, #tpu.memory_space<semaphore_mem>>) src(%arg8 : memref<125x64xf32, #tpu.memory_space<vmem>>) dst(%dma_wait3A_200 : memref<10240x64xf32, #tpu.memory_space<vmem_shared>>)
        %add3A_201 = arith.constant 5 : i32
        %add3A_202 = arith.addi %add3A_114, %add3A_201 : i32
        %dma_start3A_203 = arith.constant 0 : i32
        %dma_start3A_204 = tpu.memref_slice %arg5[%add3A_202, %dma_start3A_203] : memref<80x125xi32, #tpu.memory_space<vmem>> -> memref<1x125xi32, #tpu.memory_space<vmem>>
        %dma_start3A_205 = tpu.memref_squeeze %dma_start3A_204 : memref<1x125xi32, #tpu.memory_space<vmem>> -> memref<125xi32, #tpu.memory_space<vmem>>
        %dma_start3A_206 = arith.constant 0 : i32
        %dma_start3A_207 = arith.constant 0 : i32
        %dma_start3A_208 = tpu.memref_slice %arg2[%dma_start3A_206, %dma_start3A_207] : memref<10000x64xf32, #tpu.memory_space<hbm>> -> memref<10000x64xf32, #tpu.memory_space<hbm>>
        tpu.enqueue_indirect_dma source(%dma_start3A_208 : memref<10000x64xf32, #tpu.memory_space<hbm>>) target(%arg8 : memref<125x64xf32, #tpu.memory_space<vmem>>) offsets(%dma_start3A_205 : memref<125xi32, #tpu.memory_space<vmem>>) semaphore(%arg18 : memref<!tpu.dma_semaphore, #tpu.memory_space<semaphore_mem>>)
      } else {
      }
      %mul3A_132 = arith.constant 5 : i32
      %mul3A_133 = arith.muli %mul3A_132, %scan3A_92 : i32
      %add3A_134 = arith.constant 2 : i32
      %add3A_135 = arith.addi %mul3A_133, %add3A_134 : i32
      %dma_wait3A_136 = arith.constant 0 : i32
      %dma_wait3A_137 = tpu.memref_slice %arg5[%add3A_135, %dma_wait3A_136] : memref<80x125xi32, #tpu.memory_space<vmem>> -> memref<1x125xi32, #tpu.memory_space<vmem>>
      %dma_wait3A_138 = tpu.memref_squeeze %dma_wait3A_137 : memref<1x125xi32, #tpu.memory_space<vmem>> -> memref<125xi32, #tpu.memory_space<vmem>>
      %dma_wait3A_139 = arith.constant 0 : i32
      %dma_wait3A_140 = arith.constant 0 : i32
      %dma_wait3A_141 = tpu.memref_slice %arg2[%dma_wait3A_139, %dma_wait3A_140] : memref<10000x64xf32, #tpu.memory_space<hbm>> -> memref<10000x64xf32, #tpu.memory_space<hbm>>
      tpu.wait_indirect_dma semaphore(%arg19 : memref<!tpu.dma_semaphore, #tpu.memory_space<semaphore_mem>>) src(%dma_wait3A_141 : memref<10000x64xf32, #tpu.memory_space<hbm>>) dst(%arg9 : memref<125x64xf32, #tpu.memory_space<vmem>>)
      %dma_start3A_142 = arith.constant 0 : i32
      %dma_start3A_143 = tpu.memref_slice %arg6[%add3A_135, %dma_start3A_142] : memref<80x125xi32, #tpu.memory_space<vmem>> -> memref<1x125xi32, #tpu.memory_space<vmem>>
      %dma_start3A_144 = tpu.memref_squeeze %dma_start3A_143 : memref<1x125xi32, #tpu.memory_space<vmem>> -> memref<125xi32, #tpu.memory_space<vmem>>
      %dma_start3A_145 = arith.constant 0 : i32
      %dma_start3A_146 = arith.constant 0 : i32
      %dma_start3A_147 = tpu.memref_slice %arg16[%dma_start3A_145, %dma_start3A_146] : memref<10240x64xf32, #tpu.memory_space<vmem_shared>> -> memref<10240x64xf32, #tpu.memory_space<vmem_shared>>
      tpu.enqueue_indirect_dma source(%arg9 : memref<125x64xf32, #tpu.memory_space<vmem>>) target(%dma_start3A_147 : memref<10240x64xf32, #tpu.memory_space<vmem_shared>>) offsets(%dma_start3A_144 : memref<125xi32, #tpu.memory_space<vmem>>) semaphore(%arg24 : memref<!tpu.dma_semaphore, #tpu.memory_space<semaphore_mem>>) {add = true}
      %lt3A_148 = arith.constant 15 : i32
      %lt3A_149 = arith.cmpi slt, %scan3A_92, %lt3A_148 : i32
      %convert_element_type3A_150 = arith.extui %lt3A_149 : i1 to i32
      %cond3A_151 = arith.constant 0 : i32
      %cond3A_152 = arith.cmpi ne, %convert_element_type3A_150, %cond3A_151 : i32
      scf.if %cond3A_152 {
        %dma_wait3A_195 = arith.constant 0 : i32
        %dma_wait3A_196 = tpu.memref_slice %arg6[%add3A_135, %dma_wait3A_195] : memref<80x125xi32, #tpu.memory_space<vmem>> -> memref<1x125xi32, #tpu.memory_space<vmem>>
        %dma_wait3A_197 = tpu.memref_squeeze %dma_wait3A_196 : memref<1x125xi32, #tpu.memory_space<vmem>> -> memref<125xi32, #tpu.memory_space<vmem>>
        %dma_wait3A_198 = arith.constant 0 : i32
        %dma_wait3A_199 = arith.constant 0 : i32
        %dma_wait3A_200 = tpu.memref_slice %arg16[%dma_wait3A_198, %dma_wait3A_199] : memref<10240x64xf32, #tpu.memory_space<vmem_shared>> -> memref<10240x64xf32, #tpu.memory_space<vmem_shared>>
        tpu.wait_indirect_dma semaphore(%arg24 : memref<!tpu.dma_semaphore, #tpu.memory_space<semaphore_mem>>) src(%arg9 : memref<125x64xf32, #tpu.memory_space<vmem>>) dst(%dma_wait3A_200 : memref<10240x64xf32, #tpu.memory_space<vmem_shared>>)
        %add3A_201 = arith.constant 5 : i32
        %add3A_202 = arith.addi %add3A_135, %add3A_201 : i32
        %dma_start3A_203 = arith.constant 0 : i32
        %dma_start3A_204 = tpu.memref_slice %arg5[%add3A_202, %dma_start3A_203] : memref<80x125xi32, #tpu.memory_space<vmem>> -> memref<1x125xi32, #tpu.memory_space<vmem>>
        %dma_start3A_205 = tpu.memref_squeeze %dma_start3A_204 : memref<1x125xi32, #tpu.memory_space<vmem>> -> memref<125xi32, #tpu.memory_space<vmem>>
        %dma_start3A_206 = arith.constant 0 : i32
        %dma_start3A_207 = arith.constant 0 : i32
        %dma_start3A_208 = tpu.memref_slice %arg2[%dma_start3A_206, %dma_start3A_207] : memref<10000x64xf32, #tpu.memory_space<hbm>> -> memref<10000x64xf32, #tpu.memory_space<hbm>>
        tpu.enqueue_indirect_dma source(%dma_start3A_208 : memref<10000x64xf32, #tpu.memory_space<hbm>>) target(%arg9 : memref<125x64xf32, #tpu.memory_space<vmem>>) offsets(%dma_start3A_205 : memref<125xi32, #tpu.memory_space<vmem>>) semaphore(%arg19 : memref<!tpu.dma_semaphore, #tpu.memory_space<semaphore_mem>>)
      } else {
      }
      %mul3A_153 = arith.constant 5 : i32
      %mul3A_154 = arith.muli %mul3A_153, %scan3A_92 : i32
      %add3A_155 = arith.constant 3 : i32
      %add3A_156 = arith.addi %mul3A_154, %add3A_155 : i32
      %dma_wait3A_157 = arith.constant 0 : i32
      %dma_wait3A_158 = tpu.memref_slice %arg5[%add3A_156, %dma_wait3A_157] : memref<80x125xi32, #tpu.memory_space<vmem>> -> memref<1x125xi32, #tpu.memory_space<vmem>>
      %dma_wait3A_159 = tpu.memref_squeeze %dma_wait3A_158 : memref<1x125xi32, #tpu.memory_space<vmem>> -> memref<125xi32, #tpu.memory_space<vmem>>
      %dma_wait3A_160 = arith.constant 0 : i32
      %dma_wait3A_161 = arith.constant 0 : i32
      %dma_wait3A_162 = tpu.memref_slice %arg2[%dma_wait3A_160, %dma_wait3A_161] : memref<10000x64xf32, #tpu.memory_space<hbm>> -> memref<10000x64xf32, #tpu.memory_space<hbm>>
      tpu.wait_indirect_dma semaphore(%arg20 : memref<!tpu.dma_semaphore, #tpu.memory_space<semaphore_mem>>) src(%dma_wait3A_162 : memref<10000x64xf32, #tpu.memory_space<hbm>>) dst(%arg10 : memref<125x64xf32, #tpu.memory_space<vmem>>)
      %dma_start3A_163 = arith.constant 0 : i32
      %dma_start3A_164 = tpu.memref_slice %arg6[%add3A_156, %dma_start3A_163] : memref<80x125xi32, #tpu.memory_space<vmem>> -> memref<1x125xi32, #tpu.memory_space<vmem>>
      %dma_start3A_165 = tpu.memref_squeeze %dma_start3A_164 : memref<1x125xi32, #tpu.memory_space<vmem>> -> memref<125xi32, #tpu.memory_space<vmem>>
      %dma_start3A_166 = arith.constant 0 : i32
      %dma_start3A_167 = arith.constant 0 : i32
      %dma_start3A_168 = tpu.memref_slice %arg16[%dma_start3A_166, %dma_start3A_167] : memref<10240x64xf32, #tpu.memory_space<vmem_shared>> -> memref<10240x64xf32, #tpu.memory_space<vmem_shared>>
      tpu.enqueue_indirect_dma source(%arg10 : memref<125x64xf32, #tpu.memory_space<vmem>>) target(%dma_start3A_168 : memref<10240x64xf32, #tpu.memory_space<vmem_shared>>) offsets(%dma_start3A_165 : memref<125xi32, #tpu.memory_space<vmem>>) semaphore(%arg25 : memref<!tpu.dma_semaphore, #tpu.memory_space<semaphore_mem>>) {add = true}
      %lt3A_169 = arith.constant 15 : i32
      %lt3A_170 = arith.cmpi slt, %scan3A_92, %lt3A_169 : i32
      %convert_element_type3A_171 = arith.extui %lt3A_170 : i1 to i32
      %cond3A_172 = arith.constant 0 : i32
      %cond3A_173 = arith.cmpi ne, %convert_element_type3A_171, %cond3A_172 : i32
      scf.if %cond3A_173 {
        %dma_wait3A_195 = arith.constant 0 : i32
        %dma_wait3A_196 = tpu.memref_slice %arg6[%add3A_156, %dma_wait3A_195] : memref<80x125xi32, #tpu.memory_space<vmem>> -> memref<1x125xi32, #tpu.memory_space<vmem>>
        %dma_wait3A_197 = tpu.memref_squeeze %dma_wait3A_196 : memref<1x125xi32, #tpu.memory_space<vmem>> -> memref<125xi32, #tpu.memory_space<vmem>>
        %dma_wait3A_198 = arith.constant 0 : i32
        %dma_wait3A_199 = arith.constant 0 : i32
        %dma_wait3A_200 = tpu.memref_slice %arg16[%dma_wait3A_198, %dma_wait3A_199] : memref<10240x64xf32, #tpu.memory_space<vmem_shared>> -> memref<10240x64xf32, #tpu.memory_space<vmem_shared>>
        tpu.wait_indirect_dma semaphore(%arg25 : memref<!tpu.dma_semaphore, #tpu.memory_space<semaphore_mem>>) src(%arg10 : memref<125x64xf32, #tpu.memory_space<vmem>>) dst(%dma_wait3A_200 : memref<10240x64xf32, #tpu.memory_space<vmem_shared>>)
        %add3A_201 = arith.constant 5 : i32
        %add3A_202 = arith.addi %add3A_156, %add3A_201 : i32
        %dma_start3A_203 = arith.constant 0 : i32
        %dma_start3A_204 = tpu.memref_slice %arg5[%add3A_202, %dma_start3A_203] : memref<80x125xi32, #tpu.memory_space<vmem>> -> memref<1x125xi32, #tpu.memory_space<vmem>>
        %dma_start3A_205 = tpu.memref_squeeze %dma_start3A_204 : memref<1x125xi32, #tpu.memory_space<vmem>> -> memref<125xi32, #tpu.memory_space<vmem>>
        %dma_start3A_206 = arith.constant 0 : i32
        %dma_start3A_207 = arith.constant 0 : i32
        %dma_start3A_208 = tpu.memref_slice %arg2[%dma_start3A_206, %dma_start3A_207] : memref<10000x64xf32, #tpu.memory_space<hbm>> -> memref<10000x64xf32, #tpu.memory_space<hbm>>
        tpu.enqueue_indirect_dma source(%dma_start3A_208 : memref<10000x64xf32, #tpu.memory_space<hbm>>) target(%arg10 : memref<125x64xf32, #tpu.memory_space<vmem>>) offsets(%dma_start3A_205 : memref<125xi32, #tpu.memory_space<vmem>>) semaphore(%arg20 : memref<!tpu.dma_semaphore, #tpu.memory_space<semaphore_mem>>)
      } else {
      }
      %mul3A_174 = arith.constant 5 : i32
      %mul3A_175 = arith.muli %mul3A_174, %scan3A_92 : i32
      %add3A_176 = arith.constant 4 : i32
      %add3A_177 = arith.addi %mul3A_175, %add3A_176 : i32
      %dma_wait3A_178 = arith.constant 0 : i32
      %dma_wait3A_179 = tpu.memref_slice %arg5[%add3A_177, %dma_wait3A_178] : memref<80x125xi32, #tpu.memory_space<vmem>> -> memref<1x125xi32, #tpu.memory_space<vmem>>
      %dma_wait3A_180 = tpu.memref_squeeze %dma_wait3A_179 : memref<1x125xi32, #tpu.memory_space<vmem>> -> memref<125xi32, #tpu.memory_space<vmem>>
      %dma_wait3A_181 = arith.constant 0 : i32
      %dma_wait3A_182 = arith.constant 0 : i32
      %dma_wait3A_183 = tpu.memref_slice %arg2[%dma_wait3A_181, %dma_wait3A_182] : memref<10000x64xf32, #tpu.memory_space<hbm>> -> memref<10000x64xf32, #tpu.memory_space<hbm>>
      tpu.wait_indirect_dma semaphore(%arg21 : memref<!tpu.dma_semaphore, #tpu.memory_space<semaphore_mem>>) src(%dma_wait3A_183 : memref<10000x64xf32, #tpu.memory_space<hbm>>) dst(%arg11 : memref<125x64xf32, #tpu.memory_space<vmem>>)
      %dma_start3A_184 = arith.constant 0 : i32
      %dma_start3A_185 = tpu.memref_slice %arg6[%add3A_177, %dma_start3A_184] : memref<80x125xi32, #tpu.memory_space<vmem>> -> memref<1x125xi32, #tpu.memory_space<vmem>>
      %dma_start3A_186 = tpu.memref_squeeze %dma_start3A_185 : memref<1x125xi32, #tpu.memory_space<vmem>> -> memref<125xi32, #tpu.memory_space<vmem>>
      %dma_start3A_187 = arith.constant 0 : i32
      %dma_start3A_188 = arith.constant 0 : i32
      %dma_start3A_189 = tpu.memref_slice %arg16[%dma_start3A_187, %dma_start3A_188] : memref<10240x64xf32, #tpu.memory_space<vmem_shared>> -> memref<10240x64xf32, #tpu.memory_space<vmem_shared>>
      tpu.enqueue_indirect_dma source(%arg11 : memref<125x64xf32, #tpu.memory_space<vmem>>) target(%dma_start3A_189 : memref<10240x64xf32, #tpu.memory_space<vmem_shared>>) offsets(%dma_start3A_186 : memref<125xi32, #tpu.memory_space<vmem>>) semaphore(%arg26 : memref<!tpu.dma_semaphore, #tpu.memory_space<semaphore_mem>>) {add = true}
      %lt3A_190 = arith.constant 15 : i32
      %lt3A_191 = arith.cmpi slt, %scan3A_92, %lt3A_190 : i32
      %convert_element_type3A_192 = arith.extui %lt3A_191 : i1 to i32
      %cond3A_193 = arith.constant 0 : i32
      %cond3A_194 = arith.cmpi ne, %convert_element_type3A_192, %cond3A_193 : i32
      scf.if %cond3A_194 {
        %dma_wait3A_195 = arith.constant 0 : i32
        %dma_wait3A_196 = tpu.memref_slice %arg6[%add3A_177, %dma_wait3A_195] : memref<80x125xi32, #tpu.memory_space<vmem>> -> memref<1x125xi32, #tpu.memory_space<vmem>>
        %dma_wait3A_197 = tpu.memref_squeeze %dma_wait3A_196 : memref<1x125xi32, #tpu.memory_space<vmem>> -> memref<125xi32, #tpu.memory_space<vmem>>
        %dma_wait3A_198 = arith.constant 0 : i32
        %dma_wait3A_199 = arith.constant 0 : i32
        %dma_wait3A_200 = tpu.memref_slice %arg16[%dma_wait3A_198, %dma_wait3A_199] : memref<10240x64xf32, #tpu.memory_space<vmem_shared>> -> memref<10240x64xf32, #tpu.memory_space<vmem_shared>>
        tpu.wait_indirect_dma semaphore(%arg26 : memref<!tpu.dma_semaphore, #tpu.memory_space<semaphore_mem>>) src(%arg11 : memref<125x64xf32, #tpu.memory_space<vmem>>) dst(%dma_wait3A_200 : memref<10240x64xf32, #tpu.memory_space<vmem_shared>>)
        %add3A_201 = arith.constant 5 : i32
        %add3A_202 = arith.addi %add3A_177, %add3A_201 : i32
        %dma_start3A_203 = arith.constant 0 : i32
        %dma_start3A_204 = tpu.memref_slice %arg5[%add3A_202, %dma_start3A_203] : memref<80x125xi32, #tpu.memory_space<vmem>> -> memref<1x125xi32, #tpu.memory_space<vmem>>
        %dma_start3A_205 = tpu.memref_squeeze %dma_start3A_204 : memref<1x125xi32, #tpu.memory_space<vmem>> -> memref<125xi32, #tpu.memory_space<vmem>>
        %dma_start3A_206 = arith.constant 0 : i32
        %dma_start3A_207 = arith.constant 0 : i32
        %dma_start3A_208 = tpu.memref_slice %arg2[%dma_start3A_206, %dma_start3A_207] : memref<10000x64xf32, #tpu.memory_space<hbm>> -> memref<10000x64xf32, #tpu.memory_space<hbm>>
        tpu.enqueue_indirect_dma source(%dma_start3A_208 : memref<10000x64xf32, #tpu.memory_space<hbm>>) target(%arg11 : memref<125x64xf32, #tpu.memory_space<vmem>>) offsets(%dma_start3A_205 : memref<125xi32, #tpu.memory_space<vmem>>) semaphore(%arg21 : memref<!tpu.dma_semaphore, #tpu.memory_space<semaphore_mem>>)
      } else {
      }
    }
    %scan3A_52 = arith.constant 16 : i32
    %dma_wait3A = arith.constant 0 : i32
    %dma_wait3A_53 = arith.constant 0 : i32
    %dma_wait3A_54 = tpu.memref_slice %arg6[%dma_wait3A, %dma_wait3A_53] : memref<80x125xi32, #tpu.memory_space<vmem>> -> memref<1x125xi32, #tpu.memory_space<vmem>>
    %dma_wait3A_55 = tpu.memref_squeeze %dma_wait3A_54 : memref<1x125xi32, #tpu.memory_space<vmem>> -> memref<125xi32, #tpu.memory_space<vmem>>
    %dma_wait3A_56 = arith.constant 0 : i32
    %dma_wait3A_57 = arith.constant 0 : i32
    %dma_wait3A_58 = tpu.memref_slice %arg16[%dma_wait3A_56, %dma_wait3A_57] : memref<10240x64xf32, #tpu.memory_space<vmem_shared>> -> memref<10240x64xf32, #tpu.memory_space<vmem_shared>>
    tpu.wait_indirect_dma semaphore(%arg22 : memref<!tpu.dma_semaphore, #tpu.memory_space<semaphore_mem>>) src(%arg7 : memref<125x64xf32, #tpu.memory_space<vmem>>) dst(%dma_wait3A_58 : memref<10240x64xf32, #tpu.memory_space<vmem_shared>>)
    %dma_wait3A_59 = arith.constant 0 : i32
    %dma_wait3A_60 = arith.constant 0 : i32
    %dma_wait3A_61 = tpu.memref_slice %arg6[%dma_wait3A_59, %dma_wait3A_60] : memref<80x125xi32, #tpu.memory_space<vmem>> -> memref<1x125xi32, #tpu.memory_space<vmem>>
    %dma_wait3A_62 = tpu.memref_squeeze %dma_wait3A_61 : memref<1x125xi32, #tpu.memory_space<vmem>> -> memref<125xi32, #tpu.memory_space<vmem>>
    %dma_wait3A_63 = arith.constant 0 : i32
    %dma_wait3A_64 = arith.constant 0 : i32
    %dma_wait3A_65 = tpu.memref_slice %arg16[%dma_wait3A_63, %dma_wait3A_64] : memref<10240x64xf32, #tpu.memory_space<vmem_shared>> -> memref<10240x64xf32, #tpu.memory_space<vmem_shared>>
    tpu.wait_indirect_dma semaphore(%arg23 : memref<!tpu.dma_semaphore, #tpu.memory_space<semaphore_mem>>) src(%arg8 : memref<125x64xf32, #tpu.memory_space<vmem>>) dst(%dma_wait3A_65 : memref<10240x64xf32, #tpu.memory_space<vmem_shared>>)
    %dma_wait3A_66 = arith.constant 0 : i32
    %dma_wait3A_67 = arith.constant 0 : i32
    %dma_wait3A_68 = tpu.memref_slice %arg6[%dma_wait3A_66, %dma_wait3A_67] : memref<80x125xi32, #tpu.memory_space<vmem>> -> memref<1x125xi32, #tpu.memory_space<vmem>>
    %dma_wait3A_69 = tpu.memref_squeeze %dma_wait3A_68 : memref<1x125xi32, #tpu.memory_space<vmem>> -> memref<125xi32, #tpu.memory_space<vmem>>
    %dma_wait3A_70 = arith.constant 0 : i32
    %dma_wait3A_71 = arith.constant 0 : i32
    %dma_wait3A_72 = tpu.memref_slice %arg16[%dma_wait3A_70, %dma_wait3A_71] : memref<10240x64xf32, #tpu.memory_space<vmem_shared>> -> memref<10240x64xf32, #tpu.memory_space<vmem_shared>>
    tpu.wait_indirect_dma semaphore(%arg24 : memref<!tpu.dma_semaphore, #tpu.memory_space<semaphore_mem>>) src(%arg9 : memref<125x64xf32, #tpu.memory_space<vmem>>) dst(%dma_wait3A_72 : memref<10240x64xf32, #tpu.memory_space<vmem_shared>>)
    %dma_wait3A_73 = arith.constant 0 : i32
    %dma_wait3A_74 = arith.constant 0 : i32
    %dma_wait3A_75 = tpu.memref_slice %arg6[%dma_wait3A_73, %dma_wait3A_74] : memref<80x125xi32, #tpu.memory_space<vmem>> -> memref<1x125xi32, #tpu.memory_space<vmem>>
    %dma_wait3A_76 = tpu.memref_squeeze %dma_wait3A_75 : memref<1x125xi32, #tpu.memory_space<vmem>> -> memref<125xi32, #tpu.memory_space<vmem>>
    %dma_wait3A_77 = arith.constant 0 : i32
    %dma_wait3A_78 = arith.constant 0 : i32
    %dma_wait3A_79 = tpu.memref_slice %arg16[%dma_wait3A_77, %dma_wait3A_78] : memref<10240x64xf32, #tpu.memory_space<vmem_shared>> -> memref<10240x64xf32, #tpu.memory_space<vmem_shared>>
    tpu.wait_indirect_dma semaphore(%arg25 : memref<!tpu.dma_semaphore, #tpu.memory_space<semaphore_mem>>) src(%arg10 : memref<125x64xf32, #tpu.memory_space<vmem>>) dst(%dma_wait3A_79 : memref<10240x64xf32, #tpu.memory_space<vmem_shared>>)
    %dma_wait3A_80 = arith.constant 0 : i32
    %dma_wait3A_81 = arith.constant 0 : i32
    %dma_wait3A_82 = tpu.memref_slice %arg6[%dma_wait3A_80, %dma_wait3A_81] : memref<80x125xi32, #tpu.memory_space<vmem>> -> memref<1x125xi32, #tpu.memory_space<vmem>>
    %dma_wait3A_83 = tpu.memref_squeeze %dma_wait3A_82 : memref<1x125xi32, #tpu.memory_space<vmem>> -> memref<125xi32, #tpu.memory_space<vmem>>
    %dma_wait3A_84 = arith.constant 0 : i32
    %dma_wait3A_85 = arith.constant 0 : i32
    %dma_wait3A_86 = tpu.memref_slice %arg16[%dma_wait3A_84, %dma_wait3A_85] : memref<10240x64xf32, #tpu.memory_space<vmem_shared>> -> memref<10240x64xf32, #tpu.memory_space<vmem_shared>>
    tpu.wait_indirect_dma semaphore(%arg26 : memref<!tpu.dma_semaphore, #tpu.memory_space<semaphore_mem>>) src(%arg11 : memref<125x64xf32, #tpu.memory_space<vmem>>) dst(%dma_wait3A_86 : memref<10240x64xf32, #tpu.memory_space<vmem_shared>>)
    %barrier3A_87 = arith.constant 0 : index
    tpu.barrier barrier_id(%barrier3A_87)
    %mul3A_88 = arith.constant 640 : i32
    %mul3A_89 = arith.muli %arg1, %mul3A_88 : i32
    %mul3A_90 = arith.constant 640 : i32
    %mul3A_91 = arith.muli %arg1, %mul3A_90 : i32
    "tpu.region"() ({
      %run_scoped3A_92 = tpu.sem_alloc : memref<!tpu.dma_semaphore, #tpu.memory_space<semaphore_mem>>
      %dma_start3A_93 = arith.constant 0 : i32
      %dma_start3A_94 = tpu.memref_slice %arg4[%arg0, %mul3A_91, %dma_start3A_93] : memref<2x10240x64xf32, #tpu.memory_space<hbm>> -> memref<1x640x64xf32, #tpu.memory_space<hbm>>
      %dma_start3A_95 = tpu.memref_squeeze %dma_start3A_94 : memref<1x640x64xf32, #tpu.memory_space<hbm>> -> memref<640x64xf32, #tpu.memory_space<hbm>>
      %dma_start3A_96 = arith.constant 0 : i32
      %dma_start3A_97 = tpu.memref_slice %arg16[%mul3A_89, %dma_start3A_96] : memref<10240x64xf32, #tpu.memory_space<vmem_shared>> -> memref<640x64xf32, #tpu.memory_space<vmem_shared>>
      tpu.enqueue_dma source(%dma_start3A_97 : memref<640x64xf32, #tpu.memory_space<vmem_shared>>) target(%dma_start3A_95 : memref<640x64xf32, #tpu.memory_space<hbm>>) target_semaphore(%run_scoped3A_92 : memref<!tpu.dma_semaphore, #tpu.memory_space<semaphore_mem>>)
      %dma_wait3A_98 = arith.constant 0 : i32
      %dma_wait3A_99 = tpu.memref_slice %arg4[%arg0, %mul3A_91, %dma_wait3A_98] : memref<2x10240x64xf32, #tpu.memory_space<hbm>> -> memref<1x640x64xf32, #tpu.memory_space<hbm>>
      %dma_wait3A_100 = tpu.memref_squeeze %dma_wait3A_99 : memref<1x640x64xf32, #tpu.memory_space<hbm>> -> memref<640x64xf32, #tpu.memory_space<hbm>>
      %dma_wait3A_101 = arith.constant 0 : i32
      %dma_wait3A_102 = tpu.memref_slice %arg16[%mul3A_89, %dma_wait3A_101] : memref<10240x64xf32, #tpu.memory_space<vmem_shared>> -> memref<640x64xf32, #tpu.memory_space<vmem_shared>>
      tpu.wait_dma2 semaphore(%run_scoped3A_92 : memref<!tpu.dma_semaphore, #tpu.memory_space<semaphore_mem>>) src(%dma_wait3A_102 : memref<640x64xf32, #tpu.memory_space<vmem_shared>>) dst(%dma_wait3A_100 : memref<640x64xf32, #tpu.memory_space<hbm>>)
      tpu.yield
    }) : () -> ()
    return
  }
}

#map = affine_map<(d0, d1) -> (0, 0, 0, 0)>
#map1 = affine_map<(d0, d1) -> (0, 0, 0)>
module attributes {stable_mosaic.version = 14 : i64} {
  func.func @degk(%arg0: i32, %arg1: i32, %arg2: memref<2x32x80x125xi32, #tpu.memory_space<hbm>>, %arg3: memref<2x10240x16xf32, #tpu.memory_space<hbm>>, %arg4: memref<80x125xi32, #tpu.memory_space<vmem>>, %arg5: memref<125x16xf32, #tpu.memory_space<vmem>>, %arg6: memref<128x16xf32, #tpu.memory_space<vmem>>, %arg7: memref<10240x16xf32, #tpu.memory_space<vmem_shared>>, %arg8: memref<!tpu.dma_semaphore, #tpu.memory_space<semaphore_mem>>, %arg9: memref<!tpu.dma_semaphore, #tpu.memory_space<semaphore_mem>>, %arg10: memref<!tpu.dma_semaphore, #tpu.memory_space<semaphore_mem>>, %arg11: memref<!tpu.dma_semaphore, #tpu.memory_space<semaphore_mem>>, %arg12: memref<!tpu.dma_semaphore, #tpu.memory_space<semaphore_mem>>) attributes {dimension_semantics = [#tpu.dimension_semantics<core_parallel>, #tpu.dimension_semantics<subcore_parallel>], iteration_bounds = array<i64: 2, 16>, scalar_prefetch = 0 : i64, scratch_operands = 9 : i64, tpu.core_type = #tpu.core_type<sc_vector_subcore>, window_params = [{transform_indices = #map}, {transform_indices = #map1}]} {
    %mul3A = arith.constant 16 : i32
    %mul3A_0 = arith.muli %arg0, %mul3A : i32
    %add3A = arith.addi %mul3A_0, %arg1 : i32
    %run_scoped3A = arith.constant 1 : i32
    "tpu.region"() ({
      %run_scoped3A_63 = tpu.sem_alloc : memref<!tpu.dma_semaphore, #tpu.memory_space<semaphore_mem>>
      %dma_start3A = arith.constant 0 : i32
      %dma_start3A_64 = arith.constant 0 : i32
      %dma_start3A_65 = tpu.memref_slice %arg2[%run_scoped3A, %add3A, %dma_start3A, %dma_start3A_64] : memref<2x32x80x125xi32, #tpu.memory_space<hbm>> -> memref<1x1x80x125xi32, #tpu.memory_space<hbm>>
      %dma_start3A_66 = tpu.memref_squeeze %dma_start3A_65 : memref<1x1x80x125xi32, #tpu.memory_space<hbm>> -> memref<80x125xi32, #tpu.memory_space<hbm>>
      %dma_start3A_67 = arith.constant 0 : i32
      %dma_start3A_68 = arith.constant 0 : i32
      %dma_start3A_69 = tpu.memref_slice %arg2[%run_scoped3A, %add3A, %dma_start3A_67, %dma_start3A_68] : memref<2x32x80x125xi32, #tpu.memory_space<hbm>> -> memref<1x1x80x125xi32, #tpu.memory_space<hbm>>
      %dma_start3A_70 = tpu.memref_squeeze %dma_start3A_69 : memref<1x1x80x125xi32, #tpu.memory_space<hbm>> -> memref<80x125xi32, #tpu.memory_space<hbm>>
      tpu.enqueue_dma source(%dma_start3A_70 : memref<80x125xi32, #tpu.memory_space<hbm>>) target(%arg4 : memref<80x125xi32, #tpu.memory_space<vmem>>) target_semaphore(%run_scoped3A_63 : memref<!tpu.dma_semaphore, #tpu.memory_space<semaphore_mem>>)
      %dma_wait3A_71 = arith.constant 0 : i32
      %dma_wait3A_72 = arith.constant 0 : i32
      %dma_wait3A_73 = tpu.memref_slice %arg2[%run_scoped3A, %add3A, %dma_wait3A_71, %dma_wait3A_72] : memref<2x32x80x125xi32, #tpu.memory_space<hbm>> -> memref<1x1x80x125xi32, #tpu.memory_space<hbm>>
      %dma_wait3A_74 = tpu.memref_squeeze %dma_wait3A_73 : memref<1x1x80x125xi32, #tpu.memory_space<hbm>> -> memref<80x125xi32, #tpu.memory_space<hbm>>
      %dma_wait3A_75 = arith.constant 0 : i32
      %dma_wait3A_76 = arith.constant 0 : i32
      %dma_wait3A_77 = tpu.memref_slice %arg2[%run_scoped3A, %add3A, %dma_wait3A_75, %dma_wait3A_76] : memref<2x32x80x125xi32, #tpu.memory_space<hbm>> -> memref<1x1x80x125xi32, #tpu.memory_space<hbm>>
      %dma_wait3A_78 = tpu.memref_squeeze %dma_wait3A_77 : memref<1x1x80x125xi32, #tpu.memory_space<hbm>> -> memref<80x125xi32, #tpu.memory_space<hbm>>
      tpu.wait_dma2 semaphore(%run_scoped3A_63 : memref<!tpu.dma_semaphore, #tpu.memory_space<semaphore_mem>>) src(%dma_wait3A_78 : memref<80x125xi32, #tpu.memory_space<hbm>>) dst(%arg4 : memref<80x125xi32, #tpu.memory_space<vmem>>)
      tpu.yield
    }) : () -> ()
    %scan3A = arith.constant 0 : i32
    %scan3A_1 = arith.constant 0 : i32
    %scan3A_2 = arith.constant 125 : i32
    %scan3A_3 = arith.addi %scan3A_1, %scan3A_2 : i32
    %scan3A_4 = arith.constant 1 : i32
    scf.for %scan3A_63 = %scan3A_1 to %scan3A_3 step %scan3A_4  : i32 {
      %broadcast_in_dim3A = arith.constant 1.000000e+00 : f32
      %broadcast_in_dim3A_64 = vector.broadcast %broadcast_in_dim3A : f32 to vector<16xf32>
      %swap3A = arith.index_cast %scan3A_63 : i32 to index
      %swap3A_65 = arith.constant 0 : index
      %swap3A_66 = tpu.vector_load %arg5[%swap3A, %swap3A_65] {strides = array<i32>} : memref<125x16xf32, #tpu.memory_space<vmem>>, vector<1x16xf32>,
      %swap3A_67 = vector.shape_cast %swap3A_66 : vector<1x16xf32> to vector<16xf32>
      %swap3A_68 = vector.shape_cast %broadcast_in_dim3A_64 : vector<16xf32> to vector<1x16xf32>
      tpu.vector_store %arg5[%swap3A, %swap3A_65], %swap3A_68 {strides = array<i32>} : memref<125x16xf32, #tpu.memory_space<vmem>>, vector<1x16xf32>,
    }
    %scan3A_5 = arith.constant 125 : i32
    %scan3A_6 = arith.constant 0 : i32
    %scan3A_7 = arith.constant 0 : i32
    %scan3A_8 = arith.constant 128 : i32
    %scan3A_9 = arith.addi %scan3A_7, %scan3A_8 : i32
    %scan3A_10 = arith.constant 1 : i32
    scf.for %scan3A_63 = %scan3A_7 to %scan3A_9 step %scan3A_10  : i32 {
      %broadcast_in_dim3A = arith.constant 0.000000e+00 : f32
      %broadcast_in_dim3A_64 = vector.broadcast %broadcast_in_dim3A : f32 to vector<16xf32>
      %swap3A = arith.index_cast %scan3A_63 : i32 to index
      %swap3A_65 = arith.constant 0 : index
      %swap3A_66 = tpu.vector_load %arg6[%swap3A, %swap3A_65] {strides = array<i32>} : memref<128x16xf32, #tpu.memory_space<vmem>>, vector<1x16xf32>,
      %swap3A_67 = vector.shape_cast %swap3A_66 : vector<1x16xf32> to vector<16xf32>
      %swap3A_68 = vector.shape_cast %broadcast_in_dim3A_64 : vector<16xf32> to vector<1x16xf32>
      tpu.vector_store %arg6[%swap3A, %swap3A_65], %swap3A_68 {strides = array<i32>} : memref<128x16xf32, #tpu.memory_space<vmem>>, vector<1x16xf32>,
    }
    %scan3A_11 = arith.constant 128 : i32
    %scan3A_12 = arith.constant 0 : i32
    %scan3A_13 = arith.constant 0 : i32
    %scan3A_14 = arith.constant 5 : i32
    %scan3A_15 = arith.addi %scan3A_13, %scan3A_14 : i32
    %scan3A_16 = arith.constant 1 : i32
    scf.for %scan3A_63 = %scan3A_13 to %scan3A_15 step %scan3A_16  : i32 {
      %mul3A_64 = arith.constant 640 : i32
      %mul3A_65 = arith.muli %arg1, %mul3A_64 : i32
      %mul3A_66 = arith.constant 128 : i32
      %mul3A_67 = arith.muli %scan3A_63, %mul3A_66 : i32
      %add3A_68 = arith.addi %mul3A_65, %mul3A_67 : i32
      "tpu.region"() ({
        %run_scoped3A_69 = tpu.sem_alloc : memref<!tpu.dma_semaphore, #tpu.memory_space<semaphore_mem>>
        %dma_start3A = arith.constant 0 : i32
        %dma_start3A_70 = tpu.memref_slice %arg7[%add3A_68, %dma_start3A] : memref<10240x16xf32, #tpu.memory_space<vmem_shared>> -> memref<128x16xf32, #tpu.memory_space<vmem_shared>>
        %dma_start3A_71 = arith.constant 0 : i32
        %dma_start3A_72 = tpu.memref_slice %arg7[%add3A_68, %dma_start3A_71] : memref<10240x16xf32, #tpu.memory_space<vmem_shared>> -> memref<128x16xf32, #tpu.memory_space<vmem_shared>>
        tpu.enqueue_dma source(%arg6 : memref<128x16xf32, #tpu.memory_space<vmem>>) target(%dma_start3A_72 : memref<128x16xf32, #tpu.memory_space<vmem_shared>>) target_semaphore(%run_scoped3A_69 : memref<!tpu.dma_semaphore, #tpu.memory_space<semaphore_mem>>)
        %dma_wait3A_73 = arith.constant 0 : i32
        %dma_wait3A_74 = tpu.memref_slice %arg7[%add3A_68, %dma_wait3A_73] : memref<10240x16xf32, #tpu.memory_space<vmem_shared>> -> memref<128x16xf32, #tpu.memory_space<vmem_shared>>
        %dma_wait3A_75 = arith.constant 0 : i32
        %dma_wait3A_76 = tpu.memref_slice %arg7[%add3A_68, %dma_wait3A_75] : memref<10240x16xf32, #tpu.memory_space<vmem_shared>> -> memref<128x16xf32, #tpu.memory_space<vmem_shared>>
        tpu.wait_dma2 semaphore(%run_scoped3A_69 : memref<!tpu.dma_semaphore, #tpu.memory_space<semaphore_mem>>) src(%arg6 : memref<128x16xf32, #tpu.memory_space<vmem>>) dst(%dma_wait3A_76 : memref<128x16xf32, #tpu.memory_space<vmem_shared>>)
        tpu.yield
      }) : () -> ()
    }
    %scan3A_17 = arith.constant 5 : i32
    %barrier3A = arith.constant 0 : index
    tpu.barrier barrier_id(%barrier3A)
    %scan3A_18 = arith.constant 0 : i32
    %scan3A_19 = arith.constant 0 : i32
    %scan3A_20 = arith.constant 16 : i32
    %scan3A_21 = arith.addi %scan3A_19, %scan3A_20 : i32
    %scan3A_22 = arith.constant 1 : i32
    scf.for %scan3A_63 = %scan3A_19 to %scan3A_21 step %scan3A_22  : i32 {
      %mul3A_64 = arith.constant 5 : i32
      %mul3A_65 = arith.muli %mul3A_64, %scan3A_63 : i32
      %add3A_66 = arith.constant 0 : i32
      %add3A_67 = arith.addi %mul3A_65, %add3A_66 : i32
      %gt3A = arith.constant 0 : i32
      %gt3A_68 = arith.cmpi sgt, %scan3A_63, %gt3A : i32
      %convert_element_type3A = arith.extui %gt3A_68 : i1 to i32
      %cond3A = arith.constant 0 : i32
      %cond3A_69 = arith.cmpi ne, %convert_element_type3A, %cond3A : i32
      scf.if %cond3A_69 {
        %dma_wait3A_135 = arith.constant 0 : i32
        %dma_wait3A_136 = arith.constant 0 : i32
        %dma_wait3A_137 = tpu.memref_slice %arg4[%dma_wait3A_135, %dma_wait3A_136] : memref<80x125xi32, #tpu.memory_space<vmem>> -> memref<1x125xi32, #tpu.memory_space<vmem>>
        %dma_wait3A_138 = tpu.memref_squeeze %dma_wait3A_137 : memref<1x125xi32, #tpu.memory_space<vmem>> -> memref<125xi32, #tpu.memory_space<vmem>>
        %dma_wait3A_139 = arith.constant 0 : i32
        %dma_wait3A_140 = arith.constant 0 : i32
        %dma_wait3A_141 = tpu.memref_slice %arg7[%dma_wait3A_139, %dma_wait3A_140] : memref<10240x16xf32, #tpu.memory_space<vmem_shared>> -> memref<10240x16xf32, #tpu.memory_space<vmem_shared>>
        tpu.wait_indirect_dma semaphore(%arg8 : memref<!tpu.dma_semaphore, #tpu.memory_space<semaphore_mem>>) src(%arg5 : memref<125x16xf32, #tpu.memory_space<vmem>>) dst(%dma_wait3A_141 : memref<10240x16xf32, #tpu.memory_space<vmem_shared>>)
      } else {
      }
      %dma_start3A = arith.constant 0 : i32
      %dma_start3A_70 = tpu.memref_slice %arg4[%add3A_67, %dma_start3A] : memref<80x125xi32, #tpu.memory_space<vmem>> -> memref<1x125xi32, #tpu.memory_space<vmem>>
      %dma_start3A_71 = tpu.memref_squeeze %dma_start3A_70 : memref<1x125xi32, #tpu.memory_space<vmem>> -> memref<125xi32, #tpu.memory_space<vmem>>
      %dma_start3A_72 = arith.constant 0 : i32
      %dma_start3A_73 = arith.constant 0 : i32
      %dma_start3A_74 = tpu.memref_slice %arg7[%dma_start3A_72, %dma_start3A_73] : memref<10240x16xf32, #tpu.memory_space<vmem_shared>> -> memref<10240x16xf32, #tpu.memory_space<vmem_shared>>
      tpu.enqueue_indirect_dma source(%arg5 : memref<125x16xf32, #tpu.memory_space<vmem>>) target(%dma_start3A_74 : memref<10240x16xf32, #tpu.memory_space<vmem_shared>>) offsets(%dma_start3A_71 : memref<125xi32, #tpu.memory_space<vmem>>) semaphore(%arg8 : memref<!tpu.dma_semaphore, #tpu.memory_space<semaphore_mem>>) {add = true}
      %mul3A_75 = arith.constant 5 : i32
      %mul3A_76 = arith.muli %mul3A_75, %scan3A_63 : i32
      %add3A_77 = arith.constant 1 : i32
      %add3A_78 = arith.addi %mul3A_76, %add3A_77 : i32
      %gt3A_79 = arith.constant 0 : i32
      %gt3A_80 = arith.cmpi sgt, %scan3A_63, %gt3A_79 : i32
      %convert_element_type3A_81 = arith.extui %gt3A_80 : i1 to i32
      %cond3A_82 = arith.constant 0 : i32
      %cond3A_83 = arith.cmpi ne, %convert_element_type3A_81, %cond3A_82 : i32
      scf.if %cond3A_83 {
        %dma_wait3A_135 = arith.constant 0 : i32
        %dma_wait3A_136 = arith.constant 0 : i32
        %dma_wait3A_137 = tpu.memref_slice %arg4[%dma_wait3A_135, %dma_wait3A_136] : memref<80x125xi32, #tpu.memory_space<vmem>> -> memref<1x125xi32, #tpu.memory_space<vmem>>
        %dma_wait3A_138 = tpu.memref_squeeze %dma_wait3A_137 : memref<1x125xi32, #tpu.memory_space<vmem>> -> memref<125xi32, #tpu.memory_space<vmem>>
        %dma_wait3A_139 = arith.constant 0 : i32
        %dma_wait3A_140 = arith.constant 0 : i32
        %dma_wait3A_141 = tpu.memref_slice %arg7[%dma_wait3A_139, %dma_wait3A_140] : memref<10240x16xf32, #tpu.memory_space<vmem_shared>> -> memref<10240x16xf32, #tpu.memory_space<vmem_shared>>
        tpu.wait_indirect_dma semaphore(%arg9 : memref<!tpu.dma_semaphore, #tpu.memory_space<semaphore_mem>>) src(%arg5 : memref<125x16xf32, #tpu.memory_space<vmem>>) dst(%dma_wait3A_141 : memref<10240x16xf32, #tpu.memory_space<vmem_shared>>)
      } else {
      }
      %dma_start3A_84 = arith.constant 0 : i32
      %dma_start3A_85 = tpu.memref_slice %arg4[%add3A_78, %dma_start3A_84] : memref<80x125xi32, #tpu.memory_space<vmem>> -> memref<1x125xi32, #tpu.memory_space<vmem>>
      %dma_start3A_86 = tpu.memref_squeeze %dma_start3A_85 : memref<1x125xi32, #tpu.memory_space<vmem>> -> memref<125xi32, #tpu.memory_space<vmem>>
      %dma_start3A_87 = arith.constant 0 : i32
      %dma_start3A_88 = arith.constant 0 : i32
      %dma_start3A_89 = tpu.memref_slice %arg7[%dma_start3A_87, %dma_start3A_88] : memref<10240x16xf32, #tpu.memory_space<vmem_shared>> -> memref<10240x16xf32, #tpu.memory_space<vmem_shared>>
      tpu.enqueue_indirect_dma source(%arg5 : memref<125x16xf32, #tpu.memory_space<vmem>>) target(%dma_start3A_89 : memref<10240x16xf32, #tpu.memory_space<vmem_shared>>) offsets(%dma_start3A_86 : memref<125xi32, #tpu.memory_space<vmem>>) semaphore(%arg9 : memref<!tpu.dma_semaphore, #tpu.memory_space<semaphore_mem>>) {add = true}
      %mul3A_90 = arith.constant 5 : i32
      %mul3A_91 = arith.muli %mul3A_90, %scan3A_63 : i32
      %add3A_92 = arith.constant 2 : i32
      %add3A_93 = arith.addi %mul3A_91, %add3A_92 : i32
      %gt3A_94 = arith.constant 0 : i32
      %gt3A_95 = arith.cmpi sgt, %scan3A_63, %gt3A_94 : i32
      %convert_element_type3A_96 = arith.extui %gt3A_95 : i1 to i32
      %cond3A_97 = arith.constant 0 : i32
      %cond3A_98 = arith.cmpi ne, %convert_element_type3A_96, %cond3A_97 : i32
      scf.if %cond3A_98 {
        %dma_wait3A_135 = arith.constant 0 : i32
        %dma_wait3A_136 = arith.constant 0 : i32
        %dma_wait3A_137 = tpu.memref_slice %arg4[%dma_wait3A_135, %dma_wait3A_136] : memref<80x125xi32, #tpu.memory_space<vmem>> -> memref<1x125xi32, #tpu.memory_space<vmem>>
        %dma_wait3A_138 = tpu.memref_squeeze %dma_wait3A_137 : memref<1x125xi32, #tpu.memory_space<vmem>> -> memref<125xi32, #tpu.memory_space<vmem>>
        %dma_wait3A_139 = arith.constant 0 : i32
        %dma_wait3A_140 = arith.constant 0 : i32
        %dma_wait3A_141 = tpu.memref_slice %arg7[%dma_wait3A_139, %dma_wait3A_140] : memref<10240x16xf32, #tpu.memory_space<vmem_shared>> -> memref<10240x16xf32, #tpu.memory_space<vmem_shared>>
        tpu.wait_indirect_dma semaphore(%arg10 : memref<!tpu.dma_semaphore, #tpu.memory_space<semaphore_mem>>) src(%arg5 : memref<125x16xf32, #tpu.memory_space<vmem>>) dst(%dma_wait3A_141 : memref<10240x16xf32, #tpu.memory_space<vmem_shared>>)
      } else {
      }
      %dma_start3A_99 = arith.constant 0 : i32
      %dma_start3A_100 = tpu.memref_slice %arg4[%add3A_93, %dma_start3A_99] : memref<80x125xi32, #tpu.memory_space<vmem>> -> memref<1x125xi32, #tpu.memory_space<vmem>>
      %dma_start3A_101 = tpu.memref_squeeze %dma_start3A_100 : memref<1x125xi32, #tpu.memory_space<vmem>> -> memref<125xi32, #tpu.memory_space<vmem>>
      %dma_start3A_102 = arith.constant 0 : i32
      %dma_start3A_103 = arith.constant 0 : i32
      %dma_start3A_104 = tpu.memref_slice %arg7[%dma_start3A_102, %dma_start3A_103] : memref<10240x16xf32, #tpu.memory_space<vmem_shared>> -> memref<10240x16xf32, #tpu.memory_space<vmem_shared>>
      tpu.enqueue_indirect_dma source(%arg5 : memref<125x16xf32, #tpu.memory_space<vmem>>) target(%dma_start3A_104 : memref<10240x16xf32, #tpu.memory_space<vmem_shared>>) offsets(%dma_start3A_101 : memref<125xi32, #tpu.memory_space<vmem>>) semaphore(%arg10 : memref<!tpu.dma_semaphore, #tpu.memory_space<semaphore_mem>>) {add = true}
      %mul3A_105 = arith.constant 5 : i32
      %mul3A_106 = arith.muli %mul3A_105, %scan3A_63 : i32
      %add3A_107 = arith.constant 3 : i32
      %add3A_108 = arith.addi %mul3A_106, %add3A_107 : i32
      %gt3A_109 = arith.constant 0 : i32
      %gt3A_110 = arith.cmpi sgt, %scan3A_63, %gt3A_109 : i32
      %convert_element_type3A_111 = arith.extui %gt3A_110 : i1 to i32
      %cond3A_112 = arith.constant 0 : i32
      %cond3A_113 = arith.cmpi ne, %convert_element_type3A_111, %cond3A_112 : i32
      scf.if %cond3A_113 {
        %dma_wait3A_135 = arith.constant 0 : i32
        %dma_wait3A_136 = arith.constant 0 : i32
        %dma_wait3A_137 = tpu.memref_slice %arg4[%dma_wait3A_135, %dma_wait3A_136] : memref<80x125xi32, #tpu.memory_space<vmem>> -> memref<1x125xi32, #tpu.memory_space<vmem>>
        %dma_wait3A_138 = tpu.memref_squeeze %dma_wait3A_137 : memref<1x125xi32, #tpu.memory_space<vmem>> -> memref<125xi32, #tpu.memory_space<vmem>>
        %dma_wait3A_139 = arith.constant 0 : i32
        %dma_wait3A_140 = arith.constant 0 : i32
        %dma_wait3A_141 = tpu.memref_slice %arg7[%dma_wait3A_139, %dma_wait3A_140] : memref<10240x16xf32, #tpu.memory_space<vmem_shared>> -> memref<10240x16xf32, #tpu.memory_space<vmem_shared>>
        tpu.wait_indirect_dma semaphore(%arg11 : memref<!tpu.dma_semaphore, #tpu.memory_space<semaphore_mem>>) src(%arg5 : memref<125x16xf32, #tpu.memory_space<vmem>>) dst(%dma_wait3A_141 : memref<10240x16xf32, #tpu.memory_space<vmem_shared>>)
      } else {
      }
      %dma_start3A_114 = arith.constant 0 : i32
      %dma_start3A_115 = tpu.memref_slice %arg4[%add3A_108, %dma_start3A_114] : memref<80x125xi32, #tpu.memory_space<vmem>> -> memref<1x125xi32, #tpu.memory_space<vmem>>
      %dma_start3A_116 = tpu.memref_squeeze %dma_start3A_115 : memref<1x125xi32, #tpu.memory_space<vmem>> -> memref<125xi32, #tpu.memory_space<vmem>>
      %dma_start3A_117 = arith.constant 0 : i32
      %dma_start3A_118 = arith.constant 0 : i32
      %dma_start3A_119 = tpu.memref_slice %arg7[%dma_start3A_117, %dma_start3A_118] : memref<10240x16xf32, #tpu.memory_space<vmem_shared>> -> memref<10240x16xf32, #tpu.memory_space<vmem_shared>>
      tpu.enqueue_indirect_dma source(%arg5 : memref<125x16xf32, #tpu.memory_space<vmem>>) target(%dma_start3A_119 : memref<10240x16xf32, #tpu.memory_space<vmem_shared>>) offsets(%dma_start3A_116 : memref<125xi32, #tpu.memory_space<vmem>>) semaphore(%arg11 : memref<!tpu.dma_semaphore, #tpu.memory_space<semaphore_mem>>) {add = true}
      %mul3A_120 = arith.constant 5 : i32
      %mul3A_121 = arith.muli %mul3A_120, %scan3A_63 : i32
      %add3A_122 = arith.constant 4 : i32
      %add3A_123 = arith.addi %mul3A_121, %add3A_122 : i32
      %gt3A_124 = arith.constant 0 : i32
      %gt3A_125 = arith.cmpi sgt, %scan3A_63, %gt3A_124 : i32
      %convert_element_type3A_126 = arith.extui %gt3A_125 : i1 to i32
      %cond3A_127 = arith.constant 0 : i32
      %cond3A_128 = arith.cmpi ne, %convert_element_type3A_126, %cond3A_127 : i32
      scf.if %cond3A_128 {
        %dma_wait3A_135 = arith.constant 0 : i32
        %dma_wait3A_136 = arith.constant 0 : i32
        %dma_wait3A_137 = tpu.memref_slice %arg4[%dma_wait3A_135, %dma_wait3A_136] : memref<80x125xi32, #tpu.memory_space<vmem>> -> memref<1x125xi32, #tpu.memory_space<vmem>>
        %dma_wait3A_138 = tpu.memref_squeeze %dma_wait3A_137 : memref<1x125xi32, #tpu.memory_space<vmem>> -> memref<125xi32, #tpu.memory_space<vmem>>
        %dma_wait3A_139 = arith.constant 0 : i32
        %dma_wait3A_140 = arith.constant 0 : i32
        %dma_wait3A_141 = tpu.memref_slice %arg7[%dma_wait3A_139, %dma_wait3A_140] : memref<10240x16xf32, #tpu.memory_space<vmem_shared>> -> memref<10240x16xf32, #tpu.memory_space<vmem_shared>>
        tpu.wait_indirect_dma semaphore(%arg12 : memref<!tpu.dma_semaphore, #tpu.memory_space<semaphore_mem>>) src(%arg5 : memref<125x16xf32, #tpu.memory_space<vmem>>) dst(%dma_wait3A_141 : memref<10240x16xf32, #tpu.memory_space<vmem_shared>>)
      } else {
      }
      %dma_start3A_129 = arith.constant 0 : i32
      %dma_start3A_130 = tpu.memref_slice %arg4[%add3A_123, %dma_start3A_129] : memref<80x125xi32, #tpu.memory_space<vmem>> -> memref<1x125xi32, #tpu.memory_space<vmem>>
      %dma_start3A_131 = tpu.memref_squeeze %dma_start3A_130 : memref<1x125xi32, #tpu.memory_space<vmem>> -> memref<125xi32, #tpu.memory_space<vmem>>
      %dma_start3A_132 = arith.constant 0 : i32
      %dma_start3A_133 = arith.constant 0 : i32
      %dma_start3A_134 = tpu.memref_slice %arg7[%dma_start3A_132, %dma_start3A_133] : memref<10240x16xf32, #tpu.memory_space<vmem_shared>> -> memref<10240x16xf32, #tpu.memory_space<vmem_shared>>
      tpu.enqueue_indirect_dma source(%arg5 : memref<125x16xf32, #tpu.memory_space<vmem>>) target(%dma_start3A_134 : memref<10240x16xf32, #tpu.memory_space<vmem_shared>>) offsets(%dma_start3A_131 : memref<125xi32, #tpu.memory_space<vmem>>) semaphore(%arg12 : memref<!tpu.dma_semaphore, #tpu.memory_space<semaphore_mem>>) {add = true}
    }
    %scan3A_23 = arith.constant 16 : i32
    %dma_wait3A = arith.constant 0 : i32
    %dma_wait3A_24 = arith.constant 0 : i32
    %dma_wait3A_25 = tpu.memref_slice %arg4[%dma_wait3A, %dma_wait3A_24] : memref<80x125xi32, #tpu.memory_space<vmem>> -> memref<1x125xi32, #tpu.memory_space<vmem>>
    %dma_wait3A_26 = tpu.memref_squeeze %dma_wait3A_25 : memref<1x125xi32, #tpu.memory_space<vmem>> -> memref<125xi32, #tpu.memory_space<vmem>>
    %dma_wait3A_27 = arith.constant 0 : i32
    %dma_wait3A_28 = arith.constant 0 : i32
    %dma_wait3A_29 = tpu.memref_slice %arg7[%dma_wait3A_27, %dma_wait3A_28] : memref<10240x16xf32, #tpu.memory_space<vmem_shared>> -> memref<10240x16xf32, #tpu.memory_space<vmem_shared>>
    tpu.wait_indirect_dma semaphore(%arg8 : memref<!tpu.dma_semaphore, #tpu.memory_space<semaphore_mem>>) src(%arg5 : memref<125x16xf32, #tpu.memory_space<vmem>>) dst(%dma_wait3A_29 : memref<10240x16xf32, #tpu.memory_space<vmem_shared>>)
    %dma_wait3A_30 = arith.constant 0 : i32
    %dma_wait3A_31 = arith.constant 0 : i32
    %dma_wait3A_32 = tpu.memref_slice %arg4[%dma_wait3A_30, %dma_wait3A_31] : memref<80x125xi32, #tpu.memory_space<vmem>> -> memref<1x125xi32, #tpu.memory_space<vmem>>
    %dma_wait3A_33 = tpu.memref_squeeze %dma_wait3A_32 : memref<1x125xi32, #tpu.memory_space<vmem>> -> memref<125xi32, #tpu.memory_space<vmem>>
    %dma_wait3A_34 = arith.constant 0 : i32
    %dma_wait3A_35 = arith.constant 0 : i32
    %dma_wait3A_36 = tpu.memref_slice %arg7[%dma_wait3A_34, %dma_wait3A_35] : memref<10240x16xf32, #tpu.memory_space<vmem_shared>> -> memref<10240x16xf32, #tpu.memory_space<vmem_shared>>
    tpu.wait_indirect_dma semaphore(%arg9 : memref<!tpu.dma_semaphore, #tpu.memory_space<semaphore_mem>>) src(%arg5 : memref<125x16xf32, #tpu.memory_space<vmem>>) dst(%dma_wait3A_36 : memref<10240x16xf32, #tpu.memory_space<vmem_shared>>)
    %dma_wait3A_37 = arith.constant 0 : i32
    %dma_wait3A_38 = arith.constant 0 : i32
    %dma_wait3A_39 = tpu.memref_slice %arg4[%dma_wait3A_37, %dma_wait3A_38] : memref<80x125xi32, #tpu.memory_space<vmem>> -> memref<1x125xi32, #tpu.memory_space<vmem>>
    %dma_wait3A_40 = tpu.memref_squeeze %dma_wait3A_39 : memref<1x125xi32, #tpu.memory_space<vmem>> -> memref<125xi32, #tpu.memory_space<vmem>>
    %dma_wait3A_41 = arith.constant 0 : i32
    %dma_wait3A_42 = arith.constant 0 : i32
    %dma_wait3A_43 = tpu.memref_slice %arg7[%dma_wait3A_41, %dma_wait3A_42] : memref<10240x16xf32, #tpu.memory_space<vmem_shared>> -> memref<10240x16xf32, #tpu.memory_space<vmem_shared>>
    tpu.wait_indirect_dma semaphore(%arg10 : memref<!tpu.dma_semaphore, #tpu.memory_space<semaphore_mem>>) src(%arg5 : memref<125x16xf32, #tpu.memory_space<vmem>>) dst(%dma_wait3A_43 : memref<10240x16xf32, #tpu.memory_space<vmem_shared>>)
    %dma_wait3A_44 = arith.constant 0 : i32
    %dma_wait3A_45 = arith.constant 0 : i32
    %dma_wait3A_46 = tpu.memref_slice %arg4[%dma_wait3A_44, %dma_wait3A_45] : memref<80x125xi32, #tpu.memory_space<vmem>> -> memref<1x125xi32, #tpu.memory_space<vmem>>
    %dma_wait3A_47 = tpu.memref_squeeze %dma_wait3A_46 : memref<1x125xi32, #tpu.memory_space<vmem>> -> memref<125xi32, #tpu.memory_space<vmem>>
    %dma_wait3A_48 = arith.constant 0 : i32
    %dma_wait3A_49 = arith.constant 0 : i32
    %dma_wait3A_50 = tpu.memref_slice %arg7[%dma_wait3A_48, %dma_wait3A_49] : memref<10240x16xf32, #tpu.memory_space<vmem_shared>> -> memref<10240x16xf32, #tpu.memory_space<vmem_shared>>
    tpu.wait_indirect_dma semaphore(%arg11 : memref<!tpu.dma_semaphore, #tpu.memory_space<semaphore_mem>>) src(%arg5 : memref<125x16xf32, #tpu.memory_space<vmem>>) dst(%dma_wait3A_50 : memref<10240x16xf32, #tpu.memory_space<vmem_shared>>)
    %dma_wait3A_51 = arith.constant 0 : i32
    %dma_wait3A_52 = arith.constant 0 : i32
    %dma_wait3A_53 = tpu.memref_slice %arg4[%dma_wait3A_51, %dma_wait3A_52] : memref<80x125xi32, #tpu.memory_space<vmem>> -> memref<1x125xi32, #tpu.memory_space<vmem>>
    %dma_wait3A_54 = tpu.memref_squeeze %dma_wait3A_53 : memref<1x125xi32, #tpu.memory_space<vmem>> -> memref<125xi32, #tpu.memory_space<vmem>>
    %dma_wait3A_55 = arith.constant 0 : i32
    %dma_wait3A_56 = arith.constant 0 : i32
    %dma_wait3A_57 = tpu.memref_slice %arg7[%dma_wait3A_55, %dma_wait3A_56] : memref<10240x16xf32, #tpu.memory_space<vmem_shared>> -> memref<10240x16xf32, #tpu.memory_space<vmem_shared>>
    tpu.wait_indirect_dma semaphore(%arg12 : memref<!tpu.dma_semaphore, #tpu.memory_space<semaphore_mem>>) src(%arg5 : memref<125x16xf32, #tpu.memory_space<vmem>>) dst(%dma_wait3A_57 : memref<10240x16xf32, #tpu.memory_space<vmem_shared>>)
    %barrier3A_58 = arith.constant 0 : index
    tpu.barrier barrier_id(%barrier3A_58)
    %mul3A_59 = arith.constant 640 : i32
    %mul3A_60 = arith.muli %arg1, %mul3A_59 : i32
    %mul3A_61 = arith.constant 640 : i32
    %mul3A_62 = arith.muli %arg1, %mul3A_61 : i32
    "tpu.region"() ({
      %run_scoped3A_63 = tpu.sem_alloc : memref<!tpu.dma_semaphore, #tpu.memory_space<semaphore_mem>>
      %dma_start3A = arith.constant 0 : i32
      %dma_start3A_64 = tpu.memref_slice %arg3[%arg0, %mul3A_62, %dma_start3A] : memref<2x10240x16xf32, #tpu.memory_space<hbm>> -> memref<1x640x16xf32, #tpu.memory_space<hbm>>
      %dma_start3A_65 = tpu.memref_squeeze %dma_start3A_64 : memref<1x640x16xf32, #tpu.memory_space<hbm>> -> memref<640x16xf32, #tpu.memory_space<hbm>>
      %dma_start3A_66 = arith.constant 0 : i32
      %dma_start3A_67 = tpu.memref_slice %arg7[%mul3A_60, %dma_start3A_66] : memref<10240x16xf32, #tpu.memory_space<vmem_shared>> -> memref<640x16xf32, #tpu.memory_space<vmem_shared>>
      tpu.enqueue_dma source(%dma_start3A_67 : memref<640x16xf32, #tpu.memory_space<vmem_shared>>) target(%dma_start3A_65 : memref<640x16xf32, #tpu.memory_space<hbm>>) target_semaphore(%run_scoped3A_63 : memref<!tpu.dma_semaphore, #tpu.memory_space<semaphore_mem>>)
      %dma_wait3A_68 = arith.constant 0 : i32
      %dma_wait3A_69 = tpu.memref_slice %arg3[%arg0, %mul3A_62, %dma_wait3A_68] : memref<2x10240x16xf32, #tpu.memory_space<hbm>> -> memref<1x640x16xf32, #tpu.memory_space<hbm>>
      %dma_wait3A_70 = tpu.memref_squeeze %dma_wait3A_69 : memref<1x640x16xf32, #tpu.memory_space<hbm>> -> memref<640x16xf32, #tpu.memory_space<hbm>>
      %dma_wait3A_71 = arith.constant 0 : i32
      %dma_wait3A_72 = tpu.memref_slice %arg7[%mul3A_60, %dma_wait3A_71] : memref<10240x16xf32, #tpu.memory_space<vmem_shared>> -> memref<640x16xf32, #tpu.memory_space<vmem_shared>>
      tpu.wait_dma2 semaphore(%run_scoped3A_63 : memref<!tpu.dma_semaphore, #tpu.memory_space<semaphore_mem>>) src(%dma_wait3A_72 : memref<640x16xf32, #tpu.memory_space<vmem_shared>>) dst(%dma_wait3A_70 : memref<640x16xf32, #tpu.memory_space<hbm>>)
      tpu.yield
    }) : () -> ()
    return
  }
}

#map = affine_map<(d0, d1) -> (0, 0)>
#map1 = affine_map<(d0, d1) -> (0, 0, 0, 0)>
#map2 = affine_map<(d0, d1) -> (0, 0, 0)>
module attributes {stable_mosaic.version = 14 : i64} {
  func.func @prop(%arg0: i32, %arg1: i32, %arg2: memref<10000x64xf32, #tpu.memory_space<hbm>>, %arg3: memref<2x32x80x125xi32, #tpu.memory_space<hbm>>, %arg4: memref<2x10240x64xf32, #tpu.memory_space<hbm>>, %arg5: memref<80x125xi32, #tpu.memory_space<vmem>>, %arg6: memref<80x125xi32, #tpu.memory_space<vmem>>, %arg7: memref<125x64xf32, #tpu.memory_space<vmem>>, %arg8: memref<125x64xf32, #tpu.memory_space<vmem>>, %arg9: memref<125x64xf32, #tpu.memory_space<vmem>>, %arg10: memref<125x64xf32, #tpu.memory_space<vmem>>, %arg11: memref<125x64xf32, #tpu.memory_space<vmem>>, %arg12: memref<125x64xf32, #tpu.memory_space<vmem>>, %arg13: memref<125x64xf32, #tpu.memory_space<vmem>>, %arg14: memref<125x64xf32, #tpu.memory_space<vmem>>, %arg15: memref<128x64xf32, #tpu.memory_space<vmem>>, %arg16: memref<10240x64xf32, #tpu.memory_space<vmem_shared>>, %arg17: memref<!tpu.dma_semaphore, #tpu.memory_space<semaphore_mem>>, %arg18: memref<!tpu.dma_semaphore, #tpu.memory_space<semaphore_mem>>, %arg19: memref<!tpu.dma_semaphore, #tpu.memory_space<semaphore_mem>>, %arg20: memref<!tpu.dma_semaphore, #tpu.memory_space<semaphore_mem>>, %arg21: memref<!tpu.dma_semaphore, #tpu.memory_space<semaphore_mem>>, %arg22: memref<!tpu.dma_semaphore, #tpu.memory_space<semaphore_mem>>, %arg23: memref<!tpu.dma_semaphore, #tpu.memory_space<semaphore_mem>>, %arg24: memref<!tpu.dma_semaphore, #tpu.memory_space<semaphore_mem>>, %arg25: memref<!tpu.dma_semaphore, #tpu.memory_space<semaphore_mem>>, %arg26: memref<!tpu.dma_semaphore, #tpu.memory_space<semaphore_mem>>) attributes {dimension_semantics = [#tpu.dimension_semantics<core_parallel>, #tpu.dimension_semantics<subcore_parallel>], iteration_bounds = array<i64: 2, 16>, scalar_prefetch = 0 : i64, scratch_operands = 22 : i64, tpu.core_type = #tpu.core_type<sc_vector_subcore>, window_params = [{transform_indices = #map}, {transform_indices = #map1}, {transform_indices = #map2}]} {
    %mul3A = arith.constant 16 : i32
    %mul3A_0 = arith.muli %arg0, %mul3A : i32
    %add3A = arith.addi %mul3A_0, %arg1 : i32
    %run_scoped3A = arith.constant 0 : i32
    "tpu.region"() ({
      %run_scoped3A_92 = tpu.sem_alloc : memref<!tpu.dma_semaphore, #tpu.memory_space<semaphore_mem>>
      %dma_start3A_93 = arith.constant 0 : i32
      %dma_start3A_94 = arith.constant 0 : i32
      %dma_start3A_95 = tpu.memref_slice %arg3[%run_scoped3A, %add3A, %dma_start3A_93, %dma_start3A_94] : memref<2x32x80x125xi32, #tpu.memory_space<hbm>> -> memref<1x1x80x125xi32, #tpu.memory_space<hbm>>
      %dma_start3A_96 = tpu.memref_squeeze %dma_start3A_95 : memref<1x1x80x125xi32, #tpu.memory_space<hbm>> -> memref<80x125xi32, #tpu.memory_space<hbm>>
      %dma_start3A_97 = arith.constant 0 : i32
      %dma_start3A_98 = arith.constant 0 : i32
      %dma_start3A_99 = tpu.memref_slice %arg3[%run_scoped3A, %add3A, %dma_start3A_97, %dma_start3A_98] : memref<2x32x80x125xi32, #tpu.memory_space<hbm>> -> memref<1x1x80x125xi32, #tpu.memory_space<hbm>>
      %dma_start3A_100 = tpu.memref_squeeze %dma_start3A_99 : memref<1x1x80x125xi32, #tpu.memory_space<hbm>> -> memref<80x125xi32, #tpu.memory_space<hbm>>
      tpu.enqueue_dma source(%dma_start3A_100 : memref<80x125xi32, #tpu.memory_space<hbm>>) target(%arg5 : memref<80x125xi32, #tpu.memory_space<vmem>>) target_semaphore(%run_scoped3A_92 : memref<!tpu.dma_semaphore, #tpu.memory_space<semaphore_mem>>)
      %dma_wait3A_101 = arith.constant 0 : i32
      %dma_wait3A_102 = arith.constant 0 : i32
      %dma_wait3A_103 = tpu.memref_slice %arg3[%run_scoped3A, %add3A, %dma_wait3A_101, %dma_wait3A_102] : memref<2x32x80x125xi32, #tpu.memory_space<hbm>> -> memref<1x1x80x125xi32, #tpu.memory_space<hbm>>
      %dma_wait3A_104 = tpu.memref_squeeze %dma_wait3A_103 : memref<1x1x80x125xi32, #tpu.memory_space<hbm>> -> memref<80x125xi32, #tpu.memory_space<hbm>>
      %dma_wait3A_105 = arith.constant 0 : i32
      %dma_wait3A_106 = arith.constant 0 : i32
      %dma_wait3A_107 = tpu.memref_slice %arg3[%run_scoped3A, %add3A, %dma_wait3A_105, %dma_wait3A_106] : memref<2x32x80x125xi32, #tpu.memory_space<hbm>> -> memref<1x1x80x125xi32, #tpu.memory_space<hbm>>
      %dma_wait3A_108 = tpu.memref_squeeze %dma_wait3A_107 : memref<1x1x80x125xi32, #tpu.memory_space<hbm>> -> memref<80x125xi32, #tpu.memory_space<hbm>>
      tpu.wait_dma2 semaphore(%run_scoped3A_92 : memref<!tpu.dma_semaphore, #tpu.memory_space<semaphore_mem>>) src(%dma_wait3A_108 : memref<80x125xi32, #tpu.memory_space<hbm>>) dst(%arg5 : memref<80x125xi32, #tpu.memory_space<vmem>>)
      tpu.yield
    }) : () -> ()
    %run_scoped3A_1 = arith.constant 1 : i32
    "tpu.region"() ({
      %run_scoped3A_92 = tpu.sem_alloc : memref<!tpu.dma_semaphore, #tpu.memory_space<semaphore_mem>>
      %dma_start3A_93 = arith.constant 0 : i32
      %dma_start3A_94 = arith.constant 0 : i32
      %dma_start3A_95 = tpu.memref_slice %arg3[%run_scoped3A_1, %add3A, %dma_start3A_93, %dma_start3A_94] : memref<2x32x80x125xi32, #tpu.memory_space<hbm>> -> memref<1x1x80x125xi32, #tpu.memory_space<hbm>>
      %dma_start3A_96 = tpu.memref_squeeze %dma_start3A_95 : memref<1x1x80x125xi32, #tpu.memory_space<hbm>> -> memref<80x125xi32, #tpu.memory_space<hbm>>
      %dma_start3A_97 = arith.constant 0 : i32
      %dma_start3A_98 = arith.constant 0 : i32
      %dma_start3A_99 = tpu.memref_slice %arg3[%run_scoped3A_1, %add3A, %dma_start3A_97, %dma_start3A_98] : memref<2x32x80x125xi32, #tpu.memory_space<hbm>> -> memref<1x1x80x125xi32, #tpu.memory_space<hbm>>
      %dma_start3A_100 = tpu.memref_squeeze %dma_start3A_99 : memref<1x1x80x125xi32, #tpu.memory_space<hbm>> -> memref<80x125xi32, #tpu.memory_space<hbm>>
      tpu.enqueue_dma source(%dma_start3A_100 : memref<80x125xi32, #tpu.memory_space<hbm>>) target(%arg6 : memref<80x125xi32, #tpu.memory_space<vmem>>) target_semaphore(%run_scoped3A_92 : memref<!tpu.dma_semaphore, #tpu.memory_space<semaphore_mem>>)
      %dma_wait3A_101 = arith.constant 0 : i32
      %dma_wait3A_102 = arith.constant 0 : i32
      %dma_wait3A_103 = tpu.memref_slice %arg3[%run_scoped3A_1, %add3A, %dma_wait3A_101, %dma_wait3A_102] : memref<2x32x80x125xi32, #tpu.memory_space<hbm>> -> memref<1x1x80x125xi32, #tpu.memory_space<hbm>>
      %dma_wait3A_104 = tpu.memref_squeeze %dma_wait3A_103 : memref<1x1x80x125xi32, #tpu.memory_space<hbm>> -> memref<80x125xi32, #tpu.memory_space<hbm>>
      %dma_wait3A_105 = arith.constant 0 : i32
      %dma_wait3A_106 = arith.constant 0 : i32
      %dma_wait3A_107 = tpu.memref_slice %arg3[%run_scoped3A_1, %add3A, %dma_wait3A_105, %dma_wait3A_106] : memref<2x32x80x125xi32, #tpu.memory_space<hbm>> -> memref<1x1x80x125xi32, #tpu.memory_space<hbm>>
      %dma_wait3A_108 = tpu.memref_squeeze %dma_wait3A_107 : memref<1x1x80x125xi32, #tpu.memory_space<hbm>> -> memref<80x125xi32, #tpu.memory_space<hbm>>
      tpu.wait_dma2 semaphore(%run_scoped3A_92 : memref<!tpu.dma_semaphore, #tpu.memory_space<semaphore_mem>>) src(%dma_wait3A_108 : memref<80x125xi32, #tpu.memory_space<hbm>>) dst(%arg6 : memref<80x125xi32, #tpu.memory_space<vmem>>)
      tpu.yield
    }) : () -> ()
    %scan3A = arith.constant 0 : i32
    %scan3A_2 = arith.constant 0 : i32
    %scan3A_3 = arith.constant 128 : i32
    %scan3A_4 = arith.addi %scan3A_2, %scan3A_3 : i32
    %scan3A_5 = arith.constant 1 : i32
    scf.for %scan3A_92 = %scan3A_2 to %scan3A_4 step %scan3A_5  : i32 {
      %scan3A_93 = arith.constant 0 : i32
      %scan3A_94 = arith.constant 4 : i32
      %scan3A_95 = arith.addi %scan3A_93, %scan3A_94 : i32
      %scan3A_96 = arith.constant 1 : i32
      scf.for %scan3A_98 = %scan3A_93 to %scan3A_95 step %scan3A_96  : i32 {
        %broadcast_in_dim3A = arith.constant 0.000000e+00 : f32
        %broadcast_in_dim3A_99 = vector.broadcast %broadcast_in_dim3A : f32 to vector<16xf32>
        %mul3A_100 = arith.constant 16 : i32
        %mul3A_101 = arith.muli %scan3A_98, %mul3A_100 : i32
        %swap3A = arith.index_cast %scan3A_92 : i32 to index
        %swap3A_102 = arith.index_cast %mul3A_101 : i32 to index
        %swap3A_103 = tpu.vector_load %arg15[%swap3A, %swap3A_102] {strides = array<i32>} : memref<128x64xf32, #tpu.memory_space<vmem>>, vector<1x16xf32>,
        %swap3A_104 = vector.shape_cast %swap3A_103 : vector<1x16xf32> to vector<16xf32>
        %swap3A_105 = vector.shape_cast %broadcast_in_dim3A_99 : vector<16xf32> to vector<1x16xf32>
        tpu.vector_store %arg15[%swap3A, %swap3A_102], %swap3A_105 {strides = array<i32>} : memref<128x64xf32, #tpu.memory_space<vmem>>, vector<1x16xf32>,
      }
      %scan3A_97 = arith.constant 4 : i32
    }
    %scan3A_6 = arith.constant 128 : i32
    %scan3A_7 = arith.constant 0 : i32
    %scan3A_8 = arith.constant 0 : i32
    %scan3A_9 = arith.constant 5 : i32
    %scan3A_10 = arith.addi %scan3A_8, %scan3A_9 : i32
    %scan3A_11 = arith.constant 1 : i32
    scf.for %scan3A_92 = %scan3A_8 to %scan3A_10 step %scan3A_11  : i32 {
      %mul3A_93 = arith.constant 640 : i32
      %mul3A_94 = arith.muli %arg1, %mul3A_93 : i32
      %mul3A_95 = arith.constant 128 : i32
      %mul3A_96 = arith.muli %scan3A_92, %mul3A_95 : i32
      %add3A_97 = arith.addi %mul3A_94, %mul3A_96 : i32
      "tpu.region"() ({
        %run_scoped3A_98 = tpu.sem_alloc : memref<!tpu.dma_semaphore, #tpu.memory_space<semaphore_mem>>
        %dma_start3A_99 = arith.constant 0 : i32
        %dma_start3A_100 = tpu.memref_slice %arg16[%add3A_97, %dma_start3A_99] : memref<10240x64xf32, #tpu.memory_space<vmem_shared>> -> memref<128x64xf32, #tpu.memory_space<vmem_shared>>
        %dma_start3A_101 = arith.constant 0 : i32
        %dma_start3A_102 = tpu.memref_slice %arg16[%add3A_97, %dma_start3A_101] : memref<10240x64xf32, #tpu.memory_space<vmem_shared>> -> memref<128x64xf32, #tpu.memory_space<vmem_shared>>
        tpu.enqueue_dma source(%arg15 : memref<128x64xf32, #tpu.memory_space<vmem>>) target(%dma_start3A_102 : memref<128x64xf32, #tpu.memory_space<vmem_shared>>) target_semaphore(%run_scoped3A_98 : memref<!tpu.dma_semaphore, #tpu.memory_space<semaphore_mem>>)
        %dma_wait3A_103 = arith.constant 0 : i32
        %dma_wait3A_104 = tpu.memref_slice %arg16[%add3A_97, %dma_wait3A_103] : memref<10240x64xf32, #tpu.memory_space<vmem_shared>> -> memref<128x64xf32, #tpu.memory_space<vmem_shared>>
        %dma_wait3A_105 = arith.constant 0 : i32
        %dma_wait3A_106 = tpu.memref_slice %arg16[%add3A_97, %dma_wait3A_105] : memref<10240x64xf32, #tpu.memory_space<vmem_shared>> -> memref<128x64xf32, #tpu.memory_space<vmem_shared>>
        tpu.wait_dma2 semaphore(%run_scoped3A_98 : memref<!tpu.dma_semaphore, #tpu.memory_space<semaphore_mem>>) src(%arg15 : memref<128x64xf32, #tpu.memory_space<vmem>>) dst(%dma_wait3A_106 : memref<128x64xf32, #tpu.memory_space<vmem_shared>>)
        tpu.yield
      }) : () -> ()
    }
    %scan3A_12 = arith.constant 5 : i32
    %barrier3A = arith.constant 0 : index
    tpu.barrier barrier_id(%barrier3A)
    %dma_start3A = arith.constant 0 : i32
    %dma_start3A_13 = arith.constant 0 : i32
    %dma_start3A_14 = tpu.memref_slice %arg5[%dma_start3A, %dma_start3A_13] : memref<80x125xi32, #tpu.memory_space<vmem>> -> memref<1x125xi32, #tpu.memory_space<vmem>>
    %dma_start3A_15 = tpu.memref_squeeze %dma_start3A_14 : memref<1x125xi32, #tpu.memory_space<vmem>> -> memref<125xi32, #tpu.memory_space<vmem>>
    %dma_start3A_16 = arith.constant 0 : i32
    %dma_start3A_17 = arith.constant 0 : i32
    %dma_start3A_18 = tpu.memref_slice %arg2[%dma_start3A_16, %dma_start3A_17] : memref<10000x64xf32, #tpu.memory_space<hbm>> -> memref<10000x64xf32, #tpu.memory_space<hbm>>
    tpu.enqueue_indirect_dma source(%dma_start3A_18 : memref<10000x64xf32, #tpu.memory_space<hbm>>) target(%arg7 : memref<125x64xf32, #tpu.memory_space<vmem>>) offsets(%dma_start3A_15 : memref<125xi32, #tpu.memory_space<vmem>>) semaphore(%arg17 : memref<!tpu.dma_semaphore, #tpu.memory_space<semaphore_mem>>)
    %dma_start3A_19 = arith.constant 1 : i32
    %dma_start3A_20 = arith.constant 0 : i32
    %dma_start3A_21 = tpu.memref_slice %arg5[%dma_start3A_19, %dma_start3A_20] : memref<80x125xi32, #tpu.memory_space<vmem>> -> memref<1x125xi32, #tpu.memory_space<vmem>>
    %dma_start3A_22 = tpu.memref_squeeze %dma_start3A_21 : memref<1x125xi32, #tpu.memory_space<vmem>> -> memref<125xi32, #tpu.memory_space<vmem>>
    %dma_start3A_23 = arith.constant 0 : i32
    %dma_start3A_24 = arith.constant 0 : i32
    %dma_start3A_25 = tpu.memref_slice %arg2[%dma_start3A_23, %dma_start3A_24] : memref<10000x64xf32, #tpu.memory_space<hbm>> -> memref<10000x64xf32, #tpu.memory_space<hbm>>
    tpu.enqueue_indirect_dma source(%dma_start3A_25 : memref<10000x64xf32, #tpu.memory_space<hbm>>) target(%arg8 : memref<125x64xf32, #tpu.memory_space<vmem>>) offsets(%dma_start3A_22 : memref<125xi32, #tpu.memory_space<vmem>>) semaphore(%arg18 : memref<!tpu.dma_semaphore, #tpu.memory_space<semaphore_mem>>)
    %dma_start3A_26 = arith.constant 2 : i32
    %dma_start3A_27 = arith.constant 0 : i32
    %dma_start3A_28 = tpu.memref_slice %arg5[%dma_start3A_26, %dma_start3A_27] : memref<80x125xi32, #tpu.memory_space<vmem>> -> memref<1x125xi32, #tpu.memory_space<vmem>>
    %dma_start3A_29 = tpu.memref_squeeze %dma_start3A_28 : memref<1x125xi32, #tpu.memory_space<vmem>> -> memref<125xi32, #tpu.memory_space<vmem>>
    %dma_start3A_30 = arith.constant 0 : i32
    %dma_start3A_31 = arith.constant 0 : i32
    %dma_start3A_32 = tpu.memref_slice %arg2[%dma_start3A_30, %dma_start3A_31] : memref<10000x64xf32, #tpu.memory_space<hbm>> -> memref<10000x64xf32, #tpu.memory_space<hbm>>
    tpu.enqueue_indirect_dma source(%dma_start3A_32 : memref<10000x64xf32, #tpu.memory_space<hbm>>) target(%arg9 : memref<125x64xf32, #tpu.memory_space<vmem>>) offsets(%dma_start3A_29 : memref<125xi32, #tpu.memory_space<vmem>>) semaphore(%arg19 : memref<!tpu.dma_semaphore, #tpu.memory_space<semaphore_mem>>)
    %dma_start3A_33 = arith.constant 3 : i32
    %dma_start3A_34 = arith.constant 0 : i32
    %dma_start3A_35 = tpu.memref_slice %arg5[%dma_start3A_33, %dma_start3A_34] : memref<80x125xi32, #tpu.memory_space<vmem>> -> memref<1x125xi32, #tpu.memory_space<vmem>>
    %dma_start3A_36 = tpu.memref_squeeze %dma_start3A_35 : memref<1x125xi32, #tpu.memory_space<vmem>> -> memref<125xi32, #tpu.memory_space<vmem>>
    %dma_start3A_37 = arith.constant 0 : i32
    %dma_start3A_38 = arith.constant 0 : i32
    %dma_start3A_39 = tpu.memref_slice %arg2[%dma_start3A_37, %dma_start3A_38] : memref<10000x64xf32, #tpu.memory_space<hbm>> -> memref<10000x64xf32, #tpu.memory_space<hbm>>
    tpu.enqueue_indirect_dma source(%dma_start3A_39 : memref<10000x64xf32, #tpu.memory_space<hbm>>) target(%arg10 : memref<125x64xf32, #tpu.memory_space<vmem>>) offsets(%dma_start3A_36 : memref<125xi32, #tpu.memory_space<vmem>>) semaphore(%arg20 : memref<!tpu.dma_semaphore, #tpu.memory_space<semaphore_mem>>)
    %dma_start3A_40 = arith.constant 4 : i32
    %dma_start3A_41 = arith.constant 0 : i32
    %dma_start3A_42 = tpu.memref_slice %arg5[%dma_start3A_40, %dma_start3A_41] : memref<80x125xi32, #tpu.memory_space<vmem>> -> memref<1x125xi32, #tpu.memory_space<vmem>>
    %dma_start3A_43 = tpu.memref_squeeze %dma_start3A_42 : memref<1x125xi32, #tpu.memory_space<vmem>> -> memref<125xi32, #tpu.memory_space<vmem>>
    %dma_start3A_44 = arith.constant 0 : i32
    %dma_start3A_45 = arith.constant 0 : i32
    %dma_start3A_46 = tpu.memref_slice %arg2[%dma_start3A_44, %dma_start3A_45] : memref<10000x64xf32, #tpu.memory_space<hbm>> -> memref<10000x64xf32, #tpu.memory_space<hbm>>
    tpu.enqueue_indirect_dma source(%dma_start3A_46 : memref<10000x64xf32, #tpu.memory_space<hbm>>) target(%arg11 : memref<125x64xf32, #tpu.memory_space<vmem>>) offsets(%dma_start3A_43 : memref<125xi32, #tpu.memory_space<vmem>>) semaphore(%arg21 : memref<!tpu.dma_semaphore, #tpu.memory_space<semaphore_mem>>)
    %scan3A_47 = arith.constant 0 : i32
    %scan3A_48 = arith.constant 0 : i32
    %scan3A_49 = arith.constant 16 : i32
    %scan3A_50 = arith.addi %scan3A_48, %scan3A_49 : i32
    %scan3A_51 = arith.constant 1 : i32
    scf.for %scan3A_92 = %scan3A_48 to %scan3A_50 step %scan3A_51  : i32 {
      %mul3A_93 = arith.constant 5 : i32
      %mul3A_94 = arith.muli %mul3A_93, %scan3A_92 : i32
      %add3A_95 = arith.constant 0 : i32
      %add3A_96 = arith.addi %mul3A_94, %add3A_95 : i32
      %dma_wait3A_97 = arith.constant 0 : i32
      %dma_wait3A_98 = tpu.memref_slice %arg5[%add3A_96, %dma_wait3A_97] : memref<80x125xi32, #tpu.memory_space<vmem>> -> memref<1x125xi32, #tpu.memory_space<vmem>>
      %dma_wait3A_99 = tpu.memref_squeeze %dma_wait3A_98 : memref<1x125xi32, #tpu.memory_space<vmem>> -> memref<125xi32, #tpu.memory_space<vmem>>
      %dma_wait3A_100 = arith.constant 0 : i32
      %dma_wait3A_101 = arith.constant 0 : i32
      %dma_wait3A_102 = tpu.memref_slice %arg2[%dma_wait3A_100, %dma_wait3A_101] : memref<10000x64xf32, #tpu.memory_space<hbm>> -> memref<10000x64xf32, #tpu.memory_space<hbm>>
      tpu.wait_indirect_dma semaphore(%arg17 : memref<!tpu.dma_semaphore, #tpu.memory_space<semaphore_mem>>) src(%dma_wait3A_102 : memref<10000x64xf32, #tpu.memory_space<hbm>>) dst(%arg7 : memref<125x64xf32, #tpu.memory_space<vmem>>)
      %dma_start3A_103 = arith.constant 0 : i32
      %dma_start3A_104 = tpu.memref_slice %arg6[%add3A_96, %dma_start3A_103] : memref<80x125xi32, #tpu.memory_space<vmem>> -> memref<1x125xi32, #tpu.memory_space<vmem>>
      %dma_start3A_105 = tpu.memref_squeeze %dma_start3A_104 : memref<1x125xi32, #tpu.memory_space<vmem>> -> memref<125xi32, #tpu.memory_space<vmem>>
      %dma_start3A_106 = arith.constant 0 : i32
      %dma_start3A_107 = arith.constant 0 : i32
      %dma_start3A_108 = tpu.memref_slice %arg16[%dma_start3A_106, %dma_start3A_107] : memref<10240x64xf32, #tpu.memory_space<vmem_shared>> -> memref<10240x64xf32, #tpu.memory_space<vmem_shared>>
      tpu.enqueue_indirect_dma source(%arg7 : memref<125x64xf32, #tpu.memory_space<vmem>>) target(%dma_start3A_108 : memref<10240x64xf32, #tpu.memory_space<vmem_shared>>) offsets(%dma_start3A_105 : memref<125xi32, #tpu.memory_space<vmem>>) semaphore(%arg22 : memref<!tpu.dma_semaphore, #tpu.memory_space<semaphore_mem>>) {add = true}
      %lt3A = arith.constant 15 : i32
      %lt3A_109 = arith.cmpi slt, %scan3A_92, %lt3A : i32
      %convert_element_type3A = arith.extui %lt3A_109 : i1 to i32
      %cond3A = arith.constant 0 : i32
      %cond3A_110 = arith.cmpi ne, %convert_element_type3A, %cond3A : i32
      scf.if %cond3A_110 {
        %dma_wait3A_195 = arith.constant 0 : i32
        %dma_wait3A_196 = tpu.memref_slice %arg6[%add3A_96, %dma_wait3A_195] : memref<80x125xi32, #tpu.memory_space<vmem>> -> memref<1x125xi32, #tpu.memory_space<vmem>>
        %dma_wait3A_197 = tpu.memref_squeeze %dma_wait3A_196 : memref<1x125xi32, #tpu.memory_space<vmem>> -> memref<125xi32, #tpu.memory_space<vmem>>
        %dma_wait3A_198 = arith.constant 0 : i32
        %dma_wait3A_199 = arith.constant 0 : i32
        %dma_wait3A_200 = tpu.memref_slice %arg16[%dma_wait3A_198, %dma_wait3A_199] : memref<10240x64xf32, #tpu.memory_space<vmem_shared>> -> memref<10240x64xf32, #tpu.memory_space<vmem_shared>>
        tpu.wait_indirect_dma semaphore(%arg22 : memref<!tpu.dma_semaphore, #tpu.memory_space<semaphore_mem>>) src(%arg7 : memref<125x64xf32, #tpu.memory_space<vmem>>) dst(%dma_wait3A_200 : memref<10240x64xf32, #tpu.memory_space<vmem_shared>>)
        %add3A_201 = arith.constant 5 : i32
        %add3A_202 = arith.addi %add3A_96, %add3A_201 : i32
        %dma_start3A_203 = arith.constant 0 : i32
        %dma_start3A_204 = tpu.memref_slice %arg5[%add3A_202, %dma_start3A_203] : memref<80x125xi32, #tpu.memory_space<vmem>> -> memref<1x125xi32, #tpu.memory_space<vmem>>
        %dma_start3A_205 = tpu.memref_squeeze %dma_start3A_204 : memref<1x125xi32, #tpu.memory_space<vmem>> -> memref<125xi32, #tpu.memory_space<vmem>>
        %dma_start3A_206 = arith.constant 0 : i32
        %dma_start3A_207 = arith.constant 0 : i32
        %dma_start3A_208 = tpu.memref_slice %arg2[%dma_start3A_206, %dma_start3A_207] : memref<10000x64xf32, #tpu.memory_space<hbm>> -> memref<10000x64xf32, #tpu.memory_space<hbm>>
        tpu.enqueue_indirect_dma source(%dma_start3A_208 : memref<10000x64xf32, #tpu.memory_space<hbm>>) target(%arg7 : memref<125x64xf32, #tpu.memory_space<vmem>>) offsets(%dma_start3A_205 : memref<125xi32, #tpu.memory_space<vmem>>) semaphore(%arg17 : memref<!tpu.dma_semaphore, #tpu.memory_space<semaphore_mem>>)
      } else {
      }
      %mul3A_111 = arith.constant 5 : i32
      %mul3A_112 = arith.muli %mul3A_111, %scan3A_92 : i32
      %add3A_113 = arith.constant 1 : i32
      %add3A_114 = arith.addi %mul3A_112, %add3A_113 : i32
      %dma_wait3A_115 = arith.constant 0 : i32
      %dma_wait3A_116 = tpu.memref_slice %arg5[%add3A_114, %dma_wait3A_115] : memref<80x125xi32, #tpu.memory_space<vmem>> -> memref<1x125xi32, #tpu.memory_space<vmem>>
      %dma_wait3A_117 = tpu.memref_squeeze %dma_wait3A_116 : memref<1x125xi32, #tpu.memory_space<vmem>> -> memref<125xi32, #tpu.memory_space<vmem>>
      %dma_wait3A_118 = arith.constant 0 : i32
      %dma_wait3A_119 = arith.constant 0 : i32
      %dma_wait3A_120 = tpu.memref_slice %arg2[%dma_wait3A_118, %dma_wait3A_119] : memref<10000x64xf32, #tpu.memory_space<hbm>> -> memref<10000x64xf32, #tpu.memory_space<hbm>>
      tpu.wait_indirect_dma semaphore(%arg18 : memref<!tpu.dma_semaphore, #tpu.memory_space<semaphore_mem>>) src(%dma_wait3A_120 : memref<10000x64xf32, #tpu.memory_space<hbm>>) dst(%arg8 : memref<125x64xf32, #tpu.memory_space<vmem>>)
      %dma_start3A_121 = arith.constant 0 : i32
      %dma_start3A_122 = tpu.memref_slice %arg6[%add3A_114, %dma_start3A_121] : memref<80x125xi32, #tpu.memory_space<vmem>> -> memref<1x125xi32, #tpu.memory_space<vmem>>
      %dma_start3A_123 = tpu.memref_squeeze %dma_start3A_122 : memref<1x125xi32, #tpu.memory_space<vmem>> -> memref<125xi32, #tpu.memory_space<vmem>>
      %dma_start3A_124 = arith.constant 0 : i32
      %dma_start3A_125 = arith.constant 0 : i32
      %dma_start3A_126 = tpu.memref_slice %arg16[%dma_start3A_124, %dma_start3A_125] : memref<10240x64xf32, #tpu.memory_space<vmem_shared>> -> memref<10240x64xf32, #tpu.memory_space<vmem_shared>>
      tpu.enqueue_indirect_dma source(%arg8 : memref<125x64xf32, #tpu.memory_space<vmem>>) target(%dma_start3A_126 : memref<10240x64xf32, #tpu.memory_space<vmem_shared>>) offsets(%dma_start3A_123 : memref<125xi32, #tpu.memory_space<vmem>>) semaphore(%arg23 : memref<!tpu.dma_semaphore, #tpu.memory_space<semaphore_mem>>) {add = true}
      %lt3A_127 = arith.constant 15 : i32
      %lt3A_128 = arith.cmpi slt, %scan3A_92, %lt3A_127 : i32
      %convert_element_type3A_129 = arith.extui %lt3A_128 : i1 to i32
      %cond3A_130 = arith.constant 0 : i32
      %cond3A_131 = arith.cmpi ne, %convert_element_type3A_129, %cond3A_130 : i32
      scf.if %cond3A_131 {
        %dma_wait3A_195 = arith.constant 0 : i32
        %dma_wait3A_196 = tpu.memref_slice %arg6[%add3A_114, %dma_wait3A_195] : memref<80x125xi32, #tpu.memory_space<vmem>> -> memref<1x125xi32, #tpu.memory_space<vmem>>
        %dma_wait3A_197 = tpu.memref_squeeze %dma_wait3A_196 : memref<1x125xi32, #tpu.memory_space<vmem>> -> memref<125xi32, #tpu.memory_space<vmem>>
        %dma_wait3A_198 = arith.constant 0 : i32
        %dma_wait3A_199 = arith.constant 0 : i32
        %dma_wait3A_200 = tpu.memref_slice %arg16[%dma_wait3A_198, %dma_wait3A_199] : memref<10240x64xf32, #tpu.memory_space<vmem_shared>> -> memref<10240x64xf32, #tpu.memory_space<vmem_shared>>
        tpu.wait_indirect_dma semaphore(%arg23 : memref<!tpu.dma_semaphore, #tpu.memory_space<semaphore_mem>>) src(%arg8 : memref<125x64xf32, #tpu.memory_space<vmem>>) dst(%dma_wait3A_200 : memref<10240x64xf32, #tpu.memory_space<vmem_shared>>)
        %add3A_201 = arith.constant 5 : i32
        %add3A_202 = arith.addi %add3A_114, %add3A_201 : i32
        %dma_start3A_203 = arith.constant 0 : i32
        %dma_start3A_204 = tpu.memref_slice %arg5[%add3A_202, %dma_start3A_203] : memref<80x125xi32, #tpu.memory_space<vmem>> -> memref<1x125xi32, #tpu.memory_space<vmem>>
        %dma_start3A_205 = tpu.memref_squeeze %dma_start3A_204 : memref<1x125xi32, #tpu.memory_space<vmem>> -> memref<125xi32, #tpu.memory_space<vmem>>
        %dma_start3A_206 = arith.constant 0 : i32
        %dma_start3A_207 = arith.constant 0 : i32
        %dma_start3A_208 = tpu.memref_slice %arg2[%dma_start3A_206, %dma_start3A_207] : memref<10000x64xf32, #tpu.memory_space<hbm>> -> memref<10000x64xf32, #tpu.memory_space<hbm>>
        tpu.enqueue_indirect_dma source(%dma_start3A_208 : memref<10000x64xf32, #tpu.memory_space<hbm>>) target(%arg8 : memref<125x64xf32, #tpu.memory_space<vmem>>) offsets(%dma_start3A_205 : memref<125xi32, #tpu.memory_space<vmem>>) semaphore(%arg18 : memref<!tpu.dma_semaphore, #tpu.memory_space<semaphore_mem>>)
      } else {
      }
      %mul3A_132 = arith.constant 5 : i32
      %mul3A_133 = arith.muli %mul3A_132, %scan3A_92 : i32
      %add3A_134 = arith.constant 2 : i32
      %add3A_135 = arith.addi %mul3A_133, %add3A_134 : i32
      %dma_wait3A_136 = arith.constant 0 : i32
      %dma_wait3A_137 = tpu.memref_slice %arg5[%add3A_135, %dma_wait3A_136] : memref<80x125xi32, #tpu.memory_space<vmem>> -> memref<1x125xi32, #tpu.memory_space<vmem>>
      %dma_wait3A_138 = tpu.memref_squeeze %dma_wait3A_137 : memref<1x125xi32, #tpu.memory_space<vmem>> -> memref<125xi32, #tpu.memory_space<vmem>>
      %dma_wait3A_139 = arith.constant 0 : i32
      %dma_wait3A_140 = arith.constant 0 : i32
      %dma_wait3A_141 = tpu.memref_slice %arg2[%dma_wait3A_139, %dma_wait3A_140] : memref<10000x64xf32, #tpu.memory_space<hbm>> -> memref<10000x64xf32, #tpu.memory_space<hbm>>
      tpu.wait_indirect_dma semaphore(%arg19 : memref<!tpu.dma_semaphore, #tpu.memory_space<semaphore_mem>>) src(%dma_wait3A_141 : memref<10000x64xf32, #tpu.memory_space<hbm>>) dst(%arg9 : memref<125x64xf32, #tpu.memory_space<vmem>>)
      %dma_start3A_142 = arith.constant 0 : i32
      %dma_start3A_143 = tpu.memref_slice %arg6[%add3A_135, %dma_start3A_142] : memref<80x125xi32, #tpu.memory_space<vmem>> -> memref<1x125xi32, #tpu.memory_space<vmem>>
      %dma_start3A_144 = tpu.memref_squeeze %dma_start3A_143 : memref<1x125xi32, #tpu.memory_space<vmem>> -> memref<125xi32, #tpu.memory_space<vmem>>
      %dma_start3A_145 = arith.constant 0 : i32
      %dma_start3A_146 = arith.constant 0 : i32
      %dma_start3A_147 = tpu.memref_slice %arg16[%dma_start3A_145, %dma_start3A_146] : memref<10240x64xf32, #tpu.memory_space<vmem_shared>> -> memref<10240x64xf32, #tpu.memory_space<vmem_shared>>
      tpu.enqueue_indirect_dma source(%arg9 : memref<125x64xf32, #tpu.memory_space<vmem>>) target(%dma_start3A_147 : memref<10240x64xf32, #tpu.memory_space<vmem_shared>>) offsets(%dma_start3A_144 : memref<125xi32, #tpu.memory_space<vmem>>) semaphore(%arg24 : memref<!tpu.dma_semaphore, #tpu.memory_space<semaphore_mem>>) {add = true}
      %lt3A_148 = arith.constant 15 : i32
      %lt3A_149 = arith.cmpi slt, %scan3A_92, %lt3A_148 : i32
      %convert_element_type3A_150 = arith.extui %lt3A_149 : i1 to i32
      %cond3A_151 = arith.constant 0 : i32
      %cond3A_152 = arith.cmpi ne, %convert_element_type3A_150, %cond3A_151 : i32
      scf.if %cond3A_152 {
        %dma_wait3A_195 = arith.constant 0 : i32
        %dma_wait3A_196 = tpu.memref_slice %arg6[%add3A_135, %dma_wait3A_195] : memref<80x125xi32, #tpu.memory_space<vmem>> -> memref<1x125xi32, #tpu.memory_space<vmem>>
        %dma_wait3A_197 = tpu.memref_squeeze %dma_wait3A_196 : memref<1x125xi32, #tpu.memory_space<vmem>> -> memref<125xi32, #tpu.memory_space<vmem>>
        %dma_wait3A_198 = arith.constant 0 : i32
        %dma_wait3A_199 = arith.constant 0 : i32
        %dma_wait3A_200 = tpu.memref_slice %arg16[%dma_wait3A_198, %dma_wait3A_199] : memref<10240x64xf32, #tpu.memory_space<vmem_shared>> -> memref<10240x64xf32, #tpu.memory_space<vmem_shared>>
        tpu.wait_indirect_dma semaphore(%arg24 : memref<!tpu.dma_semaphore, #tpu.memory_space<semaphore_mem>>) src(%arg9 : memref<125x64xf32, #tpu.memory_space<vmem>>) dst(%dma_wait3A_200 : memref<10240x64xf32, #tpu.memory_space<vmem_shared>>)
        %add3A_201 = arith.constant 5 : i32
        %add3A_202 = arith.addi %add3A_135, %add3A_201 : i32
        %dma_start3A_203 = arith.constant 0 : i32
        %dma_start3A_204 = tpu.memref_slice %arg5[%add3A_202, %dma_start3A_203] : memref<80x125xi32, #tpu.memory_space<vmem>> -> memref<1x125xi32, #tpu.memory_space<vmem>>
        %dma_start3A_205 = tpu.memref_squeeze %dma_start3A_204 : memref<1x125xi32, #tpu.memory_space<vmem>> -> memref<125xi32, #tpu.memory_space<vmem>>
        %dma_start3A_206 = arith.constant 0 : i32
        %dma_start3A_207 = arith.constant 0 : i32
        %dma_start3A_208 = tpu.memref_slice %arg2[%dma_start3A_206, %dma_start3A_207] : memref<10000x64xf32, #tpu.memory_space<hbm>> -> memref<10000x64xf32, #tpu.memory_space<hbm>>
        tpu.enqueue_indirect_dma source(%dma_start3A_208 : memref<10000x64xf32, #tpu.memory_space<hbm>>) target(%arg9 : memref<125x64xf32, #tpu.memory_space<vmem>>) offsets(%dma_start3A_205 : memref<125xi32, #tpu.memory_space<vmem>>) semaphore(%arg19 : memref<!tpu.dma_semaphore, #tpu.memory_space<semaphore_mem>>)
      } else {
      }
      %mul3A_153 = arith.constant 5 : i32
      %mul3A_154 = arith.muli %mul3A_153, %scan3A_92 : i32
      %add3A_155 = arith.constant 3 : i32
      %add3A_156 = arith.addi %mul3A_154, %add3A_155 : i32
      %dma_wait3A_157 = arith.constant 0 : i32
      %dma_wait3A_158 = tpu.memref_slice %arg5[%add3A_156, %dma_wait3A_157] : memref<80x125xi32, #tpu.memory_space<vmem>> -> memref<1x125xi32, #tpu.memory_space<vmem>>
      %dma_wait3A_159 = tpu.memref_squeeze %dma_wait3A_158 : memref<1x125xi32, #tpu.memory_space<vmem>> -> memref<125xi32, #tpu.memory_space<vmem>>
      %dma_wait3A_160 = arith.constant 0 : i32
      %dma_wait3A_161 = arith.constant 0 : i32
      %dma_wait3A_162 = tpu.memref_slice %arg2[%dma_wait3A_160, %dma_wait3A_161] : memref<10000x64xf32, #tpu.memory_space<hbm>> -> memref<10000x64xf32, #tpu.memory_space<hbm>>
      tpu.wait_indirect_dma semaphore(%arg20 : memref<!tpu.dma_semaphore, #tpu.memory_space<semaphore_mem>>) src(%dma_wait3A_162 : memref<10000x64xf32, #tpu.memory_space<hbm>>) dst(%arg10 : memref<125x64xf32, #tpu.memory_space<vmem>>)
      %dma_start3A_163 = arith.constant 0 : i32
      %dma_start3A_164 = tpu.memref_slice %arg6[%add3A_156, %dma_start3A_163] : memref<80x125xi32, #tpu.memory_space<vmem>> -> memref<1x125xi32, #tpu.memory_space<vmem>>
      %dma_start3A_165 = tpu.memref_squeeze %dma_start3A_164 : memref<1x125xi32, #tpu.memory_space<vmem>> -> memref<125xi32, #tpu.memory_space<vmem>>
      %dma_start3A_166 = arith.constant 0 : i32
      %dma_start3A_167 = arith.constant 0 : i32
      %dma_start3A_168 = tpu.memref_slice %arg16[%dma_start3A_166, %dma_start3A_167] : memref<10240x64xf32, #tpu.memory_space<vmem_shared>> -> memref<10240x64xf32, #tpu.memory_space<vmem_shared>>
      tpu.enqueue_indirect_dma source(%arg10 : memref<125x64xf32, #tpu.memory_space<vmem>>) target(%dma_start3A_168 : memref<10240x64xf32, #tpu.memory_space<vmem_shared>>) offsets(%dma_start3A_165 : memref<125xi32, #tpu.memory_space<vmem>>) semaphore(%arg25 : memref<!tpu.dma_semaphore, #tpu.memory_space<semaphore_mem>>) {add = true}
      %lt3A_169 = arith.constant 15 : i32
      %lt3A_170 = arith.cmpi slt, %scan3A_92, %lt3A_169 : i32
      %convert_element_type3A_171 = arith.extui %lt3A_170 : i1 to i32
      %cond3A_172 = arith.constant 0 : i32
      %cond3A_173 = arith.cmpi ne, %convert_element_type3A_171, %cond3A_172 : i32
      scf.if %cond3A_173 {
        %dma_wait3A_195 = arith.constant 0 : i32
        %dma_wait3A_196 = tpu.memref_slice %arg6[%add3A_156, %dma_wait3A_195] : memref<80x125xi32, #tpu.memory_space<vmem>> -> memref<1x125xi32, #tpu.memory_space<vmem>>
        %dma_wait3A_197 = tpu.memref_squeeze %dma_wait3A_196 : memref<1x125xi32, #tpu.memory_space<vmem>> -> memref<125xi32, #tpu.memory_space<vmem>>
        %dma_wait3A_198 = arith.constant 0 : i32
        %dma_wait3A_199 = arith.constant 0 : i32
        %dma_wait3A_200 = tpu.memref_slice %arg16[%dma_wait3A_198, %dma_wait3A_199] : memref<10240x64xf32, #tpu.memory_space<vmem_shared>> -> memref<10240x64xf32, #tpu.memory_space<vmem_shared>>
        tpu.wait_indirect_dma semaphore(%arg25 : memref<!tpu.dma_semaphore, #tpu.memory_space<semaphore_mem>>) src(%arg10 : memref<125x64xf32, #tpu.memory_space<vmem>>) dst(%dma_wait3A_200 : memref<10240x64xf32, #tpu.memory_space<vmem_shared>>)
        %add3A_201 = arith.constant 5 : i32
        %add3A_202 = arith.addi %add3A_156, %add3A_201 : i32
        %dma_start3A_203 = arith.constant 0 : i32
        %dma_start3A_204 = tpu.memref_slice %arg5[%add3A_202, %dma_start3A_203] : memref<80x125xi32, #tpu.memory_space<vmem>> -> memref<1x125xi32, #tpu.memory_space<vmem>>
        %dma_start3A_205 = tpu.memref_squeeze %dma_start3A_204 : memref<1x125xi32, #tpu.memory_space<vmem>> -> memref<125xi32, #tpu.memory_space<vmem>>
        %dma_start3A_206 = arith.constant 0 : i32
        %dma_start3A_207 = arith.constant 0 : i32
        %dma_start3A_208 = tpu.memref_slice %arg2[%dma_start3A_206, %dma_start3A_207] : memref<10000x64xf32, #tpu.memory_space<hbm>> -> memref<10000x64xf32, #tpu.memory_space<hbm>>
        tpu.enqueue_indirect_dma source(%dma_start3A_208 : memref<10000x64xf32, #tpu.memory_space<hbm>>) target(%arg10 : memref<125x64xf32, #tpu.memory_space<vmem>>) offsets(%dma_start3A_205 : memref<125xi32, #tpu.memory_space<vmem>>) semaphore(%arg20 : memref<!tpu.dma_semaphore, #tpu.memory_space<semaphore_mem>>)
      } else {
      }
      %mul3A_174 = arith.constant 5 : i32
      %mul3A_175 = arith.muli %mul3A_174, %scan3A_92 : i32
      %add3A_176 = arith.constant 4 : i32
      %add3A_177 = arith.addi %mul3A_175, %add3A_176 : i32
      %dma_wait3A_178 = arith.constant 0 : i32
      %dma_wait3A_179 = tpu.memref_slice %arg5[%add3A_177, %dma_wait3A_178] : memref<80x125xi32, #tpu.memory_space<vmem>> -> memref<1x125xi32, #tpu.memory_space<vmem>>
      %dma_wait3A_180 = tpu.memref_squeeze %dma_wait3A_179 : memref<1x125xi32, #tpu.memory_space<vmem>> -> memref<125xi32, #tpu.memory_space<vmem>>
      %dma_wait3A_181 = arith.constant 0 : i32
      %dma_wait3A_182 = arith.constant 0 : i32
      %dma_wait3A_183 = tpu.memref_slice %arg2[%dma_wait3A_181, %dma_wait3A_182] : memref<10000x64xf32, #tpu.memory_space<hbm>> -> memref<10000x64xf32, #tpu.memory_space<hbm>>
      tpu.wait_indirect_dma semaphore(%arg21 : memref<!tpu.dma_semaphore, #tpu.memory_space<semaphore_mem>>) src(%dma_wait3A_183 : memref<10000x64xf32, #tpu.memory_space<hbm>>) dst(%arg11 : memref<125x64xf32, #tpu.memory_space<vmem>>)
      %dma_start3A_184 = arith.constant 0 : i32
      %dma_start3A_185 = tpu.memref_slice %arg6[%add3A_177, %dma_start3A_184] : memref<80x125xi32, #tpu.memory_space<vmem>> -> memref<1x125xi32, #tpu.memory_space<vmem>>
      %dma_start3A_186 = tpu.memref_squeeze %dma_start3A_185 : memref<1x125xi32, #tpu.memory_space<vmem>> -> memref<125xi32, #tpu.memory_space<vmem>>
      %dma_start3A_187 = arith.constant 0 : i32
      %dma_start3A_188 = arith.constant 0 : i32
      %dma_start3A_189 = tpu.memref_slice %arg16[%dma_start3A_187, %dma_start3A_188] : memref<10240x64xf32, #tpu.memory_space<vmem_shared>> -> memref<10240x64xf32, #tpu.memory_space<vmem_shared>>
      tpu.enqueue_indirect_dma source(%arg11 : memref<125x64xf32, #tpu.memory_space<vmem>>) target(%dma_start3A_189 : memref<10240x64xf32, #tpu.memory_space<vmem_shared>>) offsets(%dma_start3A_186 : memref<125xi32, #tpu.memory_space<vmem>>) semaphore(%arg26 : memref<!tpu.dma_semaphore, #tpu.memory_space<semaphore_mem>>) {add = true}
      %lt3A_190 = arith.constant 15 : i32
      %lt3A_191 = arith.cmpi slt, %scan3A_92, %lt3A_190 : i32
      %convert_element_type3A_192 = arith.extui %lt3A_191 : i1 to i32
      %cond3A_193 = arith.constant 0 : i32
      %cond3A_194 = arith.cmpi ne, %convert_element_type3A_192, %cond3A_193 : i32
      scf.if %cond3A_194 {
        %dma_wait3A_195 = arith.constant 0 : i32
        %dma_wait3A_196 = tpu.memref_slice %arg6[%add3A_177, %dma_wait3A_195] : memref<80x125xi32, #tpu.memory_space<vmem>> -> memref<1x125xi32, #tpu.memory_space<vmem>>
        %dma_wait3A_197 = tpu.memref_squeeze %dma_wait3A_196 : memref<1x125xi32, #tpu.memory_space<vmem>> -> memref<125xi32, #tpu.memory_space<vmem>>
        %dma_wait3A_198 = arith.constant 0 : i32
        %dma_wait3A_199 = arith.constant 0 : i32
        %dma_wait3A_200 = tpu.memref_slice %arg16[%dma_wait3A_198, %dma_wait3A_199] : memref<10240x64xf32, #tpu.memory_space<vmem_shared>> -> memref<10240x64xf32, #tpu.memory_space<vmem_shared>>
        tpu.wait_indirect_dma semaphore(%arg26 : memref<!tpu.dma_semaphore, #tpu.memory_space<semaphore_mem>>) src(%arg11 : memref<125x64xf32, #tpu.memory_space<vmem>>) dst(%dma_wait3A_200 : memref<10240x64xf32, #tpu.memory_space<vmem_shared>>)
        %add3A_201 = arith.constant 5 : i32
        %add3A_202 = arith.addi %add3A_177, %add3A_201 : i32
        %dma_start3A_203 = arith.constant 0 : i32
        %dma_start3A_204 = tpu.memref_slice %arg5[%add3A_202, %dma_start3A_203] : memref<80x125xi32, #tpu.memory_space<vmem>> -> memref<1x125xi32, #tpu.memory_space<vmem>>
        %dma_start3A_205 = tpu.memref_squeeze %dma_start3A_204 : memref<1x125xi32, #tpu.memory_space<vmem>> -> memref<125xi32, #tpu.memory_space<vmem>>
        %dma_start3A_206 = arith.constant 0 : i32
        %dma_start3A_207 = arith.constant 0 : i32
        %dma_start3A_208 = tpu.memref_slice %arg2[%dma_start3A_206, %dma_start3A_207] : memref<10000x64xf32, #tpu.memory_space<hbm>> -> memref<10000x64xf32, #tpu.memory_space<hbm>>
        tpu.enqueue_indirect_dma source(%dma_start3A_208 : memref<10000x64xf32, #tpu.memory_space<hbm>>) target(%arg11 : memref<125x64xf32, #tpu.memory_space<vmem>>) offsets(%dma_start3A_205 : memref<125xi32, #tpu.memory_space<vmem>>) semaphore(%arg21 : memref<!tpu.dma_semaphore, #tpu.memory_space<semaphore_mem>>)
      } else {
      }
    }
    %scan3A_52 = arith.constant 16 : i32
    %dma_wait3A = arith.constant 0 : i32
    %dma_wait3A_53 = arith.constant 0 : i32
    %dma_wait3A_54 = tpu.memref_slice %arg6[%dma_wait3A, %dma_wait3A_53] : memref<80x125xi32, #tpu.memory_space<vmem>> -> memref<1x125xi32, #tpu.memory_space<vmem>>
    %dma_wait3A_55 = tpu.memref_squeeze %dma_wait3A_54 : memref<1x125xi32, #tpu.memory_space<vmem>> -> memref<125xi32, #tpu.memory_space<vmem>>
    %dma_wait3A_56 = arith.constant 0 : i32
    %dma_wait3A_57 = arith.constant 0 : i32
    %dma_wait3A_58 = tpu.memref_slice %arg16[%dma_wait3A_56, %dma_wait3A_57] : memref<10240x64xf32, #tpu.memory_space<vmem_shared>> -> memref<10240x64xf32, #tpu.memory_space<vmem_shared>>
    tpu.wait_indirect_dma semaphore(%arg22 : memref<!tpu.dma_semaphore, #tpu.memory_space<semaphore_mem>>) src(%arg7 : memref<125x64xf32, #tpu.memory_space<vmem>>) dst(%dma_wait3A_58 : memref<10240x64xf32, #tpu.memory_space<vmem_shared>>)
    %dma_wait3A_59 = arith.constant 0 : i32
    %dma_wait3A_60 = arith.constant 0 : i32
    %dma_wait3A_61 = tpu.memref_slice %arg6[%dma_wait3A_59, %dma_wait3A_60] : memref<80x125xi32, #tpu.memory_space<vmem>> -> memref<1x125xi32, #tpu.memory_space<vmem>>
    %dma_wait3A_62 = tpu.memref_squeeze %dma_wait3A_61 : memref<1x125xi32, #tpu.memory_space<vmem>> -> memref<125xi32, #tpu.memory_space<vmem>>
    %dma_wait3A_63 = arith.constant 0 : i32
    %dma_wait3A_64 = arith.constant 0 : i32
    %dma_wait3A_65 = tpu.memref_slice %arg16[%dma_wait3A_63, %dma_wait3A_64] : memref<10240x64xf32, #tpu.memory_space<vmem_shared>> -> memref<10240x64xf32, #tpu.memory_space<vmem_shared>>
    tpu.wait_indirect_dma semaphore(%arg23 : memref<!tpu.dma_semaphore, #tpu.memory_space<semaphore_mem>>) src(%arg8 : memref<125x64xf32, #tpu.memory_space<vmem>>) dst(%dma_wait3A_65 : memref<10240x64xf32, #tpu.memory_space<vmem_shared>>)
    %dma_wait3A_66 = arith.constant 0 : i32
    %dma_wait3A_67 = arith.constant 0 : i32
    %dma_wait3A_68 = tpu.memref_slice %arg6[%dma_wait3A_66, %dma_wait3A_67] : memref<80x125xi32, #tpu.memory_space<vmem>> -> memref<1x125xi32, #tpu.memory_space<vmem>>
    %dma_wait3A_69 = tpu.memref_squeeze %dma_wait3A_68 : memref<1x125xi32, #tpu.memory_space<vmem>> -> memref<125xi32, #tpu.memory_space<vmem>>
    %dma_wait3A_70 = arith.constant 0 : i32
    %dma_wait3A_71 = arith.constant 0 : i32
    %dma_wait3A_72 = tpu.memref_slice %arg16[%dma_wait3A_70, %dma_wait3A_71] : memref<10240x64xf32, #tpu.memory_space<vmem_shared>> -> memref<10240x64xf32, #tpu.memory_space<vmem_shared>>
    tpu.wait_indirect_dma semaphore(%arg24 : memref<!tpu.dma_semaphore, #tpu.memory_space<semaphore_mem>>) src(%arg9 : memref<125x64xf32, #tpu.memory_space<vmem>>) dst(%dma_wait3A_72 : memref<10240x64xf32, #tpu.memory_space<vmem_shared>>)
    %dma_wait3A_73 = arith.constant 0 : i32
    %dma_wait3A_74 = arith.constant 0 : i32
    %dma_wait3A_75 = tpu.memref_slice %arg6[%dma_wait3A_73, %dma_wait3A_74] : memref<80x125xi32, #tpu.memory_space<vmem>> -> memref<1x125xi32, #tpu.memory_space<vmem>>
    %dma_wait3A_76 = tpu.memref_squeeze %dma_wait3A_75 : memref<1x125xi32, #tpu.memory_space<vmem>> -> memref<125xi32, #tpu.memory_space<vmem>>
    %dma_wait3A_77 = arith.constant 0 : i32
    %dma_wait3A_78 = arith.constant 0 : i32
    %dma_wait3A_79 = tpu.memref_slice %arg16[%dma_wait3A_77, %dma_wait3A_78] : memref<10240x64xf32, #tpu.memory_space<vmem_shared>> -> memref<10240x64xf32, #tpu.memory_space<vmem_shared>>
    tpu.wait_indirect_dma semaphore(%arg25 : memref<!tpu.dma_semaphore, #tpu.memory_space<semaphore_mem>>) src(%arg10 : memref<125x64xf32, #tpu.memory_space<vmem>>) dst(%dma_wait3A_79 : memref<10240x64xf32, #tpu.memory_space<vmem_shared>>)
    %dma_wait3A_80 = arith.constant 0 : i32
    %dma_wait3A_81 = arith.constant 0 : i32
    %dma_wait3A_82 = tpu.memref_slice %arg6[%dma_wait3A_80, %dma_wait3A_81] : memref<80x125xi32, #tpu.memory_space<vmem>> -> memref<1x125xi32, #tpu.memory_space<vmem>>
    %dma_wait3A_83 = tpu.memref_squeeze %dma_wait3A_82 : memref<1x125xi32, #tpu.memory_space<vmem>> -> memref<125xi32, #tpu.memory_space<vmem>>
    %dma_wait3A_84 = arith.constant 0 : i32
    %dma_wait3A_85 = arith.constant 0 : i32
    %dma_wait3A_86 = tpu.memref_slice %arg16[%dma_wait3A_84, %dma_wait3A_85] : memref<10240x64xf32, #tpu.memory_space<vmem_shared>> -> memref<10240x64xf32, #tpu.memory_space<vmem_shared>>
    tpu.wait_indirect_dma semaphore(%arg26 : memref<!tpu.dma_semaphore, #tpu.memory_space<semaphore_mem>>) src(%arg11 : memref<125x64xf32, #tpu.memory_space<vmem>>) dst(%dma_wait3A_86 : memref<10240x64xf32, #tpu.memory_space<vmem_shared>>)
    %barrier3A_87 = arith.constant 0 : index
    tpu.barrier barrier_id(%barrier3A_87)
    %mul3A_88 = arith.constant 640 : i32
    %mul3A_89 = arith.muli %arg1, %mul3A_88 : i32
    %mul3A_90 = arith.constant 640 : i32
    %mul3A_91 = arith.muli %arg1, %mul3A_90 : i32
    "tpu.region"() ({
      %run_scoped3A_92 = tpu.sem_alloc : memref<!tpu.dma_semaphore, #tpu.memory_space<semaphore_mem>>
      %dma_start3A_93 = arith.constant 0 : i32
      %dma_start3A_94 = tpu.memref_slice %arg4[%arg0, %mul3A_91, %dma_start3A_93] : memref<2x10240x64xf32, #tpu.memory_space<hbm>> -> memref<1x640x64xf32, #tpu.memory_space<hbm>>
      %dma_start3A_95 = tpu.memref_squeeze %dma_start3A_94 : memref<1x640x64xf32, #tpu.memory_space<hbm>> -> memref<640x64xf32, #tpu.memory_space<hbm>>
      %dma_start3A_96 = arith.constant 0 : i32
      %dma_start3A_97 = tpu.memref_slice %arg16[%mul3A_89, %dma_start3A_96] : memref<10240x64xf32, #tpu.memory_space<vmem_shared>> -> memref<640x64xf32, #tpu.memory_space<vmem_shared>>
      tpu.enqueue_dma source(%dma_start3A_97 : memref<640x64xf32, #tpu.memory_space<vmem_shared>>) target(%dma_start3A_95 : memref<640x64xf32, #tpu.memory_space<hbm>>) target_semaphore(%run_scoped3A_92 : memref<!tpu.dma_semaphore, #tpu.memory_space<semaphore_mem>>)
      %dma_wait3A_98 = arith.constant 0 : i32
      %dma_wait3A_99 = tpu.memref_slice %arg4[%arg0, %mul3A_91, %dma_wait3A_98] : memref<2x10240x64xf32, #tpu.memory_space<hbm>> -> memref<1x640x64xf32, #tpu.memory_space<hbm>>
      %dma_wait3A_100 = tpu.memref_squeeze %dma_wait3A_99 : memref<1x640x64xf32, #tpu.memory_space<hbm>> -> memref<640x64xf32, #tpu.memory_space<hbm>>
      %dma_wait3A_101 = arith.constant 0 : i32
      %dma_wait3A_102 = tpu.memref_slice %arg16[%mul3A_89, %dma_wait3A_101] : memref<10240x64xf32, #tpu.memory_space<vmem_shared>> -> memref<640x64xf32, #tpu.memory_space<vmem_shared>>
      tpu.wait_dma2 semaphore(%run_scoped3A_92 : memref<!tpu.dma_semaphore, #tpu.memory_space<semaphore_mem>>) src(%dma_wait3A_102 : memref<640x64xf32, #tpu.memory_space<vmem_shared>>) dst(%dma_wait3A_100 : memref<640x64xf32, #tpu.memory_space<hbm>>)
      tpu.yield
    }) : () -> ()
    return
  }
}

#map = affine_map<(d0, d1) -> (0, 0)>
#map1 = affine_map<(d0, d1) -> (0, 0, 0, 0)>
#map2 = affine_map<(d0, d1) -> (0, 0, 0)>
module attributes {stable_mosaic.version = 14 : i64} {
  func.func @prop(%arg0: i32, %arg1: i32, %arg2: memref<10000x64xf32, #tpu.memory_space<hbm>>, %arg3: memref<2x32x80x125xi32, #tpu.memory_space<hbm>>, %arg4: memref<2x10240x64xf32, #tpu.memory_space<hbm>>, %arg5: memref<80x125xi32, #tpu.memory_space<vmem>>, %arg6: memref<80x125xi32, #tpu.memory_space<vmem>>, %arg7: memref<125x64xf32, #tpu.memory_space<vmem>>, %arg8: memref<125x64xf32, #tpu.memory_space<vmem>>, %arg9: memref<125x64xf32, #tpu.memory_space<vmem>>, %arg10: memref<125x64xf32, #tpu.memory_space<vmem>>, %arg11: memref<125x64xf32, #tpu.memory_space<vmem>>, %arg12: memref<125x64xf32, #tpu.memory_space<vmem>>, %arg13: memref<125x64xf32, #tpu.memory_space<vmem>>, %arg14: memref<125x64xf32, #tpu.memory_space<vmem>>, %arg15: memref<128x64xf32, #tpu.memory_space<vmem>>, %arg16: memref<10240x64xf32, #tpu.memory_space<vmem_shared>>, %arg17: memref<!tpu.dma_semaphore, #tpu.memory_space<semaphore_mem>>, %arg18: memref<!tpu.dma_semaphore, #tpu.memory_space<semaphore_mem>>, %arg19: memref<!tpu.dma_semaphore, #tpu.memory_space<semaphore_mem>>, %arg20: memref<!tpu.dma_semaphore, #tpu.memory_space<semaphore_mem>>, %arg21: memref<!tpu.dma_semaphore, #tpu.memory_space<semaphore_mem>>, %arg22: memref<!tpu.dma_semaphore, #tpu.memory_space<semaphore_mem>>, %arg23: memref<!tpu.dma_semaphore, #tpu.memory_space<semaphore_mem>>, %arg24: memref<!tpu.dma_semaphore, #tpu.memory_space<semaphore_mem>>, %arg25: memref<!tpu.dma_semaphore, #tpu.memory_space<semaphore_mem>>, %arg26: memref<!tpu.dma_semaphore, #tpu.memory_space<semaphore_mem>>) attributes {dimension_semantics = [#tpu.dimension_semantics<core_parallel>, #tpu.dimension_semantics<subcore_parallel>], iteration_bounds = array<i64: 2, 16>, scalar_prefetch = 0 : i64, scratch_operands = 22 : i64, tpu.core_type = #tpu.core_type<sc_vector_subcore>, window_params = [{transform_indices = #map}, {transform_indices = #map1}, {transform_indices = #map2}]} {
    %mul3A = arith.constant 16 : i32
    %mul3A_0 = arith.muli %arg0, %mul3A : i32
    %add3A = arith.addi %mul3A_0, %arg1 : i32
    %run_scoped3A = arith.constant 0 : i32
    "tpu.region"() ({
      %run_scoped3A_92 = tpu.sem_alloc : memref<!tpu.dma_semaphore, #tpu.memory_space<semaphore_mem>>
      %dma_start3A_93 = arith.constant 0 : i32
      %dma_start3A_94 = arith.constant 0 : i32
      %dma_start3A_95 = tpu.memref_slice %arg3[%run_scoped3A, %add3A, %dma_start3A_93, %dma_start3A_94] : memref<2x32x80x125xi32, #tpu.memory_space<hbm>> -> memref<1x1x80x125xi32, #tpu.memory_space<hbm>>
      %dma_start3A_96 = tpu.memref_squeeze %dma_start3A_95 : memref<1x1x80x125xi32, #tpu.memory_space<hbm>> -> memref<80x125xi32, #tpu.memory_space<hbm>>
      %dma_start3A_97 = arith.constant 0 : i32
      %dma_start3A_98 = arith.constant 0 : i32
      %dma_start3A_99 = tpu.memref_slice %arg3[%run_scoped3A, %add3A, %dma_start3A_97, %dma_start3A_98] : memref<2x32x80x125xi32, #tpu.memory_space<hbm>> -> memref<1x1x80x125xi32, #tpu.memory_space<hbm>>
      %dma_start3A_100 = tpu.memref_squeeze %dma_start3A_99 : memref<1x1x80x125xi32, #tpu.memory_space<hbm>> -> memref<80x125xi32, #tpu.memory_space<hbm>>
      tpu.enqueue_dma source(%dma_start3A_100 : memref<80x125xi32, #tpu.memory_space<hbm>>) target(%arg5 : memref<80x125xi32, #tpu.memory_space<vmem>>) target_semaphore(%run_scoped3A_92 : memref<!tpu.dma_semaphore, #tpu.memory_space<semaphore_mem>>)
      %dma_wait3A_101 = arith.constant 0 : i32
      %dma_wait3A_102 = arith.constant 0 : i32
      %dma_wait3A_103 = tpu.memref_slice %arg3[%run_scoped3A, %add3A, %dma_wait3A_101, %dma_wait3A_102] : memref<2x32x80x125xi32, #tpu.memory_space<hbm>> -> memref<1x1x80x125xi32, #tpu.memory_space<hbm>>
      %dma_wait3A_104 = tpu.memref_squeeze %dma_wait3A_103 : memref<1x1x80x125xi32, #tpu.memory_space<hbm>> -> memref<80x125xi32, #tpu.memory_space<hbm>>
      %dma_wait3A_105 = arith.constant 0 : i32
      %dma_wait3A_106 = arith.constant 0 : i32
      %dma_wait3A_107 = tpu.memref_slice %arg3[%run_scoped3A, %add3A, %dma_wait3A_105, %dma_wait3A_106] : memref<2x32x80x125xi32, #tpu.memory_space<hbm>> -> memref<1x1x80x125xi32, #tpu.memory_space<hbm>>
      %dma_wait3A_108 = tpu.memref_squeeze %dma_wait3A_107 : memref<1x1x80x125xi32, #tpu.memory_space<hbm>> -> memref<80x125xi32, #tpu.memory_space<hbm>>
      tpu.wait_dma2 semaphore(%run_scoped3A_92 : memref<!tpu.dma_semaphore, #tpu.memory_space<semaphore_mem>>) src(%dma_wait3A_108 : memref<80x125xi32, #tpu.memory_space<hbm>>) dst(%arg5 : memref<80x125xi32, #tpu.memory_space<vmem>>)
      tpu.yield
    }) : () -> ()
    %run_scoped3A_1 = arith.constant 1 : i32
    "tpu.region"() ({
      %run_scoped3A_92 = tpu.sem_alloc : memref<!tpu.dma_semaphore, #tpu.memory_space<semaphore_mem>>
      %dma_start3A_93 = arith.constant 0 : i32
      %dma_start3A_94 = arith.constant 0 : i32
      %dma_start3A_95 = tpu.memref_slice %arg3[%run_scoped3A_1, %add3A, %dma_start3A_93, %dma_start3A_94] : memref<2x32x80x125xi32, #tpu.memory_space<hbm>> -> memref<1x1x80x125xi32, #tpu.memory_space<hbm>>
      %dma_start3A_96 = tpu.memref_squeeze %dma_start3A_95 : memref<1x1x80x125xi32, #tpu.memory_space<hbm>> -> memref<80x125xi32, #tpu.memory_space<hbm>>
      %dma_start3A_97 = arith.constant 0 : i32
      %dma_start3A_98 = arith.constant 0 : i32
      %dma_start3A_99 = tpu.memref_slice %arg3[%run_scoped3A_1, %add3A, %dma_start3A_97, %dma_start3A_98] : memref<2x32x80x125xi32, #tpu.memory_space<hbm>> -> memref<1x1x80x125xi32, #tpu.memory_space<hbm>>
      %dma_start3A_100 = tpu.memref_squeeze %dma_start3A_99 : memref<1x1x80x125xi32, #tpu.memory_space<hbm>> -> memref<80x125xi32, #tpu.memory_space<hbm>>
      tpu.enqueue_dma source(%dma_start3A_100 : memref<80x125xi32, #tpu.memory_space<hbm>>) target(%arg6 : memref<80x125xi32, #tpu.memory_space<vmem>>) target_semaphore(%run_scoped3A_92 : memref<!tpu.dma_semaphore, #tpu.memory_space<semaphore_mem>>)
      %dma_wait3A_101 = arith.constant 0 : i32
      %dma_wait3A_102 = arith.constant 0 : i32
      %dma_wait3A_103 = tpu.memref_slice %arg3[%run_scoped3A_1, %add3A, %dma_wait3A_101, %dma_wait3A_102] : memref<2x32x80x125xi32, #tpu.memory_space<hbm>> -> memref<1x1x80x125xi32, #tpu.memory_space<hbm>>
      %dma_wait3A_104 = tpu.memref_squeeze %dma_wait3A_103 : memref<1x1x80x125xi32, #tpu.memory_space<hbm>> -> memref<80x125xi32, #tpu.memory_space<hbm>>
      %dma_wait3A_105 = arith.constant 0 : i32
      %dma_wait3A_106 = arith.constant 0 : i32
      %dma_wait3A_107 = tpu.memref_slice %arg3[%run_scoped3A_1, %add3A, %dma_wait3A_105, %dma_wait3A_106] : memref<2x32x80x125xi32, #tpu.memory_space<hbm>> -> memref<1x1x80x125xi32, #tpu.memory_space<hbm>>
      %dma_wait3A_108 = tpu.memref_squeeze %dma_wait3A_107 : memref<1x1x80x125xi32, #tpu.memory_space<hbm>> -> memref<80x125xi32, #tpu.memory_space<hbm>>
      tpu.wait_dma2 semaphore(%run_scoped3A_92 : memref<!tpu.dma_semaphore, #tpu.memory_space<semaphore_mem>>) src(%dma_wait3A_108 : memref<80x125xi32, #tpu.memory_space<hbm>>) dst(%arg6 : memref<80x125xi32, #tpu.memory_space<vmem>>)
      tpu.yield
    }) : () -> ()
    %scan3A = arith.constant 0 : i32
    %scan3A_2 = arith.constant 0 : i32
    %scan3A_3 = arith.constant 128 : i32
    %scan3A_4 = arith.addi %scan3A_2, %scan3A_3 : i32
    %scan3A_5 = arith.constant 1 : i32
    scf.for %scan3A_92 = %scan3A_2 to %scan3A_4 step %scan3A_5  : i32 {
      %scan3A_93 = arith.constant 0 : i32
      %scan3A_94 = arith.constant 4 : i32
      %scan3A_95 = arith.addi %scan3A_93, %scan3A_94 : i32
      %scan3A_96 = arith.constant 1 : i32
      scf.for %scan3A_98 = %scan3A_93 to %scan3A_95 step %scan3A_96  : i32 {
        %broadcast_in_dim3A = arith.constant 0.000000e+00 : f32
        %broadcast_in_dim3A_99 = vector.broadcast %broadcast_in_dim3A : f32 to vector<16xf32>
        %mul3A_100 = arith.constant 16 : i32
        %mul3A_101 = arith.muli %scan3A_98, %mul3A_100 : i32
        %swap3A = arith.index_cast %scan3A_92 : i32 to index
        %swap3A_102 = arith.index_cast %mul3A_101 : i32 to index
        %swap3A_103 = tpu.vector_load %arg15[%swap3A, %swap3A_102] {strides = array<i32>} : memref<128x64xf32, #tpu.memory_space<vmem>>, vector<1x16xf32>,
        %swap3A_104 = vector.shape_cast %swap3A_103 : vector<1x16xf32> to vector<16xf32>
        %swap3A_105 = vector.shape_cast %broadcast_in_dim3A_99 : vector<16xf32> to vector<1x16xf32>
        tpu.vector_store %arg15[%swap3A, %swap3A_102], %swap3A_105 {strides = array<i32>} : memref<128x64xf32, #tpu.memory_space<vmem>>, vector<1x16xf32>,
      }
      %scan3A_97 = arith.constant 4 : i32
    }
    %scan3A_6 = arith.constant 128 : i32
    %scan3A_7 = arith.constant 0 : i32
    %scan3A_8 = arith.constant 0 : i32
    %scan3A_9 = arith.constant 5 : i32
    %scan3A_10 = arith.addi %scan3A_8, %scan3A_9 : i32
    %scan3A_11 = arith.constant 1 : i32
    scf.for %scan3A_92 = %scan3A_8 to %scan3A_10 step %scan3A_11  : i32 {
      %mul3A_93 = arith.constant 640 : i32
      %mul3A_94 = arith.muli %arg1, %mul3A_93 : i32
      %mul3A_95 = arith.constant 128 : i32
      %mul3A_96 = arith.muli %scan3A_92, %mul3A_95 : i32
      %add3A_97 = arith.addi %mul3A_94, %mul3A_96 : i32
      "tpu.region"() ({
        %run_scoped3A_98 = tpu.sem_alloc : memref<!tpu.dma_semaphore, #tpu.memory_space<semaphore_mem>>
        %dma_start3A_99 = arith.constant 0 : i32
        %dma_start3A_100 = tpu.memref_slice %arg16[%add3A_97, %dma_start3A_99] : memref<10240x64xf32, #tpu.memory_space<vmem_shared>> -> memref<128x64xf32, #tpu.memory_space<vmem_shared>>
        %dma_start3A_101 = arith.constant 0 : i32
        %dma_start3A_102 = tpu.memref_slice %arg16[%add3A_97, %dma_start3A_101] : memref<10240x64xf32, #tpu.memory_space<vmem_shared>> -> memref<128x64xf32, #tpu.memory_space<vmem_shared>>
        tpu.enqueue_dma source(%arg15 : memref<128x64xf32, #tpu.memory_space<vmem>>) target(%dma_start3A_102 : memref<128x64xf32, #tpu.memory_space<vmem_shared>>) target_semaphore(%run_scoped3A_98 : memref<!tpu.dma_semaphore, #tpu.memory_space<semaphore_mem>>)
        %dma_wait3A_103 = arith.constant 0 : i32
        %dma_wait3A_104 = tpu.memref_slice %arg16[%add3A_97, %dma_wait3A_103] : memref<10240x64xf32, #tpu.memory_space<vmem_shared>> -> memref<128x64xf32, #tpu.memory_space<vmem_shared>>
        %dma_wait3A_105 = arith.constant 0 : i32
        %dma_wait3A_106 = tpu.memref_slice %arg16[%add3A_97, %dma_wait3A_105] : memref<10240x64xf32, #tpu.memory_space<vmem_shared>> -> memref<128x64xf32, #tpu.memory_space<vmem_shared>>
        tpu.wait_dma2 semaphore(%run_scoped3A_98 : memref<!tpu.dma_semaphore, #tpu.memory_space<semaphore_mem>>) src(%arg15 : memref<128x64xf32, #tpu.memory_space<vmem>>) dst(%dma_wait3A_106 : memref<128x64xf32, #tpu.memory_space<vmem_shared>>)
        tpu.yield
      }) : () -> ()
    }
    %scan3A_12 = arith.constant 5 : i32
    %barrier3A = arith.constant 0 : index
    tpu.barrier barrier_id(%barrier3A)
    %dma_start3A = arith.constant 0 : i32
    %dma_start3A_13 = arith.constant 0 : i32
    %dma_start3A_14 = tpu.memref_slice %arg5[%dma_start3A, %dma_start3A_13] : memref<80x125xi32, #tpu.memory_space<vmem>> -> memref<1x125xi32, #tpu.memory_space<vmem>>
    %dma_start3A_15 = tpu.memref_squeeze %dma_start3A_14 : memref<1x125xi32, #tpu.memory_space<vmem>> -> memref<125xi32, #tpu.memory_space<vmem>>
    %dma_start3A_16 = arith.constant 0 : i32
    %dma_start3A_17 = arith.constant 0 : i32
    %dma_start3A_18 = tpu.memref_slice %arg2[%dma_start3A_16, %dma_start3A_17] : memref<10000x64xf32, #tpu.memory_space<hbm>> -> memref<10000x64xf32, #tpu.memory_space<hbm>>
    tpu.enqueue_indirect_dma source(%dma_start3A_18 : memref<10000x64xf32, #tpu.memory_space<hbm>>) target(%arg7 : memref<125x64xf32, #tpu.memory_space<vmem>>) offsets(%dma_start3A_15 : memref<125xi32, #tpu.memory_space<vmem>>) semaphore(%arg17 : memref<!tpu.dma_semaphore, #tpu.memory_space<semaphore_mem>>)
    %dma_start3A_19 = arith.constant 1 : i32
    %dma_start3A_20 = arith.constant 0 : i32
    %dma_start3A_21 = tpu.memref_slice %arg5[%dma_start3A_19, %dma_start3A_20] : memref<80x125xi32, #tpu.memory_space<vmem>> -> memref<1x125xi32, #tpu.memory_space<vmem>>
    %dma_start3A_22 = tpu.memref_squeeze %dma_start3A_21 : memref<1x125xi32, #tpu.memory_space<vmem>> -> memref<125xi32, #tpu.memory_space<vmem>>
    %dma_start3A_23 = arith.constant 0 : i32
    %dma_start3A_24 = arith.constant 0 : i32
    %dma_start3A_25 = tpu.memref_slice %arg2[%dma_start3A_23, %dma_start3A_24] : memref<10000x64xf32, #tpu.memory_space<hbm>> -> memref<10000x64xf32, #tpu.memory_space<hbm>>
    tpu.enqueue_indirect_dma source(%dma_start3A_25 : memref<10000x64xf32, #tpu.memory_space<hbm>>) target(%arg8 : memref<125x64xf32, #tpu.memory_space<vmem>>) offsets(%dma_start3A_22 : memref<125xi32, #tpu.memory_space<vmem>>) semaphore(%arg18 : memref<!tpu.dma_semaphore, #tpu.memory_space<semaphore_mem>>)
    %dma_start3A_26 = arith.constant 2 : i32
    %dma_start3A_27 = arith.constant 0 : i32
    %dma_start3A_28 = tpu.memref_slice %arg5[%dma_start3A_26, %dma_start3A_27] : memref<80x125xi32, #tpu.memory_space<vmem>> -> memref<1x125xi32, #tpu.memory_space<vmem>>
    %dma_start3A_29 = tpu.memref_squeeze %dma_start3A_28 : memref<1x125xi32, #tpu.memory_space<vmem>> -> memref<125xi32, #tpu.memory_space<vmem>>
    %dma_start3A_30 = arith.constant 0 : i32
    %dma_start3A_31 = arith.constant 0 : i32
    %dma_start3A_32 = tpu.memref_slice %arg2[%dma_start3A_30, %dma_start3A_31] : memref<10000x64xf32, #tpu.memory_space<hbm>> -> memref<10000x64xf32, #tpu.memory_space<hbm>>
    tpu.enqueue_indirect_dma source(%dma_start3A_32 : memref<10000x64xf32, #tpu.memory_space<hbm>>) target(%arg9 : memref<125x64xf32, #tpu.memory_space<vmem>>) offsets(%dma_start3A_29 : memref<125xi32, #tpu.memory_space<vmem>>) semaphore(%arg19 : memref<!tpu.dma_semaphore, #tpu.memory_space<semaphore_mem>>)
    %dma_start3A_33 = arith.constant 3 : i32
    %dma_start3A_34 = arith.constant 0 : i32
    %dma_start3A_35 = tpu.memref_slice %arg5[%dma_start3A_33, %dma_start3A_34] : memref<80x125xi32, #tpu.memory_space<vmem>> -> memref<1x125xi32, #tpu.memory_space<vmem>>
    %dma_start3A_36 = tpu.memref_squeeze %dma_start3A_35 : memref<1x125xi32, #tpu.memory_space<vmem>> -> memref<125xi32, #tpu.memory_space<vmem>>
    %dma_start3A_37 = arith.constant 0 : i32
    %dma_start3A_38 = arith.constant 0 : i32
    %dma_start3A_39 = tpu.memref_slice %arg2[%dma_start3A_37, %dma_start3A_38] : memref<10000x64xf32, #tpu.memory_space<hbm>> -> memref<10000x64xf32, #tpu.memory_space<hbm>>
    tpu.enqueue_indirect_dma source(%dma_start3A_39 : memref<10000x64xf32, #tpu.memory_space<hbm>>) target(%arg10 : memref<125x64xf32, #tpu.memory_space<vmem>>) offsets(%dma_start3A_36 : memref<125xi32, #tpu.memory_space<vmem>>) semaphore(%arg20 : memref<!tpu.dma_semaphore, #tpu.memory_space<semaphore_mem>>)
    %dma_start3A_40 = arith.constant 4 : i32
    %dma_start3A_41 = arith.constant 0 : i32
    %dma_start3A_42 = tpu.memref_slice %arg5[%dma_start3A_40, %dma_start3A_41] : memref<80x125xi32, #tpu.memory_space<vmem>> -> memref<1x125xi32, #tpu.memory_space<vmem>>
    %dma_start3A_43 = tpu.memref_squeeze %dma_start3A_42 : memref<1x125xi32, #tpu.memory_space<vmem>> -> memref<125xi32, #tpu.memory_space<vmem>>
    %dma_start3A_44 = arith.constant 0 : i32
    %dma_start3A_45 = arith.constant 0 : i32
    %dma_start3A_46 = tpu.memref_slice %arg2[%dma_start3A_44, %dma_start3A_45] : memref<10000x64xf32, #tpu.memory_space<hbm>> -> memref<10000x64xf32, #tpu.memory_space<hbm>>
    tpu.enqueue_indirect_dma source(%dma_start3A_46 : memref<10000x64xf32, #tpu.memory_space<hbm>>) target(%arg11 : memref<125x64xf32, #tpu.memory_space<vmem>>) offsets(%dma_start3A_43 : memref<125xi32, #tpu.memory_space<vmem>>) semaphore(%arg21 : memref<!tpu.dma_semaphore, #tpu.memory_space<semaphore_mem>>)
    %scan3A_47 = arith.constant 0 : i32
    %scan3A_48 = arith.constant 0 : i32
    %scan3A_49 = arith.constant 16 : i32
    %scan3A_50 = arith.addi %scan3A_48, %scan3A_49 : i32
    %scan3A_51 = arith.constant 1 : i32
    scf.for %scan3A_92 = %scan3A_48 to %scan3A_50 step %scan3A_51  : i32 {
      %mul3A_93 = arith.constant 5 : i32
      %mul3A_94 = arith.muli %mul3A_93, %scan3A_92 : i32
      %add3A_95 = arith.constant 0 : i32
      %add3A_96 = arith.addi %mul3A_94, %add3A_95 : i32
      %dma_wait3A_97 = arith.constant 0 : i32
      %dma_wait3A_98 = tpu.memref_slice %arg5[%add3A_96, %dma_wait3A_97] : memref<80x125xi32, #tpu.memory_space<vmem>> -> memref<1x125xi32, #tpu.memory_space<vmem>>
      %dma_wait3A_99 = tpu.memref_squeeze %dma_wait3A_98 : memref<1x125xi32, #tpu.memory_space<vmem>> -> memref<125xi32, #tpu.memory_space<vmem>>
      %dma_wait3A_100 = arith.constant 0 : i32
      %dma_wait3A_101 = arith.constant 0 : i32
      %dma_wait3A_102 = tpu.memref_slice %arg2[%dma_wait3A_100, %dma_wait3A_101] : memref<10000x64xf32, #tpu.memory_space<hbm>> -> memref<10000x64xf32, #tpu.memory_space<hbm>>
      tpu.wait_indirect_dma semaphore(%arg17 : memref<!tpu.dma_semaphore, #tpu.memory_space<semaphore_mem>>) src(%dma_wait3A_102 : memref<10000x64xf32, #tpu.memory_space<hbm>>) dst(%arg7 : memref<125x64xf32, #tpu.memory_space<vmem>>)
      %dma_start3A_103 = arith.constant 0 : i32
      %dma_start3A_104 = tpu.memref_slice %arg6[%add3A_96, %dma_start3A_103] : memref<80x125xi32, #tpu.memory_space<vmem>> -> memref<1x125xi32, #tpu.memory_space<vmem>>
      %dma_start3A_105 = tpu.memref_squeeze %dma_start3A_104 : memref<1x125xi32, #tpu.memory_space<vmem>> -> memref<125xi32, #tpu.memory_space<vmem>>
      %dma_start3A_106 = arith.constant 0 : i32
      %dma_start3A_107 = arith.constant 0 : i32
      %dma_start3A_108 = tpu.memref_slice %arg16[%dma_start3A_106, %dma_start3A_107] : memref<10240x64xf32, #tpu.memory_space<vmem_shared>> -> memref<10240x64xf32, #tpu.memory_space<vmem_shared>>
      tpu.enqueue_indirect_dma source(%arg7 : memref<125x64xf32, #tpu.memory_space<vmem>>) target(%dma_start3A_108 : memref<10240x64xf32, #tpu.memory_space<vmem_shared>>) offsets(%dma_start3A_105 : memref<125xi32, #tpu.memory_space<vmem>>) semaphore(%arg22 : memref<!tpu.dma_semaphore, #tpu.memory_space<semaphore_mem>>) {add = true}
      %lt3A = arith.constant 15 : i32
      %lt3A_109 = arith.cmpi slt, %scan3A_92, %lt3A : i32
      %convert_element_type3A = arith.extui %lt3A_109 : i1 to i32
      %cond3A = arith.constant 0 : i32
      %cond3A_110 = arith.cmpi ne, %convert_element_type3A, %cond3A : i32
      scf.if %cond3A_110 {
        %dma_wait3A_195 = arith.constant 0 : i32
        %dma_wait3A_196 = tpu.memref_slice %arg6[%add3A_96, %dma_wait3A_195] : memref<80x125xi32, #tpu.memory_space<vmem>> -> memref<1x125xi32, #tpu.memory_space<vmem>>
        %dma_wait3A_197 = tpu.memref_squeeze %dma_wait3A_196 : memref<1x125xi32, #tpu.memory_space<vmem>> -> memref<125xi32, #tpu.memory_space<vmem>>
        %dma_wait3A_198 = arith.constant 0 : i32
        %dma_wait3A_199 = arith.constant 0 : i32
        %dma_wait3A_200 = tpu.memref_slice %arg16[%dma_wait3A_198, %dma_wait3A_199] : memref<10240x64xf32, #tpu.memory_space<vmem_shared>> -> memref<10240x64xf32, #tpu.memory_space<vmem_shared>>
        tpu.wait_indirect_dma semaphore(%arg22 : memref<!tpu.dma_semaphore, #tpu.memory_space<semaphore_mem>>) src(%arg7 : memref<125x64xf32, #tpu.memory_space<vmem>>) dst(%dma_wait3A_200 : memref<10240x64xf32, #tpu.memory_space<vmem_shared>>)
        %add3A_201 = arith.constant 5 : i32
        %add3A_202 = arith.addi %add3A_96, %add3A_201 : i32
        %dma_start3A_203 = arith.constant 0 : i32
        %dma_start3A_204 = tpu.memref_slice %arg5[%add3A_202, %dma_start3A_203] : memref<80x125xi32, #tpu.memory_space<vmem>> -> memref<1x125xi32, #tpu.memory_space<vmem>>
        %dma_start3A_205 = tpu.memref_squeeze %dma_start3A_204 : memref<1x125xi32, #tpu.memory_space<vmem>> -> memref<125xi32, #tpu.memory_space<vmem>>
        %dma_start3A_206 = arith.constant 0 : i32
        %dma_start3A_207 = arith.constant 0 : i32
        %dma_start3A_208 = tpu.memref_slice %arg2[%dma_start3A_206, %dma_start3A_207] : memref<10000x64xf32, #tpu.memory_space<hbm>> -> memref<10000x64xf32, #tpu.memory_space<hbm>>
        tpu.enqueue_indirect_dma source(%dma_start3A_208 : memref<10000x64xf32, #tpu.memory_space<hbm>>) target(%arg7 : memref<125x64xf32, #tpu.memory_space<vmem>>) offsets(%dma_start3A_205 : memref<125xi32, #tpu.memory_space<vmem>>) semaphore(%arg17 : memref<!tpu.dma_semaphore, #tpu.memory_space<semaphore_mem>>)
      } else {
      }
      %mul3A_111 = arith.constant 5 : i32
      %mul3A_112 = arith.muli %mul3A_111, %scan3A_92 : i32
      %add3A_113 = arith.constant 1 : i32
      %add3A_114 = arith.addi %mul3A_112, %add3A_113 : i32
      %dma_wait3A_115 = arith.constant 0 : i32
      %dma_wait3A_116 = tpu.memref_slice %arg5[%add3A_114, %dma_wait3A_115] : memref<80x125xi32, #tpu.memory_space<vmem>> -> memref<1x125xi32, #tpu.memory_space<vmem>>
      %dma_wait3A_117 = tpu.memref_squeeze %dma_wait3A_116 : memref<1x125xi32, #tpu.memory_space<vmem>> -> memref<125xi32, #tpu.memory_space<vmem>>
      %dma_wait3A_118 = arith.constant 0 : i32
      %dma_wait3A_119 = arith.constant 0 : i32
      %dma_wait3A_120 = tpu.memref_slice %arg2[%dma_wait3A_118, %dma_wait3A_119] : memref<10000x64xf32, #tpu.memory_space<hbm>> -> memref<10000x64xf32, #tpu.memory_space<hbm>>
      tpu.wait_indirect_dma semaphore(%arg18 : memref<!tpu.dma_semaphore, #tpu.memory_space<semaphore_mem>>) src(%dma_wait3A_120 : memref<10000x64xf32, #tpu.memory_space<hbm>>) dst(%arg8 : memref<125x64xf32, #tpu.memory_space<vmem>>)
      %dma_start3A_121 = arith.constant 0 : i32
      %dma_start3A_122 = tpu.memref_slice %arg6[%add3A_114, %dma_start3A_121] : memref<80x125xi32, #tpu.memory_space<vmem>> -> memref<1x125xi32, #tpu.memory_space<vmem>>
      %dma_start3A_123 = tpu.memref_squeeze %dma_start3A_122 : memref<1x125xi32, #tpu.memory_space<vmem>> -> memref<125xi32, #tpu.memory_space<vmem>>
      %dma_start3A_124 = arith.constant 0 : i32
      %dma_start3A_125 = arith.constant 0 : i32
      %dma_start3A_126 = tpu.memref_slice %arg16[%dma_start3A_124, %dma_start3A_125] : memref<10240x64xf32, #tpu.memory_space<vmem_shared>> -> memref<10240x64xf32, #tpu.memory_space<vmem_shared>>
      tpu.enqueue_indirect_dma source(%arg8 : memref<125x64xf32, #tpu.memory_space<vmem>>) target(%dma_start3A_126 : memref<10240x64xf32, #tpu.memory_space<vmem_shared>>) offsets(%dma_start3A_123 : memref<125xi32, #tpu.memory_space<vmem>>) semaphore(%arg23 : memref<!tpu.dma_semaphore, #tpu.memory_space<semaphore_mem>>) {add = true}
      %lt3A_127 = arith.constant 15 : i32
      %lt3A_128 = arith.cmpi slt, %scan3A_92, %lt3A_127 : i32
      %convert_element_type3A_129 = arith.extui %lt3A_128 : i1 to i32
      %cond3A_130 = arith.constant 0 : i32
      %cond3A_131 = arith.cmpi ne, %convert_element_type3A_129, %cond3A_130 : i32
      scf.if %cond3A_131 {
        %dma_wait3A_195 = arith.constant 0 : i32
        %dma_wait3A_196 = tpu.memref_slice %arg6[%add3A_114, %dma_wait3A_195] : memref<80x125xi32, #tpu.memory_space<vmem>> -> memref<1x125xi32, #tpu.memory_space<vmem>>
        %dma_wait3A_197 = tpu.memref_squeeze %dma_wait3A_196 : memref<1x125xi32, #tpu.memory_space<vmem>> -> memref<125xi32, #tpu.memory_space<vmem>>
        %dma_wait3A_198 = arith.constant 0 : i32
        %dma_wait3A_199 = arith.constant 0 : i32
        %dma_wait3A_200 = tpu.memref_slice %arg16[%dma_wait3A_198, %dma_wait3A_199] : memref<10240x64xf32, #tpu.memory_space<vmem_shared>> -> memref<10240x64xf32, #tpu.memory_space<vmem_shared>>
        tpu.wait_indirect_dma semaphore(%arg23 : memref<!tpu.dma_semaphore, #tpu.memory_space<semaphore_mem>>) src(%arg8 : memref<125x64xf32, #tpu.memory_space<vmem>>) dst(%dma_wait3A_200 : memref<10240x64xf32, #tpu.memory_space<vmem_shared>>)
        %add3A_201 = arith.constant 5 : i32
        %add3A_202 = arith.addi %add3A_114, %add3A_201 : i32
        %dma_start3A_203 = arith.constant 0 : i32
        %dma_start3A_204 = tpu.memref_slice %arg5[%add3A_202, %dma_start3A_203] : memref<80x125xi32, #tpu.memory_space<vmem>> -> memref<1x125xi32, #tpu.memory_space<vmem>>
        %dma_start3A_205 = tpu.memref_squeeze %dma_start3A_204 : memref<1x125xi32, #tpu.memory_space<vmem>> -> memref<125xi32, #tpu.memory_space<vmem>>
        %dma_start3A_206 = arith.constant 0 : i32
        %dma_start3A_207 = arith.constant 0 : i32
        %dma_start3A_208 = tpu.memref_slice %arg2[%dma_start3A_206, %dma_start3A_207] : memref<10000x64xf32, #tpu.memory_space<hbm>> -> memref<10000x64xf32, #tpu.memory_space<hbm>>
        tpu.enqueue_indirect_dma source(%dma_start3A_208 : memref<10000x64xf32, #tpu.memory_space<hbm>>) target(%arg8 : memref<125x64xf32, #tpu.memory_space<vmem>>) offsets(%dma_start3A_205 : memref<125xi32, #tpu.memory_space<vmem>>) semaphore(%arg18 : memref<!tpu.dma_semaphore, #tpu.memory_space<semaphore_mem>>)
      } else {
      }
      %mul3A_132 = arith.constant 5 : i32
      %mul3A_133 = arith.muli %mul3A_132, %scan3A_92 : i32
      %add3A_134 = arith.constant 2 : i32
      %add3A_135 = arith.addi %mul3A_133, %add3A_134 : i32
      %dma_wait3A_136 = arith.constant 0 : i32
      %dma_wait3A_137 = tpu.memref_slice %arg5[%add3A_135, %dma_wait3A_136] : memref<80x125xi32, #tpu.memory_space<vmem>> -> memref<1x125xi32, #tpu.memory_space<vmem>>
      %dma_wait3A_138 = tpu.memref_squeeze %dma_wait3A_137 : memref<1x125xi32, #tpu.memory_space<vmem>> -> memref<125xi32, #tpu.memory_space<vmem>>
      %dma_wait3A_139 = arith.constant 0 : i32
      %dma_wait3A_140 = arith.constant 0 : i32
      %dma_wait3A_141 = tpu.memref_slice %arg2[%dma_wait3A_139, %dma_wait3A_140] : memref<10000x64xf32, #tpu.memory_space<hbm>> -> memref<10000x64xf32, #tpu.memory_space<hbm>>
      tpu.wait_indirect_dma semaphore(%arg19 : memref<!tpu.dma_semaphore, #tpu.memory_space<semaphore_mem>>) src(%dma_wait3A_141 : memref<10000x64xf32, #tpu.memory_space<hbm>>) dst(%arg9 : memref<125x64xf32, #tpu.memory_space<vmem>>)
      %dma_start3A_142 = arith.constant 0 : i32
      %dma_start3A_143 = tpu.memref_slice %arg6[%add3A_135, %dma_start3A_142] : memref<80x125xi32, #tpu.memory_space<vmem>> -> memref<1x125xi32, #tpu.memory_space<vmem>>
      %dma_start3A_144 = tpu.memref_squeeze %dma_start3A_143 : memref<1x125xi32, #tpu.memory_space<vmem>> -> memref<125xi32, #tpu.memory_space<vmem>>
      %dma_start3A_145 = arith.constant 0 : i32
      %dma_start3A_146 = arith.constant 0 : i32
      %dma_start3A_147 = tpu.memref_slice %arg16[%dma_start3A_145, %dma_start3A_146] : memref<10240x64xf32, #tpu.memory_space<vmem_shared>> -> memref<10240x64xf32, #tpu.memory_space<vmem_shared>>
      tpu.enqueue_indirect_dma source(%arg9 : memref<125x64xf32, #tpu.memory_space<vmem>>) target(%dma_start3A_147 : memref<10240x64xf32, #tpu.memory_space<vmem_shared>>) offsets(%dma_start3A_144 : memref<125xi32, #tpu.memory_space<vmem>>) semaphore(%arg24 : memref<!tpu.dma_semaphore, #tpu.memory_space<semaphore_mem>>) {add = true}
      %lt3A_148 = arith.constant 15 : i32
      %lt3A_149 = arith.cmpi slt, %scan3A_92, %lt3A_148 : i32
      %convert_element_type3A_150 = arith.extui %lt3A_149 : i1 to i32
      %cond3A_151 = arith.constant 0 : i32
      %cond3A_152 = arith.cmpi ne, %convert_element_type3A_150, %cond3A_151 : i32
      scf.if %cond3A_152 {
        %dma_wait3A_195 = arith.constant 0 : i32
        %dma_wait3A_196 = tpu.memref_slice %arg6[%add3A_135, %dma_wait3A_195] : memref<80x125xi32, #tpu.memory_space<vmem>> -> memref<1x125xi32, #tpu.memory_space<vmem>>
        %dma_wait3A_197 = tpu.memref_squeeze %dma_wait3A_196 : memref<1x125xi32, #tpu.memory_space<vmem>> -> memref<125xi32, #tpu.memory_space<vmem>>
        %dma_wait3A_198 = arith.constant 0 : i32
        %dma_wait3A_199 = arith.constant 0 : i32
        %dma_wait3A_200 = tpu.memref_slice %arg16[%dma_wait3A_198, %dma_wait3A_199] : memref<10240x64xf32, #tpu.memory_space<vmem_shared>> -> memref<10240x64xf32, #tpu.memory_space<vmem_shared>>
        tpu.wait_indirect_dma semaphore(%arg24 : memref<!tpu.dma_semaphore, #tpu.memory_space<semaphore_mem>>) src(%arg9 : memref<125x64xf32, #tpu.memory_space<vmem>>) dst(%dma_wait3A_200 : memref<10240x64xf32, #tpu.memory_space<vmem_shared>>)
        %add3A_201 = arith.constant 5 : i32
        %add3A_202 = arith.addi %add3A_135, %add3A_201 : i32
        %dma_start3A_203 = arith.constant 0 : i32
        %dma_start3A_204 = tpu.memref_slice %arg5[%add3A_202, %dma_start3A_203] : memref<80x125xi32, #tpu.memory_space<vmem>> -> memref<1x125xi32, #tpu.memory_space<vmem>>
        %dma_start3A_205 = tpu.memref_squeeze %dma_start3A_204 : memref<1x125xi32, #tpu.memory_space<vmem>> -> memref<125xi32, #tpu.memory_space<vmem>>
        %dma_start3A_206 = arith.constant 0 : i32
        %dma_start3A_207 = arith.constant 0 : i32
        %dma_start3A_208 = tpu.memref_slice %arg2[%dma_start3A_206, %dma_start3A_207] : memref<10000x64xf32, #tpu.memory_space<hbm>> -> memref<10000x64xf32, #tpu.memory_space<hbm>>
        tpu.enqueue_indirect_dma source(%dma_start3A_208 : memref<10000x64xf32, #tpu.memory_space<hbm>>) target(%arg9 : memref<125x64xf32, #tpu.memory_space<vmem>>) offsets(%dma_start3A_205 : memref<125xi32, #tpu.memory_space<vmem>>) semaphore(%arg19 : memref<!tpu.dma_semaphore, #tpu.memory_space<semaphore_mem>>)
      } else {
      }
      %mul3A_153 = arith.constant 5 : i32
      %mul3A_154 = arith.muli %mul3A_153, %scan3A_92 : i32
      %add3A_155 = arith.constant 3 : i32
      %add3A_156 = arith.addi %mul3A_154, %add3A_155 : i32
      %dma_wait3A_157 = arith.constant 0 : i32
      %dma_wait3A_158 = tpu.memref_slice %arg5[%add3A_156, %dma_wait3A_157] : memref<80x125xi32, #tpu.memory_space<vmem>> -> memref<1x125xi32, #tpu.memory_space<vmem>>
      %dma_wait3A_159 = tpu.memref_squeeze %dma_wait3A_158 : memref<1x125xi32, #tpu.memory_space<vmem>> -> memref<125xi32, #tpu.memory_space<vmem>>
      %dma_wait3A_160 = arith.constant 0 : i32
      %dma_wait3A_161 = arith.constant 0 : i32
      %dma_wait3A_162 = tpu.memref_slice %arg2[%dma_wait3A_160, %dma_wait3A_161] : memref<10000x64xf32, #tpu.memory_space<hbm>> -> memref<10000x64xf32, #tpu.memory_space<hbm>>
      tpu.wait_indirect_dma semaphore(%arg20 : memref<!tpu.dma_semaphore, #tpu.memory_space<semaphore_mem>>) src(%dma_wait3A_162 : memref<10000x64xf32, #tpu.memory_space<hbm>>) dst(%arg10 : memref<125x64xf32, #tpu.memory_space<vmem>>)
      %dma_start3A_163 = arith.constant 0 : i32
      %dma_start3A_164 = tpu.memref_slice %arg6[%add3A_156, %dma_start3A_163] : memref<80x125xi32, #tpu.memory_space<vmem>> -> memref<1x125xi32, #tpu.memory_space<vmem>>
      %dma_start3A_165 = tpu.memref_squeeze %dma_start3A_164 : memref<1x125xi32, #tpu.memory_space<vmem>> -> memref<125xi32, #tpu.memory_space<vmem>>
      %dma_start3A_166 = arith.constant 0 : i32
      %dma_start3A_167 = arith.constant 0 : i32
      %dma_start3A_168 = tpu.memref_slice %arg16[%dma_start3A_166, %dma_start3A_167] : memref<10240x64xf32, #tpu.memory_space<vmem_shared>> -> memref<10240x64xf32, #tpu.memory_space<vmem_shared>>
      tpu.enqueue_indirect_dma source(%arg10 : memref<125x64xf32, #tpu.memory_space<vmem>>) target(%dma_start3A_168 : memref<10240x64xf32, #tpu.memory_space<vmem_shared>>) offsets(%dma_start3A_165 : memref<125xi32, #tpu.memory_space<vmem>>) semaphore(%arg25 : memref<!tpu.dma_semaphore, #tpu.memory_space<semaphore_mem>>) {add = true}
      %lt3A_169 = arith.constant 15 : i32
      %lt3A_170 = arith.cmpi slt, %scan3A_92, %lt3A_169 : i32
      %convert_element_type3A_171 = arith.extui %lt3A_170 : i1 to i32
      %cond3A_172 = arith.constant 0 : i32
      %cond3A_173 = arith.cmpi ne, %convert_element_type3A_171, %cond3A_172 : i32
      scf.if %cond3A_173 {
        %dma_wait3A_195 = arith.constant 0 : i32
        %dma_wait3A_196 = tpu.memref_slice %arg6[%add3A_156, %dma_wait3A_195] : memref<80x125xi32, #tpu.memory_space<vmem>> -> memref<1x125xi32, #tpu.memory_space<vmem>>
        %dma_wait3A_197 = tpu.memref_squeeze %dma_wait3A_196 : memref<1x125xi32, #tpu.memory_space<vmem>> -> memref<125xi32, #tpu.memory_space<vmem>>
        %dma_wait3A_198 = arith.constant 0 : i32
        %dma_wait3A_199 = arith.constant 0 : i32
        %dma_wait3A_200 = tpu.memref_slice %arg16[%dma_wait3A_198, %dma_wait3A_199] : memref<10240x64xf32, #tpu.memory_space<vmem_shared>> -> memref<10240x64xf32, #tpu.memory_space<vmem_shared>>
        tpu.wait_indirect_dma semaphore(%arg25 : memref<!tpu.dma_semaphore, #tpu.memory_space<semaphore_mem>>) src(%arg10 : memref<125x64xf32, #tpu.memory_space<vmem>>) dst(%dma_wait3A_200 : memref<10240x64xf32, #tpu.memory_space<vmem_shared>>)
        %add3A_201 = arith.constant 5 : i32
        %add3A_202 = arith.addi %add3A_156, %add3A_201 : i32
        %dma_start3A_203 = arith.constant 0 : i32
        %dma_start3A_204 = tpu.memref_slice %arg5[%add3A_202, %dma_start3A_203] : memref<80x125xi32, #tpu.memory_space<vmem>> -> memref<1x125xi32, #tpu.memory_space<vmem>>
        %dma_start3A_205 = tpu.memref_squeeze %dma_start3A_204 : memref<1x125xi32, #tpu.memory_space<vmem>> -> memref<125xi32, #tpu.memory_space<vmem>>
        %dma_start3A_206 = arith.constant 0 : i32
        %dma_start3A_207 = arith.constant 0 : i32
        %dma_start3A_208 = tpu.memref_slice %arg2[%dma_start3A_206, %dma_start3A_207] : memref<10000x64xf32, #tpu.memory_space<hbm>> -> memref<10000x64xf32, #tpu.memory_space<hbm>>
        tpu.enqueue_indirect_dma source(%dma_start3A_208 : memref<10000x64xf32, #tpu.memory_space<hbm>>) target(%arg10 : memref<125x64xf32, #tpu.memory_space<vmem>>) offsets(%dma_start3A_205 : memref<125xi32, #tpu.memory_space<vmem>>) semaphore(%arg20 : memref<!tpu.dma_semaphore, #tpu.memory_space<semaphore_mem>>)
      } else {
      }
      %mul3A_174 = arith.constant 5 : i32
      %mul3A_175 = arith.muli %mul3A_174, %scan3A_92 : i32
      %add3A_176 = arith.constant 4 : i32
      %add3A_177 = arith.addi %mul3A_175, %add3A_176 : i32
      %dma_wait3A_178 = arith.constant 0 : i32
      %dma_wait3A_179 = tpu.memref_slice %arg5[%add3A_177, %dma_wait3A_178] : memref<80x125xi32, #tpu.memory_space<vmem>> -> memref<1x125xi32, #tpu.memory_space<vmem>>
      %dma_wait3A_180 = tpu.memref_squeeze %dma_wait3A_179 : memref<1x125xi32, #tpu.memory_space<vmem>> -> memref<125xi32, #tpu.memory_space<vmem>>
      %dma_wait3A_181 = arith.constant 0 : i32
      %dma_wait3A_182 = arith.constant 0 : i32
      %dma_wait3A_183 = tpu.memref_slice %arg2[%dma_wait3A_181, %dma_wait3A_182] : memref<10000x64xf32, #tpu.memory_space<hbm>> -> memref<10000x64xf32, #tpu.memory_space<hbm>>
      tpu.wait_indirect_dma semaphore(%arg21 : memref<!tpu.dma_semaphore, #tpu.memory_space<semaphore_mem>>) src(%dma_wait3A_183 : memref<10000x64xf32, #tpu.memory_space<hbm>>) dst(%arg11 : memref<125x64xf32, #tpu.memory_space<vmem>>)
      %dma_start3A_184 = arith.constant 0 : i32
      %dma_start3A_185 = tpu.memref_slice %arg6[%add3A_177, %dma_start3A_184] : memref<80x125xi32, #tpu.memory_space<vmem>> -> memref<1x125xi32, #tpu.memory_space<vmem>>
      %dma_start3A_186 = tpu.memref_squeeze %dma_start3A_185 : memref<1x125xi32, #tpu.memory_space<vmem>> -> memref<125xi32, #tpu.memory_space<vmem>>
      %dma_start3A_187 = arith.constant 0 : i32
      %dma_start3A_188 = arith.constant 0 : i32
      %dma_start3A_189 = tpu.memref_slice %arg16[%dma_start3A_187, %dma_start3A_188] : memref<10240x64xf32, #tpu.memory_space<vmem_shared>> -> memref<10240x64xf32, #tpu.memory_space<vmem_shared>>
      tpu.enqueue_indirect_dma source(%arg11 : memref<125x64xf32, #tpu.memory_space<vmem>>) target(%dma_start3A_189 : memref<10240x64xf32, #tpu.memory_space<vmem_shared>>) offsets(%dma_start3A_186 : memref<125xi32, #tpu.memory_space<vmem>>) semaphore(%arg26 : memref<!tpu.dma_semaphore, #tpu.memory_space<semaphore_mem>>) {add = true}
      %lt3A_190 = arith.constant 15 : i32
      %lt3A_191 = arith.cmpi slt, %scan3A_92, %lt3A_190 : i32
      %convert_element_type3A_192 = arith.extui %lt3A_191 : i1 to i32
      %cond3A_193 = arith.constant 0 : i32
      %cond3A_194 = arith.cmpi ne, %convert_element_type3A_192, %cond3A_193 : i32
      scf.if %cond3A_194 {
        %dma_wait3A_195 = arith.constant 0 : i32
        %dma_wait3A_196 = tpu.memref_slice %arg6[%add3A_177, %dma_wait3A_195] : memref<80x125xi32, #tpu.memory_space<vmem>> -> memref<1x125xi32, #tpu.memory_space<vmem>>
        %dma_wait3A_197 = tpu.memref_squeeze %dma_wait3A_196 : memref<1x125xi32, #tpu.memory_space<vmem>> -> memref<125xi32, #tpu.memory_space<vmem>>
        %dma_wait3A_198 = arith.constant 0 : i32
        %dma_wait3A_199 = arith.constant 0 : i32
        %dma_wait3A_200 = tpu.memref_slice %arg16[%dma_wait3A_198, %dma_wait3A_199] : memref<10240x64xf32, #tpu.memory_space<vmem_shared>> -> memref<10240x64xf32, #tpu.memory_space<vmem_shared>>
        tpu.wait_indirect_dma semaphore(%arg26 : memref<!tpu.dma_semaphore, #tpu.memory_space<semaphore_mem>>) src(%arg11 : memref<125x64xf32, #tpu.memory_space<vmem>>) dst(%dma_wait3A_200 : memref<10240x64xf32, #tpu.memory_space<vmem_shared>>)
        %add3A_201 = arith.constant 5 : i32
        %add3A_202 = arith.addi %add3A_177, %add3A_201 : i32
        %dma_start3A_203 = arith.constant 0 : i32
        %dma_start3A_204 = tpu.memref_slice %arg5[%add3A_202, %dma_start3A_203] : memref<80x125xi32, #tpu.memory_space<vmem>> -> memref<1x125xi32, #tpu.memory_space<vmem>>
        %dma_start3A_205 = tpu.memref_squeeze %dma_start3A_204 : memref<1x125xi32, #tpu.memory_space<vmem>> -> memref<125xi32, #tpu.memory_space<vmem>>
        %dma_start3A_206 = arith.constant 0 : i32
        %dma_start3A_207 = arith.constant 0 : i32
        %dma_start3A_208 = tpu.memref_slice %arg2[%dma_start3A_206, %dma_start3A_207] : memref<10000x64xf32, #tpu.memory_space<hbm>> -> memref<10000x64xf32, #tpu.memory_space<hbm>>
        tpu.enqueue_indirect_dma source(%dma_start3A_208 : memref<10000x64xf32, #tpu.memory_space<hbm>>) target(%arg11 : memref<125x64xf32, #tpu.memory_space<vmem>>) offsets(%dma_start3A_205 : memref<125xi32, #tpu.memory_space<vmem>>) semaphore(%arg21 : memref<!tpu.dma_semaphore, #tpu.memory_space<semaphore_mem>>)
      } else {
      }
    }
    %scan3A_52 = arith.constant 16 : i32
    %dma_wait3A = arith.constant 0 : i32
    %dma_wait3A_53 = arith.constant 0 : i32
    %dma_wait3A_54 = tpu.memref_slice %arg6[%dma_wait3A, %dma_wait3A_53] : memref<80x125xi32, #tpu.memory_space<vmem>> -> memref<1x125xi32, #tpu.memory_space<vmem>>
    %dma_wait3A_55 = tpu.memref_squeeze %dma_wait3A_54 : memref<1x125xi32, #tpu.memory_space<vmem>> -> memref<125xi32, #tpu.memory_space<vmem>>
    %dma_wait3A_56 = arith.constant 0 : i32
    %dma_wait3A_57 = arith.constant 0 : i32
    %dma_wait3A_58 = tpu.memref_slice %arg16[%dma_wait3A_56, %dma_wait3A_57] : memref<10240x64xf32, #tpu.memory_space<vmem_shared>> -> memref<10240x64xf32, #tpu.memory_space<vmem_shared>>
    tpu.wait_indirect_dma semaphore(%arg22 : memref<!tpu.dma_semaphore, #tpu.memory_space<semaphore_mem>>) src(%arg7 : memref<125x64xf32, #tpu.memory_space<vmem>>) dst(%dma_wait3A_58 : memref<10240x64xf32, #tpu.memory_space<vmem_shared>>)
    %dma_wait3A_59 = arith.constant 0 : i32
    %dma_wait3A_60 = arith.constant 0 : i32
    %dma_wait3A_61 = tpu.memref_slice %arg6[%dma_wait3A_59, %dma_wait3A_60] : memref<80x125xi32, #tpu.memory_space<vmem>> -> memref<1x125xi32, #tpu.memory_space<vmem>>
    %dma_wait3A_62 = tpu.memref_squeeze %dma_wait3A_61 : memref<1x125xi32, #tpu.memory_space<vmem>> -> memref<125xi32, #tpu.memory_space<vmem>>
    %dma_wait3A_63 = arith.constant 0 : i32
    %dma_wait3A_64 = arith.constant 0 : i32
    %dma_wait3A_65 = tpu.memref_slice %arg16[%dma_wait3A_63, %dma_wait3A_64] : memref<10240x64xf32, #tpu.memory_space<vmem_shared>> -> memref<10240x64xf32, #tpu.memory_space<vmem_shared>>
    tpu.wait_indirect_dma semaphore(%arg23 : memref<!tpu.dma_semaphore, #tpu.memory_space<semaphore_mem>>) src(%arg8 : memref<125x64xf32, #tpu.memory_space<vmem>>) dst(%dma_wait3A_65 : memref<10240x64xf32, #tpu.memory_space<vmem_shared>>)
    %dma_wait3A_66 = arith.constant 0 : i32
    %dma_wait3A_67 = arith.constant 0 : i32
    %dma_wait3A_68 = tpu.memref_slice %arg6[%dma_wait3A_66, %dma_wait3A_67] : memref<80x125xi32, #tpu.memory_space<vmem>> -> memref<1x125xi32, #tpu.memory_space<vmem>>
    %dma_wait3A_69 = tpu.memref_squeeze %dma_wait3A_68 : memref<1x125xi32, #tpu.memory_space<vmem>> -> memref<125xi32, #tpu.memory_space<vmem>>
    %dma_wait3A_70 = arith.constant 0 : i32
    %dma_wait3A_71 = arith.constant 0 : i32
    %dma_wait3A_72 = tpu.memref_slice %arg16[%dma_wait3A_70, %dma_wait3A_71] : memref<10240x64xf32, #tpu.memory_space<vmem_shared>> -> memref<10240x64xf32, #tpu.memory_space<vmem_shared>>
    tpu.wait_indirect_dma semaphore(%arg24 : memref<!tpu.dma_semaphore, #tpu.memory_space<semaphore_mem>>) src(%arg9 : memref<125x64xf32, #tpu.memory_space<vmem>>) dst(%dma_wait3A_72 : memref<10240x64xf32, #tpu.memory_space<vmem_shared>>)
    %dma_wait3A_73 = arith.constant 0 : i32
    %dma_wait3A_74 = arith.constant 0 : i32
    %dma_wait3A_75 = tpu.memref_slice %arg6[%dma_wait3A_73, %dma_wait3A_74] : memref<80x125xi32, #tpu.memory_space<vmem>> -> memref<1x125xi32, #tpu.memory_space<vmem>>
    %dma_wait3A_76 = tpu.memref_squeeze %dma_wait3A_75 : memref<1x125xi32, #tpu.memory_space<vmem>> -> memref<125xi32, #tpu.memory_space<vmem>>
    %dma_wait3A_77 = arith.constant 0 : i32
    %dma_wait3A_78 = arith.constant 0 : i32
    %dma_wait3A_79 = tpu.memref_slice %arg16[%dma_wait3A_77, %dma_wait3A_78] : memref<10240x64xf32, #tpu.memory_space<vmem_shared>> -> memref<10240x64xf32, #tpu.memory_space<vmem_shared>>
    tpu.wait_indirect_dma semaphore(%arg25 : memref<!tpu.dma_semaphore, #tpu.memory_space<semaphore_mem>>) src(%arg10 : memref<125x64xf32, #tpu.memory_space<vmem>>) dst(%dma_wait3A_79 : memref<10240x64xf32, #tpu.memory_space<vmem_shared>>)
    %dma_wait3A_80 = arith.constant 0 : i32
    %dma_wait3A_81 = arith.constant 0 : i32
    %dma_wait3A_82 = tpu.memref_slice %arg6[%dma_wait3A_80, %dma_wait3A_81] : memref<80x125xi32, #tpu.memory_space<vmem>> -> memref<1x125xi32, #tpu.memory_space<vmem>>
    %dma_wait3A_83 = tpu.memref_squeeze %dma_wait3A_82 : memref<1x125xi32, #tpu.memory_space<vmem>> -> memref<125xi32, #tpu.memory_space<vmem>>
    %dma_wait3A_84 = arith.constant 0 : i32
    %dma_wait3A_85 = arith.constant 0 : i32
    %dma_wait3A_86 = tpu.memref_slice %arg16[%dma_wait3A_84, %dma_wait3A_85] : memref<10240x64xf32, #tpu.memory_space<vmem_shared>> -> memref<10240x64xf32, #tpu.memory_space<vmem_shared>>
    tpu.wait_indirect_dma semaphore(%arg26 : memref<!tpu.dma_semaphore, #tpu.memory_space<semaphore_mem>>) src(%arg11 : memref<125x64xf32, #tpu.memory_space<vmem>>) dst(%dma_wait3A_86 : memref<10240x64xf32, #tpu.memory_space<vmem_shared>>)
    %barrier3A_87 = arith.constant 0 : index
    tpu.barrier barrier_id(%barrier3A_87)
    %mul3A_88 = arith.constant 640 : i32
    %mul3A_89 = arith.muli %arg1, %mul3A_88 : i32
    %mul3A_90 = arith.constant 640 : i32
    %mul3A_91 = arith.muli %arg1, %mul3A_90 : i32
    "tpu.region"() ({
      %run_scoped3A_92 = tpu.sem_alloc : memref<!tpu.dma_semaphore, #tpu.memory_space<semaphore_mem>>
      %dma_start3A_93 = arith.constant 0 : i32
      %dma_start3A_94 = tpu.memref_slice %arg4[%arg0, %mul3A_91, %dma_start3A_93] : memref<2x10240x64xf32, #tpu.memory_space<hbm>> -> memref<1x640x64xf32, #tpu.memory_space<hbm>>
      %dma_start3A_95 = tpu.memref_squeeze %dma_start3A_94 : memref<1x640x64xf32, #tpu.memory_space<hbm>> -> memref<640x64xf32, #tpu.memory_space<hbm>>
      %dma_start3A_96 = arith.constant 0 : i32
      %dma_start3A_97 = tpu.memref_slice %arg16[%mul3A_89, %dma_start3A_96] : memref<10240x64xf32, #tpu.memory_space<vmem_shared>> -> memref<640x64xf32, #tpu.memory_space<vmem_shared>>
      tpu.enqueue_dma source(%dma_start3A_97 : memref<640x64xf32, #tpu.memory_space<vmem_shared>>) target(%dma_start3A_95 : memref<640x64xf32, #tpu.memory_space<hbm>>) target_semaphore(%run_scoped3A_92 : memref<!tpu.dma_semaphore, #tpu.memory_space<semaphore_mem>>)
      %dma_wait3A_98 = arith.constant 0 : i32
      %dma_wait3A_99 = tpu.memref_slice %arg4[%arg0, %mul3A_91, %dma_wait3A_98] : memref<2x10240x64xf32, #tpu.memory_space<hbm>> -> memref<1x640x64xf32, #tpu.memory_space<hbm>>
      %dma_wait3A_100 = tpu.memref_squeeze %dma_wait3A_99 : memref<1x640x64xf32, #tpu.memory_space<hbm>> -> memref<640x64xf32, #tpu.memory_space<hbm>>
      %dma_wait3A_101 = arith.constant 0 : i32
      %dma_wait3A_102 = tpu.memref_slice %arg16[%mul3A_89, %dma_wait3A_101] : memref<10240x64xf32, #tpu.memory_space<vmem_shared>> -> memref<640x64xf32, #tpu.memory_space<vmem_shared>>
      tpu.wait_dma2 semaphore(%run_scoped3A_92 : memref<!tpu.dma_semaphore, #tpu.memory_space<semaphore_mem>>) src(%dma_wait3A_102 : memref<640x64xf32, #tpu.memory_space<vmem_shared>>) dst(%dma_wait3A_100 : memref<640x64xf32, #tpu.memory_space<hbm>>)
      tpu.yield
    }) : () -> ()
    return
  }
}

module attributes {stable_mosaic.version = 14 : i64} {
  func.func @body(%arg0: i32, %arg1: memref<1000x128xf32, #tpu.memory_space<vmem>>, %arg2: memref<128x64xf32, #tpu.memory_space<vmem>>, %arg3: memref<1000x64xf32, #tpu.memory_space<vmem>>) attributes {dimension_semantics = [#tpu.dimension_semantics<arbitrary>], iteration_bounds = array<i64: 10>, scalar_prefetch = 0 : i64, scratch_operands = 0 : i64, tpu.core_type = #tpu.core_type<tc>, window_params = [{transform_indices = @transform_0, window_bounds = array<i64: 1000, 128>}, {pipeline_mode = #tpu.pipeline_mode<synchronous>, transform_indices = @transform_1, window_bounds = array<i64: 128, 64>}, {transform_indices = @transform_2, window_bounds = array<i64: 1000, 64>}]} {
    %get3A = arith.constant 0 : index
    %get3A_0 = arith.constant 0 : index
    %get3A_1 = vector.load %arg1[%get3A, %get3A_0] : memref<1000x128xf32, #tpu.memory_space<vmem>>, vector<1000x128xf32>
    %get3A_2 = arith.constant 0 : index
    %get3A_3 = arith.constant 0 : index
    %get3A_4 = vector.load %arg2[%get3A_2, %get3A_3] : memref<128x64xf32, #tpu.memory_space<vmem>>, vector<128x64xf32>
    %dot_general3A = arith.constant dense<0.000000e+00> : vector<1000x64xf32>
    %dot_general3A_5 = tpu.matmul %get3A_1, %get3A_4, %dot_general3A {dimension_numbers = #tpu.dot_dimension_numbers<[1], [0], [0], [1], [0, 0, 1, 1], [], []>, transpose_lhs_hint = false} : vector<1000x128xf32>, vector<128x64xf32>, vector<1000x64xf32> -> vector<1000x64xf32>
    %swap3A = arith.constant 0 : index
    %swap3A_6 = arith.constant 0 : index
    %swap3A_7 = vector.load %arg3[%swap3A, %swap3A_6] : memref<1000x64xf32, #tpu.memory_space<vmem>>, vector<1000x64xf32>
    tpu.vector_store %arg3[%swap3A, %swap3A_6], %dot_general3A_5 {strides = array<i32>} : memref<1000x64xf32, #tpu.memory_space<vmem>>, vector<1000x64xf32>,
    return
  }
  func.func @transform_0(%arg0: i32) -> (i32, i32) {
    %c0_i32 = arith.constant 0 : i32
    %c0_i32_0 = arith.constant 0 : i32
    return %arg0, %c0_i32 : i32, i32
  }
  func.func @transform_1(%arg0: i32) -> (i32, i32) {
    %c0_i32 = arith.constant 0 : i32
    %c0_i32_0 = arith.constant 0 : i32
    %c0_i32_1 = arith.constant 0 : i32
    return %c0_i32, %c0_i32_0 : i32, i32
  }
  func.func @transform_2(%arg0: i32) -> (i32, i32) {
    %c0_i32 = arith.constant 0 : i32
    %c0_i32_0 = arith.constant 0 : i32
    return %arg0, %c0_i32 : i32, i32
  }
}

module attributes {stable_mosaic.version = 14 : i64} {
  func.func @body(%arg0: i32, %arg1: memref<1000x64xf32, #tpu.memory_space<vmem>>, %arg2: memref<2x1000x16xf32, #tpu.memory_space<vmem>>, %arg3: memref<1000x64xf32, #tpu.memory_space<vmem>>, %arg4: memref<1000x1xf32, #tpu.memory_space<vmem>>) attributes {dimension_semantics = [#tpu.dimension_semantics<arbitrary>], iteration_bounds = array<i64: 10>, scalar_prefetch = 0 : i64, scratch_operands = 0 : i64, tpu.core_type = #tpu.core_type<tc>, window_params = [{transform_indices = @transform_0, window_bounds = array<i64: 1000, 64>}, {transform_indices = @transform_1, window_bounds = array<i64: 2, 1000, 16>}, {transform_indices = @transform_2, window_bounds = array<i64: 1000, 64>}, {transform_indices = @transform_3, window_bounds = array<i64: 1000, 1>}]} {
    %get3A = arith.constant 0 : index
    %get3A_0 = arith.constant 0 : index
    %get3A_1 = arith.constant 0 : index
    %get3A_2 = vector.load %arg2[%get3A, %get3A_0, %get3A_1] : memref<2x1000x16xf32, #tpu.memory_space<vmem>>, vector<1x1000x1xf32>
    %get3A_3 = vector.shape_cast %get3A_2 : vector<1x1000x1xf32> to vector<1000x1xf32>
    %get3A_4 = arith.constant 1 : index
    %get3A_5 = arith.constant 0 : index
    %get3A_6 = arith.constant 0 : index
    %get3A_7 = vector.load %arg2[%get3A_4, %get3A_5, %get3A_6] : memref<2x1000x16xf32, #tpu.memory_space<vmem>>, vector<1x1000x1xf32>
    %get3A_8 = vector.shape_cast %get3A_7 : vector<1x1000x1xf32> to vector<1000x1xf32>
    %add3A = arith.addf %get3A_3, %get3A_8 : vector<1000x1xf32>
    %add3A_9 = arith.constant 1.000000e+00 : f32
    %add3A_10 = vector.broadcast %add3A_9 : f32 to vector<1000x1xf32>
    %add3A_11 = arith.addf %add3A, %add3A_10 : vector<1000x1xf32>
    %rsqrt3A = math.rsqrt %add3A_11 : vector<1000x1xf32>
    %swap3A = arith.constant 0 : index
    %swap3A_12 = arith.constant 0 : index
    %swap3A_13 = vector.load %arg4[%swap3A, %swap3A_12] : memref<1000x1xf32, #tpu.memory_space<vmem>>, vector<1000x1xf32>
    tpu.vector_store %arg4[%swap3A, %swap3A_12], %rsqrt3A {strides = array<i32>} : memref<1000x1xf32, #tpu.memory_space<vmem>>, vector<1000x1xf32>,
    %get3A_14 = arith.constant 0 : index
    %get3A_15 = arith.constant 0 : index
    %get3A_16 = vector.load %arg1[%get3A_14, %get3A_15] : memref<1000x64xf32, #tpu.memory_space<vmem>>, vector<1000x64xf32>
    %mul3A = vector.broadcast %rsqrt3A : vector<1000x1xf32> to vector<1000x64xf32>
    %mul3A_17 = arith.mulf %get3A_16, %mul3A : vector<1000x64xf32>
    %swap3A_18 = arith.constant 0 : index
    %swap3A_19 = arith.constant 0 : index
    %swap3A_20 = vector.load %arg3[%swap3A_18, %swap3A_19] : memref<1000x64xf32, #tpu.memory_space<vmem>>, vector<1000x64xf32>
    tpu.vector_store %arg3[%swap3A_18, %swap3A_19], %mul3A_17 {strides = array<i32>} : memref<1000x64xf32, #tpu.memory_space<vmem>>, vector<1000x64xf32>,
    return
  }
  func.func @transform_0(%arg0: i32) -> (i32, i32) {
    %c0_i32 = arith.constant 0 : i32
    %c0_i32_0 = arith.constant 0 : i32
    return %arg0, %c0_i32 : i32, i32
  }
  func.func @transform_1(%arg0: i32) -> (i32, i32, i32) {
    %c0_i32 = arith.constant 0 : i32
    %c0_i32_0 = arith.constant 0 : i32
    %c0_i32_1 = arith.constant 0 : i32
    return %c0_i32, %arg0, %c0_i32_0 : i32, i32, i32
  }
  func.func @transform_2(%arg0: i32) -> (i32, i32) {
    %c0_i32 = arith.constant 0 : i32
    %c0_i32_0 = arith.constant 0 : i32
    return %arg0, %c0_i32 : i32, i32
  }
  func.func @transform_3(%arg0: i32) -> (i32, i32) {
    %c0_i32 = arith.constant 0 : i32
    %c0_i32_0 = arith.constant 0 : i32
    return %arg0, %c0_i32 : i32, i32
  }
}

module attributes {stable_mosaic.version = 14 : i64} {
  func.func @body(%arg0: i32, %arg1: memref<2x1000x64xf32, #tpu.memory_space<vmem>>, %arg2: memref<1000x64xf32, #tpu.memory_space<vmem>>, %arg3: memref<1x64xf32, #tpu.memory_space<vmem>>, %arg4: memref<1000x1xf32, #tpu.memory_space<vmem>>, %arg5: memref<64x64xf32, #tpu.memory_space<vmem>>, %arg6: memref<1000x64xf32, #tpu.memory_space<vmem>>) attributes {dimension_semantics = [#tpu.dimension_semantics<arbitrary>], iteration_bounds = array<i64: 10>, scalar_prefetch = 0 : i64, scratch_operands = 0 : i64, tpu.core_type = #tpu.core_type<tc>, window_params = [{transform_indices = @transform_0, window_bounds = array<i64: 2, 1000, 64>}, {transform_indices = @transform_1, window_bounds = array<i64: 1000, 64>}, {pipeline_mode = #tpu.pipeline_mode<synchronous>, transform_indices = @transform_2, window_bounds = array<i64: 1, 64>}, {transform_indices = @transform_3, window_bounds = array<i64: 1000, 1>}, {pipeline_mode = #tpu.pipeline_mode<synchronous>, transform_indices = @transform_4, window_bounds = array<i64: 64, 64>}, {transform_indices = @transform_5, window_bounds = array<i64: 1000, 64>}]} {
    %get3A = arith.constant 0 : index
    %get3A_0 = arith.constant 0 : index
    %get3A_1 = vector.load %arg4[%get3A, %get3A_0] : memref<1000x1xf32, #tpu.memory_space<vmem>>, vector<1000x1xf32>
    %get3A_2 = arith.constant 0 : index
    %get3A_3 = arith.constant 0 : index
    %get3A_4 = arith.constant 0 : index
    %get3A_5 = vector.load %arg1[%get3A_2, %get3A_3, %get3A_4] : memref<2x1000x64xf32, #tpu.memory_space<vmem>>, vector<1x1000x64xf32>
    %get3A_6 = vector.shape_cast %get3A_5 : vector<1x1000x64xf32> to vector<1000x64xf32>
    %get3A_7 = arith.constant 1 : index
    %get3A_8 = arith.constant 0 : index
    %get3A_9 = arith.constant 0 : index
    %get3A_10 = vector.load %arg1[%get3A_7, %get3A_8, %get3A_9] : memref<2x1000x64xf32, #tpu.memory_space<vmem>>, vector<1x1000x64xf32>
    %get3A_11 = vector.shape_cast %get3A_10 : vector<1x1000x64xf32> to vector<1000x64xf32>
    %add3A = arith.addf %get3A_6, %get3A_11 : vector<1000x64xf32>
    %get3A_12 = arith.constant 0 : index
    %get3A_13 = arith.constant 0 : index
    %get3A_14 = vector.load %arg2[%get3A_12, %get3A_13] : memref<1000x64xf32, #tpu.memory_space<vmem>>, vector<1000x64xf32>
    %add3A_15 = arith.addf %add3A, %get3A_14 : vector<1000x64xf32>
    %mul3A = vector.broadcast %get3A_1 : vector<1000x1xf32> to vector<1000x64xf32>
    %mul3A_16 = arith.mulf %mul3A, %add3A_15 : vector<1000x64xf32>
    %get3A_17 = arith.constant 0 : index
    %get3A_18 = arith.constant 0 : index
    %get3A_19 = vector.load %arg3[%get3A_17, %get3A_18] : memref<1x64xf32, #tpu.memory_space<vmem>>, vector<1x64xf32>
    %add3A_20 = vector.broadcast %get3A_19 : vector<1x64xf32> to vector<1000x64xf32>
    %add3A_21 = arith.addf %mul3A_16, %add3A_20 : vector<1000x64xf32>
    %max3A = arith.constant 0.000000e+00 : f32
    %max3A_22 = vector.broadcast %max3A : f32 to vector<1000x64xf32>
    %max3A_23 = arith.maximumf %add3A_21, %max3A_22 : vector<1000x64xf32>
    %get3A_24 = arith.constant 0 : index
    %get3A_25 = arith.constant 0 : index
    %get3A_26 = vector.load %arg5[%get3A_24, %get3A_25] : memref<64x64xf32, #tpu.memory_space<vmem>>, vector<64x64xf32>
    %dot_general3A = arith.constant dense<0.000000e+00> : vector<1000x64xf32>
    %dot_general3A_27 = tpu.matmul %max3A_23, %get3A_26, %dot_general3A {dimension_numbers = #tpu.dot_dimension_numbers<[1], [0], [0], [1], [0, 0, 1, 1], [], []>, transpose_lhs_hint = false} : vector<1000x64xf32>, vector<64x64xf32>, vector<1000x64xf32> -> vector<1000x64xf32>
    %mul3A_28 = vector.broadcast %get3A_1 : vector<1000x1xf32> to vector<1000x64xf32>
    %mul3A_29 = arith.mulf %dot_general3A_27, %mul3A_28 : vector<1000x64xf32>
    %swap3A = arith.constant 0 : index
    %swap3A_30 = arith.constant 0 : index
    %swap3A_31 = vector.load %arg6[%swap3A, %swap3A_30] : memref<1000x64xf32, #tpu.memory_space<vmem>>, vector<1000x64xf32>
    tpu.vector_store %arg6[%swap3A, %swap3A_30], %mul3A_29 {strides = array<i32>} : memref<1000x64xf32, #tpu.memory_space<vmem>>, vector<1000x64xf32>,
    return
  }
  func.func @transform_0(%arg0: i32) -> (i32, i32, i32) {
    %c0_i32 = arith.constant 0 : i32
    %c0_i32_0 = arith.constant 0 : i32
    %c0_i32_1 = arith.constant 0 : i32
    return %c0_i32, %arg0, %c0_i32_0 : i32, i32, i32
  }
  func.func @transform_1(%arg0: i32) -> (i32, i32) {
    %c0_i32 = arith.constant 0 : i32
    %c0_i32_0 = arith.constant 0 : i32
    return %arg0, %c0_i32 : i32, i32
  }
  func.func @transform_2(%arg0: i32) -> (i32, i32) {
    %c0_i32 = arith.constant 0 : i32
    %c0_i32_0 = arith.constant 0 : i32
    %c0_i32_1 = arith.constant 0 : i32
    return %c0_i32, %c0_i32_0 : i32, i32
  }
  func.func @transform_3(%arg0: i32) -> (i32, i32) {
    %c0_i32 = arith.constant 0 : i32
    %c0_i32_0 = arith.constant 0 : i32
    return %arg0, %c0_i32 : i32, i32
  }
  func.func @transform_4(%arg0: i32) -> (i32, i32) {
    %c0_i32 = arith.constant 0 : i32
    %c0_i32_0 = arith.constant 0 : i32
    %c0_i32_1 = arith.constant 0 : i32
    return %c0_i32, %c0_i32_0 : i32, i32
  }
  func.func @transform_5(%arg0: i32) -> (i32, i32) {
    %c0_i32 = arith.constant 0 : i32
    %c0_i32_0 = arith.constant 0 : i32
    return %arg0, %c0_i32 : i32, i32
  }
}

module attributes {stable_mosaic.version = 14 : i64} {
  func.func @body(%arg0: i32, %arg1: memref<2x1000x64xf32, #tpu.memory_space<vmem>>, %arg2: memref<1000x64xf32, #tpu.memory_space<vmem>>, %arg3: memref<1x64xf32, #tpu.memory_space<vmem>>, %arg4: memref<1000x1xf32, #tpu.memory_space<vmem>>, %arg5: memref<1x1x1000xi32, #tpu.memory_space<vmem>>, %arg6: memref<64x15xf32, #tpu.memory_space<vmem>>, %arg7: memref<1x15xf32, #tpu.memory_space<vmem>>, %arg8: memref<100x65xf32, #tpu.memory_space<vmem>>, %arg9: memref<100x15xf32, #tpu.memory_space<vmem>>) attributes {dimension_semantics = [#tpu.dimension_semantics<arbitrary>], iteration_bounds = array<i64: 10>, scalar_prefetch = 0 : i64, scratch_operands = 0 : i64, tpu.core_type = #tpu.core_type<tc>, window_params = [{transform_indices = @transform_0, window_bounds = array<i64: 2, 1000, 64>}, {transform_indices = @transform_1, window_bounds = array<i64: 1000, 64>}, {pipeline_mode = #tpu.pipeline_mode<synchronous>, transform_indices = @transform_2, window_bounds = array<i64: 1, 64>}, {transform_indices = @transform_3, window_bounds = array<i64: 1000, 1>}, {transform_indices = @transform_4, window_bounds = array<i64: 1, 1, 1000>}, {pipeline_mode = #tpu.pipeline_mode<synchronous>, transform_indices = @transform_5, window_bounds = array<i64: 64, 15>}, {pipeline_mode = #tpu.pipeline_mode<synchronous>, transform_indices = @transform_6, window_bounds = array<i64: 1, 15>}, {pipeline_mode = #tpu.pipeline_mode<synchronous>, transform_indices = @transform_7, window_bounds = array<i64: 100, 65>}, {pipeline_mode = #tpu.pipeline_mode<synchronous>, transform_indices = @transform_8, window_bounds = array<i64: 100, 15>}]} {
    %get3A = arith.constant 0 : index
    %get3A_0 = arith.constant 0 : index
    %get3A_1 = vector.load %arg4[%get3A, %get3A_0] : memref<1000x1xf32, #tpu.memory_space<vmem>>, vector<1000x1xf32>
    %get3A_2 = arith.constant 0 : index
    %get3A_3 = arith.constant 0 : index
    %get3A_4 = arith.constant 0 : index
    %get3A_5 = vector.load %arg1[%get3A_2, %get3A_3, %get3A_4] : memref<2x1000x64xf32, #tpu.memory_space<vmem>>, vector<1x1000x64xf32>
    %get3A_6 = vector.shape_cast %get3A_5 : vector<1x1000x64xf32> to vector<1000x64xf32>
    %get3A_7 = arith.constant 1 : index
    %get3A_8 = arith.constant 0 : index
    %get3A_9 = arith.constant 0 : index
    %get3A_10 = vector.load %arg1[%get3A_7, %get3A_8, %get3A_9] : memref<2x1000x64xf32, #tpu.memory_space<vmem>>, vector<1x1000x64xf32>
    %get3A_11 = vector.shape_cast %get3A_10 : vector<1x1000x64xf32> to vector<1000x64xf32>
    %add3A = arith.addf %get3A_6, %get3A_11 : vector<1000x64xf32>
    %get3A_12 = arith.constant 0 : index
    %get3A_13 = arith.constant 0 : index
    %get3A_14 = vector.load %arg2[%get3A_12, %get3A_13] : memref<1000x64xf32, #tpu.memory_space<vmem>>, vector<1000x64xf32>
    %add3A_15 = arith.addf %add3A, %get3A_14 : vector<1000x64xf32>
    %mul3A = vector.broadcast %get3A_1 : vector<1000x1xf32> to vector<1000x64xf32>
    %mul3A_16 = arith.mulf %mul3A, %add3A_15 : vector<1000x64xf32>
    %get3A_17 = arith.constant 0 : index
    %get3A_18 = arith.constant 0 : index
    %get3A_19 = vector.load %arg3[%get3A_17, %get3A_18] : memref<1x64xf32, #tpu.memory_space<vmem>>, vector<1x64xf32>
    %add3A_20 = vector.broadcast %get3A_19 : vector<1x64xf32> to vector<1000x64xf32>
    %add3A_21 = arith.addf %mul3A_16, %add3A_20 : vector<1000x64xf32>
    %max3A = arith.constant 0.000000e+00 : f32
    %max3A_22 = vector.broadcast %max3A : f32 to vector<1000x64xf32>
    %max3A_23 = arith.maximumf %add3A_21, %max3A_22 : vector<1000x64xf32>
    %broadcast_in_dim3A = arith.constant 1.000000e+00 : f32
    %broadcast_in_dim3A_24 = vector.broadcast %broadcast_in_dim3A : f32 to vector<1000x1xf32>
    %concatenate3A = tpu.concatenate %max3A_23, %broadcast_in_dim3A_24 in 1 : vector<1000x64xf32>, vector<1000x1xf32> -> vector<1000x65xf32>
    %iota3A = tpu.iota {dimensions = array<i32: 0>} : vector<100x1000xi32>
    %get3A_25 = arith.constant 0 : index
    %get3A_26 = arith.constant 0 : index
    %get3A_27 = arith.constant 0 : index
    %get3A_28 = vector.load %arg5[%get3A_25, %get3A_26, %get3A_27] : memref<1x1x1000xi32, #tpu.memory_space<vmem>>, vector<1x1x1000xi32>
    %get3A_29 = vector.shape_cast %get3A_28 : vector<1x1x1000xi32> to vector<1x1000xi32>
    %eq3A = vector.broadcast %get3A_29 : vector<1x1000xi32> to vector<100x1000xi32>
    %eq3A_30 = arith.cmpi eq, %iota3A, %eq3A : vector<100x1000xi32>
    %convert_element_type3A = arith.extui %eq3A_30 : vector<100x1000xi1> to vector<100x1000xi32>
    %convert_element_type3A_31 = arith.sitofp %convert_element_type3A : vector<100x1000xi32> to vector<100x1000xf32>
    %dot_general3A = arith.constant dense<0.000000e+00> : vector<100x65xf32>
    %dot_general3A_32 = tpu.matmul %convert_element_type3A_31, %concatenate3A, %dot_general3A {dimension_numbers = #tpu.dot_dimension_numbers<[1], [0], [0], [1], [0, 0, 1, 1], [], []>, transpose_lhs_hint = false} : vector<100x1000xf32>, vector<1000x65xf32>, vector<100x65xf32> -> vector<100x65xf32>
    %eq3A_33 = arith.constant 0 : i32
    %eq3A_34 = arith.cmpi eq, %arg0, %eq3A_33 : i32
    %convert_element_type3A_35 = arith.extui %eq3A_34 : i1 to i32
    %cond3A = arith.constant 0 : i32
    %cond3A_36 = arith.cmpi ne, %convert_element_type3A_35, %cond3A : i32
    scf.if %cond3A_36 {
      %broadcast_in_dim3A_48 = arith.constant 0.000000e+00 : f32
      %broadcast_in_dim3A_49 = vector.broadcast %broadcast_in_dim3A_48 : f32 to vector<100x65xf32>
      %swap3A_50 = arith.constant 0 : index
      %swap3A_51 = arith.constant 0 : index
      %swap3A_52 = vector.load %arg8[%swap3A_50, %swap3A_51] : memref<100x65xf32, #tpu.memory_space<vmem>>, vector<100x65xf32>
      tpu.vector_store %arg8[%swap3A_50, %swap3A_51], %broadcast_in_dim3A_49 {strides = array<i32>} : memref<100x65xf32, #tpu.memory_space<vmem>>, vector<100x65xf32>,
    } else {
    }
    %get3A_37 = arith.constant 0 : index
    %get3A_38 = arith.constant 0 : index
    %get3A_39 = vector.load %arg8[%get3A_37, %get3A_38] : memref<100x65xf32, #tpu.memory_space<vmem>>, vector<100x65xf32>
    %add3A_40 = arith.addf %get3A_39, %dot_general3A_32 : vector<100x65xf32>
    %swap3A = arith.constant 0 : index
    %swap3A_41 = arith.constant 0 : index
    %swap3A_42 = vector.load %arg8[%swap3A, %swap3A_41] : memref<100x65xf32, #tpu.memory_space<vmem>>, vector<100x65xf32>
    tpu.vector_store %arg8[%swap3A, %swap3A_41], %add3A_40 {strides = array<i32>} : memref<100x65xf32, #tpu.memory_space<vmem>>, vector<100x65xf32>,
    %eq3A_43 = arith.constant 9 : i32
    %eq3A_44 = arith.cmpi eq, %arg0, %eq3A_43 : i32
    %convert_element_type3A_45 = arith.extui %eq3A_44 : i1 to i32
    %cond3A_46 = arith.constant 0 : i32
    %cond3A_47 = arith.cmpi ne, %convert_element_type3A_45, %cond3A_46 : i32
    scf.if %cond3A_47 {
      %get3A_48 = arith.constant 0 : index
      %get3A_49 = arith.constant 0 : index
      %get3A_50 = vector.load %arg8[%get3A_48, %get3A_49] : memref<100x65xf32, #tpu.memory_space<vmem>>, vector<100x65xf32>
      %slice3A = vector.extract_strided_slice %get3A_50 {offsets = [0, 0], sizes = [100, 64], strides = [1, 1]} : vector<100x65xf32> to vector<100x64xf32>
      %slice3A_51 = vector.extract_strided_slice %get3A_50 {offsets = [0, 64], sizes = [100, 1], strides = [1, 1]} : vector<100x65xf32> to vector<100x1xf32>
      %max3A_52 = arith.constant 1.000000e+00 : f32
      %max3A_53 = vector.broadcast %max3A_52 : f32 to vector<100x1xf32>
      %max3A_54 = arith.maximumf %slice3A_51, %max3A_53 : vector<100x1xf32>
      %div3A = vector.broadcast %max3A_54 : vector<100x1xf32> to vector<100x64xf32>
      %div3A_55 = arith.divf %slice3A, %div3A : vector<100x64xf32>
      %get3A_56 = arith.constant 0 : index
      %get3A_57 = arith.constant 0 : index
      %get3A_58 = vector.load %arg6[%get3A_56, %get3A_57] : memref<64x15xf32, #tpu.memory_space<vmem>>, vector<64x15xf32>
      %dot_general3A_59 = arith.constant dense<0.000000e+00> : vector<100x15xf32>
      %dot_general3A_60 = tpu.matmul %div3A_55, %get3A_58, %dot_general3A_59 {dimension_numbers = #tpu.dot_dimension_numbers<[1], [0], [0], [1], [0, 0, 1, 1], [], []>, transpose_lhs_hint = false} : vector<100x64xf32>, vector<64x15xf32>, vector<100x15xf32> -> vector<100x15xf32>
      %get3A_61 = arith.constant 0 : index
      %get3A_62 = arith.constant 0 : index
      %get3A_63 = vector.load %arg7[%get3A_61, %get3A_62] : memref<1x15xf32, #tpu.memory_space<vmem>>, vector<1x15xf32>
      %add3A_64 = vector.broadcast %get3A_63 : vector<1x15xf32> to vector<100x15xf32>
      %add3A_65 = arith.addf %dot_general3A_60, %add3A_64 : vector<100x15xf32>
      %reduce_max3A = arith.constant dense<0xFF800000> : vector<100xf32>
      %reduce_max3A_66 = vector.multi_reduction <maximumf>, %add3A_65, %reduce_max3A [1] : vector<100x15xf32> to vector<100xf32>
      %broadcast_in_dim3A_67 = vector.shape_cast %reduce_max3A_66 : vector<100xf32> to vector<100x1xf32>
      %sub3A = vector.broadcast %broadcast_in_dim3A_67 : vector<100x1xf32> to vector<100x15xf32>
      %sub3A_68 = arith.subf %add3A_65, %sub3A : vector<100x15xf32>
      %exp3A = math.exp %sub3A_68 : vector<100x15xf32>
      %reduce_sum3A = arith.constant dense<0.000000e+00> : vector<100xf32>
      %reduce_sum3A_69 = vector.multi_reduction <add>, %exp3A, %reduce_sum3A [1] : vector<100x15xf32> to vector<100xf32>
      %broadcast_in_dim3A_70 = vector.shape_cast %reduce_sum3A_69 : vector<100xf32> to vector<100x1xf32>
      %log3A = math.log %broadcast_in_dim3A_70 : vector<100x1xf32>
      %add3A_71 = arith.addf %log3A, %broadcast_in_dim3A_67 : vector<100x1xf32>
      %sub3A_72 = vector.broadcast %add3A_71 : vector<100x1xf32> to vector<100x15xf32>
      %sub3A_73 = arith.subf %add3A_65, %sub3A_72 : vector<100x15xf32>
      %swap3A_74 = arith.constant 0 : index
      %swap3A_75 = arith.constant 0 : index
      %swap3A_76 = vector.load %arg9[%swap3A_74, %swap3A_75] : memref<100x15xf32, #tpu.memory_space<vmem>>, vector<100x15xf32>
      tpu.vector_store %arg9[%swap3A_74, %swap3A_75], %sub3A_73 {strides = array<i32>} : memref<100x15xf32, #tpu.memory_space<vmem>>, vector<100x15xf32>,
    } else {
    }
    return
  }
  func.func @transform_0(%arg0: i32) -> (i32, i32, i32) {
    %c0_i32 = arith.constant 0 : i32
    %c0_i32_0 = arith.constant 0 : i32
    %c0_i32_1 = arith.constant 0 : i32
    return %c0_i32, %arg0, %c0_i32_0 : i32, i32, i32
  }
  func.func @transform_1(%arg0: i32) -> (i32, i32) {
    %c0_i32 = arith.constant 0 : i32
    %c0_i32_0 = arith.constant 0 : i32
    return %arg0, %c0_i32 : i32, i32
  }
  func.func @transform_2(%arg0: i32) -> (i32, i32) {
    %c0_i32 = arith.constant 0 : i32
    %c0_i32_0 = arith.constant 0 : i32
    %c0_i32_1 = arith.constant 0 : i32
    return %c0_i32, %c0_i32_0 : i32, i32
  }
  func.func @transform_3(%arg0: i32) -> (i32, i32) {
    %c0_i32 = arith.constant 0 : i32
    %c0_i32_0 = arith.constant 0 : i32
    return %arg0, %c0_i32 : i32, i32
  }
  func.func @transform_4(%arg0: i32) -> (i32, i32, i32) {
    %c0_i32 = arith.constant 0 : i32
    %c0_i32_0 = arith.constant 0 : i32
    %c0_i32_1 = arith.constant 0 : i32
    return %arg0, %c0_i32, %c0_i32_0 : i32, i32, i32
  }
  func.func @transform_5(%arg0: i32) -> (i32, i32) {
    %c0_i32 = arith.constant 0 : i32
    %c0_i32_0 = arith.constant 0 : i32
    %c0_i32_1 = arith.constant 0 : i32
    return %c0_i32, %c0_i32_0 : i32, i32
  }
  func.func @transform_6(%arg0: i32) -> (i32, i32) {
    %c0_i32 = arith.constant 0 : i32
    %c0_i32_0 = arith.constant 0 : i32
    %c0_i32_1 = arith.constant 0 : i32
    return %c0_i32, %c0_i32_0 : i32, i32
  }
  func.func @transform_7(%arg0: i32) -> (i32, i32) {
    %c0_i32 = arith.constant 0 : i32
    %c0_i32_0 = arith.constant 0 : i32
    %c0_i32_1 = arith.constant 0 : i32
    return %c0_i32, %c0_i32_0 : i32, i32
  }
  func.func @transform_8(%arg0: i32) -> (i32, i32) {
    %c0_i32 = arith.constant 0 : i32
    %c0_i32_0 = arith.constant 0 : i32
    %c0_i32_1 = arith.constant 0 : i32
    return %c0_i32, %c0_i32_0 : i32, i32
  }
}

</mosaic_0001>

<sc_bundles>
// kernel: kernel.11.cloned.1.call-start
scs
__scs_entry_jumppad:
0x0: {  	(pc) =	sbr.rel $0x88, $3  }
0x1: {  	(tag) =	ssettag $0x0;
	lr =	simm.s32 $0x1  }
0x2: {  	[smem:$0x3F96] =	sst lr;
	_ =	strace $0xD0000000  }
0x3: {  	_ = 	snop  }
0x4: {  	_ = 	snop  }
0x5: {  	_ = 	snop  }
0x6: {  	_ = 	snop  }
0x7: {  	_ = 	snop  }
__scs_overlays_trampoline_lowered:
0x8: {  	[smem:$0x3FA5] =	sst s0  }
0x9: {  	[smem:$0x3FA6] =	sst s1  }
0xa: {  	[smem:$0x3FA7] =	sst s2  }
0xb: {  	[smem:$0x3FA8] =	sst s3  }
0xc: {  	[smem:$0x3FA9] =	sst s4  }
0xd: {  	[smem:$0x3FAA] =	sst s5  }
0xe: {  	[smem:$0x3FAB] =	sst s6  }
0xf: {  	[smem:$0x3FAC] =	sst s7  }
0x10: {  	[smem:$0x3FAD] =	sst s8  }
0x11: {  	[smem:$0x3FAE] =	sst s9;
	s0 =	simm.s32 @!p0 $0x0  }
0x12: {  	s1 =	sld [smem:$0x3F94];
	s0 =	simm.s32 @p0 $0x1  }
0x13: {  	[smem:$0x3FAF] =	sst s0;
	s0 =	simm.s32 @!p1 $0x0  }
0x14: {  	s2 =	sld [smem:$0x3F93];
	s0 =	simm.s32 @p1 $0x1  }
0x15: {  	[smem:$0x3FB0] =	sst s0;
	s0 =	simm.s32 @!p2 $0x0  }
0x16: {  	s3 =	sld [smem:$0x3FDB];
	s0 =	simm.s32 @p2 $0x1  }
0x17: {  	s4 =	simm.s32 $0x1BF5;
	[smem:$0x3FB2] =	sst s0  }
0x18: {  	s0 =	sld [smem:$0x3F95];
	_ =	swait.ge [sflag:s4], $0x0  }
0x19: {  	s7 =	sld [smem:$0x3F96]  }
0x1a: {  	s8 =	sadd.s32 $0xFFFFE003, lr  }
0x1b: {  	s9 =	sadd.s32 $0xFFFFFEF7, lr;
	s5 =	simm.s32 $0xFFFFFFFF;
	p2 =	slt.u32 s8, $0xFFFFF086  }
0x1c: {  	p1 =	slt.u32 s9, $0xF7A;
	s5 =	simm.s32 @!p2 $0x0  }
0x1d: {  	s5 =	simm.s32 @p1 $0x1;
	p0 =	seq.s32 s7, s2  }
0x1e: {  	s7 =	smul.u32 @!p0 $0xF7A, s2;
	p2 =	seq.s32 @!p0 s5, $0x0  }
0x1f: {  	s9 =	smul.u32 $0xF7A, s1;
	s8 =	simm.s32 @!p0 $0x1BF5;
	p2 =	por !p2, p0  }
0x20: {  	[sflag:s8] =	ssyncset.s32 @!p0 $0xFFFFF086;
	s6 =	sadd.s32 @!p0 s3, s7;
	s7 =	simm.s32 @!p0 $0x108  }
0x21: {  	s3 =	sadd.s32 s3, s9;
	s6 =	sadd.s32 @!p0 $0x88, s6;
	s7 =	simm.s32 @p2 $0x1082  }
0x22: {  	[simem:s7], [sflag:s8] =	dma.local @!p0 [hbm:s6], $0xF7A  }
0x23: {  	s9 =	sor.u32 $0xD0000000, s2;
	s6 =	simm.s32 $0x108;
	_ =	swait.ge @!p0 [sflag:s8], $0x0  }
0x24: {  	s3 =	sadd.s32 $0x88, s3;
	s6 =	simm.s32 @!p1 $0x1082;
	[sflag:s4] =	ssyncset.s32 $0xFFFFF086  }
0x25: {  	[simem:s6], [sflag:s4] =	dma.local [hbm:s3], $0xF7A  }
0x26: {  	[smem:$0x3F96] =	sst s1;
	(tag) =	ssettag s2;
	_ =	strace s9  }
0x27: {  	s1 =	sld [smem:$0x3FA6]  }
0x28: {  	s2 =	sld [smem:$0x3FA7]  }
0x29: {  	s4 =	sld [smem:$0x3FA9]  }
0x2a: {  	p0 =	seq.s32 s5, $0x0;
	s5 =	sld [smem:$0x3FAA]  }
0x2b: {  	s6 =	sld [smem:$0x3FAB]  }
0x2c: {  	s7 =	sld [smem:$0x3FAC]  }
0x2d: {  	s3 =	simm.s32 $0x108;
	s8 =	sld [smem:$0x3FAD]  }
0x2e: {  	s3 =	simm.s32 @!p0 $0x1082;
	s9 =	sld [smem:$0x3FAE]  }
0x2f: {  	lr =	sadd.s32 s0, s3;
	s0 =	sld [smem:$0x3FA5]  }
0x30: {  	s3 =	sld [smem:$0x3FA8]  }
0x31: {  	[smem:$0x3FB1] =	sst s10  }
0x32: {  	s10 =	sld [smem:$0x3FAF];
	_ =	sdelay $0x3  }
0x33: {  	p0 =	seq.s32 s10, $0x1;
	s10 =	sld [smem:$0x3FB1];
	_ =	sdelay $0x3  }
0x34: {  	[smem:$0x3FB1] =	sst s10  }
0x35: {  	s10 =	sld [smem:$0x3FB0];
	_ =	sdelay $0x3  }
0x36: {  	p1 =	seq.s32 s10, $0x1;
	s10 =	sld [smem:$0x3FB1];
	_ =	sdelay $0x3  }
0x37: {  	[smem:$0x3FB1] =	sst s10  }
0x38: {  	s10 =	sld [smem:$0x3FB2]  }
0x39: {  	_ = 	snop;
	(pc) =	sbr.ind lr, $3  }
0x3a: {  	_ = 	snop  }
0x3b: {  	_ = 	snop  }
0x3c: {  	p2 =	seq.s32 s10, $0x1;
	s10 =	sld [smem:$0x3FB1]  }
0x3d: {  	_ =	shalt  }
0x3e: {  	_ =	shalt  }
0x3f: {  	_ =	shalt  }
0x40: {  	_ =	shalt  }
0x41: {  	_ =	shalt  }
0x42: {  	_ =	shalt  }
0x43: {  	_ =	shalt  }
0x44: {  	_ =	shalt  }
0x45: {  	_ =	shalt  }
0x46: {  	_ =	shalt  }
0x47: {  	_ =	shalt  }
0x48: {  	_ =	shalt  }
0x49: {  	_ =	shalt  }
0x4a: {  	_ =	shalt  }
0x4b: {  	_ =	shalt  }
0x4c: {  	_ =	shalt  }
0x4d: {  	_ =	shalt  }
0x4e: {  	_ =	shalt  }
0x4f: {  	_ =	shalt  }
0x50: {  	_ =	shalt  }
0x51: {  	_ =	shalt  }
0x52: {  	_ =	shalt  }
0x53: {  	_ =	shalt  }
0x54: {  	_ =	shalt  }
0x55: {  	_ =	shalt  }
0x56: {  	_ =	shalt  }
0x57: {  	_ =	shalt  }
0x58: {  	_ =	shalt  }
0x59: {  	_ =	shalt  }
0x5a: {  	_ =	shalt  }
0x5b: {  	_ =	shalt  }
0x5c: {  	_ =	shalt  }
0x5d: {  	_ =	shalt  }
0x5e: {  	_ =	shalt  }
0x5f: {  	_ =	shalt  }
0x60: {  	_ =	shalt  }
0x61: {  	_ =	shalt  }
0x62: {  	_ =	shalt  }
0x63: {  	_ =	shalt  }
0x64: {  	_ =	shalt  }
0x65: {  	_ =	shalt  }
0x66: {  	_ =	shalt  }
0x67: {  	_ =	shalt  }
0x68: {  	_ =	shalt  }
0x69: {  	_ =	shalt  }
0x6a: {  	_ =	shalt  }
0x6b: {  	_ =	shalt  }
0x6c: {  	_ =	shalt  }
0x6d: {  	_ =	shalt  }
0x6e: {  	_ =	shalt  }
0x6f: {  	_ =	shalt  }
0x70: {  	_ =	shalt  }
0x71: {  	_ =	shalt  }
0x72: {  	_ =	shalt  }
0x73: {  	_ =	shalt  }
0x74: {  	_ =	shalt  }
0x75: {  	_ =	shalt  }
0x76: {  	_ =	shalt  }
0x77: {  	_ =	shalt  }
0x78: {  	_ =	shalt  }
0x79: {  	_ =	shalt  }
0x7a: {  	_ =	shalt  }
0x7b: {  	_ =	shalt  }
0x7c: {  	_ =	shalt  }
0x7d: {  	_ =	shalt  }
0x7e: {  	_ =	shalt  }
0x7f: {  	_ =	shalt  }
0x80: {  	_ =	shalt  }
0x81: {  	_ =	shalt  }
0x82: {  	_ =	shalt  }
0x83: {  	_ =	shalt  }
0x84: {  	_ =	shalt  }
0x85: {  	_ =	shalt  }
0x86: {  	_ =	shalt  }
0x87: {  	_ =	shalt  }
.Lfunc_end0:
.L_simem_size_0:
called_computation_lowered:
.L_overlay_start_0:
0x88: {  	s2 =	sld [smem:$0x3FD9]  }
0x89: {  	s3 =	sld [smem:$0x3FFE];
	_ =	sdelay $0x1  }
0x8a: {  	s1 =	srdreg.scid  }
0x8b: {  	s0 =	sand.u32 $0x1, s1  }
0x8c: {  	s16 =	sshll.u32 s0, $0xA;
	s2 =	sadd.s32 s3, s2  }
0x8d: {  	s2 =	sadd.s32 s2, s16  }
0x8e: {  	[smem:$0x3FBD] =	sst s2  }
0x8f: {  	_ = 	snop  }
0x90: {  	(tm) =	ssettm $0x1  }
0x91: {  	s17 =	sld [smem:$0x3FFB];
	_ =	sdelay $0x3  }
0x92: {  	_ =	strace s17  }
0x93: {  	s2 =	sld [smem:$0x3FFC];
	_ =	sdelay $0x3  }
0x94: {  	_ =	strace s2  }
0x95: {  	s2 =	sld [smem:$0x3FFD];
	_ =	sdelay $0x3  }
0x96: {  	_ =	strace s2  }
0x97: {  	_ =	strace $0x8FFFFFFF  }
0x98: {  	s18 =	sld [smem:$0x3FDB];
	_ =	sdelay $0x1  }
0x99: {  	s19 =	simm.s32 $_scs_section_size  }
0x9a: {  	s4 =	simm.s32 $_size__tile_overlayer_lowered;
	s5 =	simm.s32 $_tile_overlayer_lowered  }
0x9b: {  	s22 =	simm.s32 $0x1BFF;
	s21 =	sshll.u32 s5, $0x1;
	s2 =	sadd.s32 s19, s18  }
0x9c: {  	s6 =	simm.s32 $0x0;
	s20 =	sshll.u32 s4, $0x1;
	s4 =	sadd.s32 s21, s2  }
0x9d: {  	[timem:s6], [sflag:s22] =	dma.local [hbm:s4], s20  }
0x9e: {  	_ =	swait.ge [sflag:s22], s20  }
0x9f: {  	s3 =	ssub.s32 $0x0, s20;
	[sflag:s22] =	ssyncset.done $0x0  }
0xa0: {  	[sflag:s22] =	ssyncadd.s32 s3;
	_ =	sdelay $0x1  }
0xa1: {  	s23 =	simm.s32 $0x1B8B  }
0xa2: {  	_ =	swait.ge [sflag:s23], $0x1  }
0xa3: {  	[sflag:s23] =	ssyncset.done $0x0  }
0xa4: {  	s25 =	simm.s32 $0x1B8E;
	s24 =	sld [smem:$0x3FFE];
	[sflag:s23] =	ssyncadd.s32 $0xFFFFFFFF  }
0xa5: {  	s26 =	simm.s32 $execute0_lowered;
	[smem:$0x3FD2] =	sst s25  }
0xa6: {  	s4 =	sshll.u32 s26, $0x1;
	_ =	strace $0x80000046;
	[dreg:$0x1] =	wrdreg $0xFFFFFFFF  }
0xa7: {  	s28 =	simm.s32 $_size_execute0_lowered;
	s2 =	sadd.s32 s2, s4;
	[dreg:$0x0] =	wrdreg $0x0  }
0xa8: {  	s4 =	sshll.u32 s28, $0x1;
	[dreg:$0x2] =	wrdreg s2  }
0xa9: {  	[dreg:$0x3] =	wrdreg s4  }
0xaa: {  	[dreg:$0x4] =	wrdreg $0xC0  }
0xab: {  	_ =	task [dreg:s6], $0x5FFFF  }
0xac: {  	[dreg:$0x1] =	wrdreg $0xFFFFFFFF  }
0xad: {  	[dreg:$0x0] =	wrdreg $0x60  }
0xae: {  	[dreg:$0x2] =	wrdreg s24  }
0xaf: {  	[dreg:$0x3] =	wrdreg $0x37D00  }
0xb0: {  	[dreg:$0x4] =	wrdreg $0x9  }
0xb1: {  	_ =	task.clear_ibuf [dreg:s6], $0x5FFFF;
	_ =	strace $0x90000046  }
0xb2: {  	s29 =	simm.s32 $0x9;
	_ =	strace $0x80000048  }
0xb3: {  	_ =	swait.ge [sflag:s29], $0x1  }
0xb4: {  	[sflag:s29] =	ssyncadd.s32 $0xFFFFFFFF  }
0xb5: {  	_ =	strace $0x90000048  }
0xb6: {  	_ =	sfence  }
0xb7: {  	s30 =	sld [smem:$0x0];
	_ =	sdelay $0x2  }
0xb8: {  	s31 =	sshll.u32 s1, $0xD;
	s1 =	sshrl.u32 s1, $0x2  }
0xb9: {  	s3 =	sand.u32 $0x4000, s31;
	s1 =	sadd.s32 s1, s30  }
0xba: {  	s0 =	sor.u32 s3, s0;
	s1 =	sshll.u32 s1, $0x11  }
0xbb: {  	s0 =	sor.u32 s1, s0  }
0xbc: {  	s0 =	sadd.s32 $0x8F2B, s0  }
0xbd: {  	[sflag:s0] =	ssyncadd.remote.s32 $0x1  }
0xbe: {  	_ =	sfence.sel $0xFFFF  }
0xbf: {  	[dreg:$0x0] =	wrdreg $0xFFFFFFFF;
	(pc) =	sbr.abs _section_cstart, $3  }
0xc0: {  	[dreg:$0x1] =	wrdreg $0xFFFFFFFF  }
0xc1: {  	_ =	task.clear_ibuf [dreg:s6], $0x2FFFF;
	_ =	strace $0x9FFFFFFF  }
0xc2: {  	(tm) =	ssettm $0x7FFFFFFF  }
0xc3: {  	_ =	shalt  }
tec
execute0_lowered:
.L_overlay_start_1:
0x0: {  	(tag) =	ssettag $0x1  }
0x1: {  	s4 =	rddreg [dreg:$0x0]  }
0x2: {  	s2 =	rddreg [dreg:$0x1];
	s1 =	srdreg.scid  }
0x3: {  	s0 =	rddreg [dreg:$0x2];
	s3 =	simm.s32 $0x0;
	s12 =	simm.s32 $0x6  }
0x4: {  	s13 =	simm.s32 $0x2FD0;
	s14 =	simm.s32 $0x7D;
	s15 =	simm.s32 $0x2800  }
0x5: {  	s16 =	simm.s32 $0x80;
	s17 =	simm.s32 $0x100;
	s18 =	simm.s32 $0x180  }
0x6: {  	s19 =	simm.s32 $0x200;
	s20 =	simm.s32 $0x1;
	s21 =	simm.s32 $0x2  }
0x7: {  	s22 =	simm.s32 $0x3;
	s23 =	simm.s32 $0x4;
	s5 =	sand.u32 $0x1, s1  }
0x8: {  	s24 =	simm.s32 $0x5;
	s1 =	stileid.u32;
	s6 =	smul.u32 $0x28000, s5  }
0x9: {  	s26 =	simm.s32 $0x0;
	[smem:$0x7FF] =	sst s3;
	s7 =	smul.u32 $0x2800, s1  }
0xa: {  	s8 =	sshll.u32 s5, $0x4;
	_ =	strace $0x80000047;
	s5 =	ssub.s32 $0x2, s5  }
0xb: {  	s9 =	smul.u32 $0xA000, s1;
	s8 =	sor.u32 s1, s8;
	s10 =	sshrl.u32 s5, $0x1  }
0xc: {  	s6 =	sadd.s32 s7, s6;
	s8 =	smul.u32 $0x2800, s8;
	s10 =	ssub.s32 s5, s10  }
0xd: {  	s31 =	sshrl.u32 s9, $0x2;
	s25 =	sadd.s32 s7, s2;
	s6 =	sshrl.u32 s6, $0x3  }
0xe: {  	s5 =	sadd.s32 s31, s2;
	s7 =	smax.u32 s10, $0x1;
	s25 =	sshrl.u32 s25, $0x3  }
0xf: {  	s6 =	sadd.s32 s6, s4;
	s8 =	sshrl.u32 s8, $0x3;
	s9 =	sadd.s32 $0x1000, s5  }
0x10: {  	s10 =	sadd.s32 $0x1800, s5;
	s11 =	sadd.s32 $0x2000, s5;
	s4 =	sadd.s32 s4, s8  }
0x11: {  	v0 =	vimm.f32 $1.000000000e+00;
	v1 =	vimm.f32 $0.0e+00;
	s6 =	sadd.s32 $0x16E00, s6;
	s8 =	sadd.s32 $0x800, s5;
	s4 =	sadd.s32 $0xCE00, s4  }
.LBB2_1:
0x12: {  	[tilespmem:s3], [sflag:$0x6] =	stream.linear.gather [hbm4b:s4+s3], $0x2800, $0x38;
	[tilespmem:$0x5FD0] =	vst v63  }
0x13: {  	_ =	swait.ge [sflag:s12], $0x2800  }
0x14: {  	[sflag:s12] =	ssyncset.done $0x0  }
0x15: {  	s28 =	simm.s32 $0x0;
	[sflag:s12] =	ssyncadd.s32 $0xFFFFD800  }
.LBB2_2:
0x16: {  	p0 =	sne.s32 s28, $0x1F00  }
.Ltmp0:
0x17: {  	_ = 	snop;
	(pc) =	sbr.rel @p0 .LBB2_2-.Ltmp0, $3  }
0x18: {  	_ =	sdelay $0x1  }
0x19: {  	s29 =	sshra.s32 s28, $0x2  }
0x1a: {  	s28 =	sadd.s32 $0x40, s28;
	[tilespmem:s29+$0x2800] =	vst v0  }
0x1b: {  	s28 =	simm.s32 $0x40;
	s29 =	simm.s32 $0x0  }
.LBB2_4:
0x1c: {  	p0 =	sne.s32 s28, $0x1FC0;
	[tilespmem:s29+$0x2FD0] =	vst v1;
	s29 =	smov.u32 s28;
	s28 =	sadd.s32 $0x40, s28  }
.Ltmp1:
0x1d: {  	(pc) =	sbr.rel @p0 .LBB2_4-.Ltmp1, $2  }
0x1e: {  	_ =	sdelay $0x2  }
0x1f: {  	s29 =	sshra.s32 s29, $0x2  }
0x20: {  	[tilespmem:s29+$0x2FD0] =	vst v1  }
0x21: {  	[spmem:s5] =	stream.linear.scatter [tilespmem:s13], [sflag:$0x6], $0x800, $0x38;
	[tilespmem:$0x5FD0] =	vst v63  }
0x22: {  	_ =	swait.ge [sflag:s12], $0x800  }
0x23: {  	[sflag:s12] =	ssyncset.done $0x0  }
0x24: {  	[sflag:s12] =	ssyncadd.s32 $0xFFFFF800  }
0x25: {  	[spmem:s8] =	stream.linear.scatter [tilespmem:s13], [sflag:$0x6], $0x800, $0x38;
	[tilespmem:$0x5FD0] =	vst v63  }
0x26: {  	_ =	swait.ge [sflag:s12], $0x800  }
0x27: {  	[sflag:s12] =	ssyncset.done $0x0  }
0x28: {  	[sflag:s12] =	ssyncadd.s32 $0xFFFFF800  }
0x29: {  	[spmem:s9] =	stream.linear.scatter [tilespmem:s13], [sflag:$0x6], $0x800, $0x38;
	[tilespmem:$0x5FD0] =	vst v63  }
0x2a: {  	_ =	swait.ge [sflag:s12], $0x800  }
0x2b: {  	[sflag:s12] =	ssyncset.done $0x0  }
0x2c: {  	[sflag:s12] =	ssyncadd.s32 $0xFFFFF800  }
0x2d: {  	[spmem:s10] =	stream.linear.scatter [tilespmem:s13], [sflag:$0x6], $0x800, $0x38;
	[tilespmem:$0x5FD0] =	vst v63  }
0x2e: {  	_ =	swait.ge [sflag:s12], $0x800  }
0x2f: {  	[sflag:s12] =	ssyncset.done $0x0  }
0x30: {  	[sflag:s12] =	ssyncadd.s32 $0xFFFFF800  }
0x31: {  	[spmem:s11] =	stream.linear.scatter [tilespmem:s13], [sflag:$0x6], $0x800, $0x38;
	[tilespmem:$0x5FD0] =	vst v63  }
0x32: {  	_ =	swait.ge [sflag:s12], $0x800  }
0x33: {  	[sflag:s12] =	ssyncset.done $0x0  }
0x34: {  	[sflag:s12] =	ssyncadd.s32 $0xFFFFF800  }
0x35: {  	[bflag:$0x0] =	sbarrier.arrive $0xFFFF  }
0x36: {  	[spmem:s2] =	stream.indirect.scatter.add.f32 [tilespmem:s15], [sflag:$0x1], $0x10, s3, s14, $0xb8;
	[tilespmem:$0x5FD0] =	vst v63  }
0x37: {  	_ = 	snop  }
0x38: {  	[spmem:s2] =	stream.indirect.scatter.add.f32 [tilespmem:s15], [sflag:$0x2], $0x10, s16, s14, $0xb8;
	[tilespmem:$0x5FD0] =	vst v63  }
0x39: {  	_ = 	snop  }
0x3a: {  	[spmem:s2] =	stream.indirect.scatter.add.f32 [tilespmem:s15], [sflag:$0x3], $0x10, s17, s14, $0xb8;
	[tilespmem:$0x5FD0] =	vst v63  }
0x3b: {  	_ = 	snop  }
0x3c: {  	[spmem:s2] =	stream.indirect.scatter.add.f32 [tilespmem:s15], [sflag:$0x4], $0x10, s18, s14, $0xb8;
	[tilespmem:$0x5FD0] =	vst v63  }
0x3d: {  	_ = 	snop  }
0x3e: {  	[spmem:s2] =	stream.indirect.scatter.add.f32 [tilespmem:s15], [sflag:$0x5], $0x10, s19, s14, $0xb8;
	[tilespmem:$0x5FD0] =	vst v63  }
0x3f: {  	_ =	swait.ge [sflag:s20], $0x7D0  }
0x40: {  	[sflag:s20] =	ssyncset.done $0x0  }
0x41: {  	s28 =	simm.s32 $0x280;
	[sflag:s20] =	ssyncadd.s32 $0xFFFFF830  }
0x42: {  	[spmem:s2] =	stream.indirect.scatter.add.f32 [tilespmem:s15], [sflag:$0x1], $0x10, s28, s14, $0xb8;
	[tilespmem:$0x5FD0] =	vst v63  }
0x43: {  	_ =	swait.ge [sflag:s21], $0x7D0  }
0x44: {  	[sflag:s21] =	ssyncset.done $0x0  }
0x45: {  	s28 =	simm.s32 $0x300;
	[sflag:s21] =	ssyncadd.s32 $0xFFFFF830  }
0x46: {  	[spmem:s2] =	stream.indirect.scatter.add.f32 [tilespmem:s15], [sflag:$0x2], $0x10, s28, s14, $0xb8;
	[tilespmem:$0x5FD0] =	vst v63  }
0x47: {  	_ =	swait.ge [sflag:s22], $0x7D0  }
0x48: {  	[sflag:s22] =	ssyncset.done $0x0  }
0x49: {  	s28 =	simm.s32 $0x380;
	[sflag:s22] =	ssyncadd.s32 $0xFFFFF830  }
0x4a: {  	[spmem:s2] =	stream.indirect.scatter.add.f32 [tilespmem:s15], [sflag:$0x3], $0x10, s28, s14, $0xb8;
	[tilespmem:$0x5FD0] =	vst v63  }
0x4b: {  	_ =	swait.ge [sflag:s23], $0x7D0  }
0x4c: {  	[sflag:s23] =	ssyncset.done $0x0  }
0x4d: {  	s28 =	simm.s32 $0x400;
	[sflag:s23] =	ssyncadd.s32 $0xFFFFF830  }
0x4e: {  	[spmem:s2] =	stream.indirect.scatter.add.f32 [tilespmem:s15], [sflag:$0x4], $0x10, s28, s14, $0xb8;
	[tilespmem:$0x5FD0] =	vst v63  }
0x4f: {  	_ =	swait.ge [sflag:s24], $0x7D0  }
0x50: {  	[sflag:s24] =	ssyncset.done $0x0  }
0x51: {  	s29 =	simm.s32 $0x480;
	s28 =	simm.s32 $0xFFFF7400;
	[sflag:s24] =	ssyncadd.s32 $0xFFFFF830  }
.LBB2_6:
0x52: {  	[spmem:s2] =	stream.indirect.scatter.add.f32 [tilespmem:s15], [sflag:$0x5], $0x10, s29, s14, $0xb8;
	[tilespmem:$0x5FD0] =	vst v63  }
0x53: {  	s29 =	smov.u32 s28  }
0x54: {  	p0 =	sne.s32 s28, $0xFFFFF600;
	s28 =	sadd.s32 $0xA00, s28;
	_ =	swait.ge [sflag:s20], $0x7D0  }
0x55: {  	s29 =	sshra.s32 s29, $0x2;
	[sflag:s20] =	ssyncset.done $0x0  }
0x56: {  	s30 =	sadd.s32 $0x2800, s29;
	[sflag:s20] =	ssyncadd.s32 $0xFFFFF830  }
0x57: {  	[spmem:s2] =	stream.indirect.scatter.add.f32 [tilespmem:s15], [sflag:$0x1], $0x10, s30, s14, $0xb8;
	[tilespmem:$0x5FD0] =	vst v63  }
0x58: {  	_ =	swait.ge [sflag:s21], $0x7D0  }
0x59: {  	[sflag:s21] =	ssyncset.done $0x0  }
0x5a: {  	s30 =	sadd.s32 $0x2880, s29;
	[sflag:s21] =	ssyncadd.s32 $0xFFFFF830  }
0x5b: {  	[spmem:s2] =	stream.indirect.scatter.add.f32 [tilespmem:s15], [sflag:$0x2], $0x10, s30, s14, $0xb8;
	[tilespmem:$0x5FD0] =	vst v63  }
0x5c: {  	_ =	swait.ge [sflag:s22], $0x7D0  }
0x5d: {  	[sflag:s22] =	ssyncset.done $0x0  }
0x5e: {  	s30 =	sadd.s32 $0x2900, s29;
	[sflag:s22] =	ssyncadd.s32 $0xFFFFF830  }
0x5f: {  	[spmem:s2] =	stream.indirect.scatter.add.f32 [tilespmem:s15], [sflag:$0x3], $0x10, s30, s14, $0xb8;
	[tilespmem:$0x5FD0] =	vst v63  }
0x60: {  	_ =	swait.ge [sflag:s23], $0x7D0  }
0x61: {  	[sflag:s23] =	ssyncset.done $0x0  }
.Ltmp2:
0x62: {  	s30 =	sadd.s32 $0x2980, s29;
	[sflag:s23] =	ssyncadd.s32 $0xFFFFF830;
	(pc) =	sbr.rel @p0 .LBB2_6-.Ltmp2, $4  }
0x63: {  	[spmem:s2] =	stream.indirect.scatter.add.f32 [tilespmem:s15], [sflag:$0x4], $0x10, s30, s14, $0xb8;
	[tilespmem:$0x5FD0] =	vst v63  }
0x64: {  	_ =	swait.ge [sflag:s24], $0x7D0  }
0x65: {  	[sflag:s24] =	ssyncset.done $0x0  }
0x66: {  	s29 =	sadd.s32 $0x2A00, s29;
	[sflag:s24] =	ssyncadd.s32 $0xFFFFF830  }
0x67: {  	[spmem:s2] =	stream.indirect.scatter.add.f32 [tilespmem:s15], [sflag:$0x5], $0x10, s29, s14, $0xb8;
	[tilespmem:$0x5FD0] =	vst v63  }
0x68: {  	_ =	swait.ge [sflag:s20], $0x7D0  }
0x69: {  	[sflag:s20] =	ssyncset.done $0x0  }
0x6a: {  	[sflag:s20] =	ssyncadd.s32 $0xFFFFF830  }
0x6b: {  	_ =	swait.ge [sflag:s21], $0x7D0  }
0x6c: {  	[sflag:s21] =	ssyncset.done $0x0  }
0x6d: {  	[sflag:s21] =	ssyncadd.s32 $0xFFFFF830  }
0x6e: {  	_ =	swait.ge [sflag:s22], $0x7D0  }
0x6f: {  	[sflag:s22] =	ssyncset.done $0x0  }
0x70: {  	[sflag:s22] =	ssyncadd.s32 $0xFFFFF830  }
0x71: {  	_ =	swait.ge [sflag:s23], $0x7D0  }
0x72: {  	[sflag:s23] =	ssyncset.done $0x0  }
0x73: {  	[sflag:s23] =	ssyncadd.s32 $0xFFFFF830  }
0x74: {  	_ =	swait.ge [sflag:s24], $0x7D0  }
0x75: {  	s26 =	sadd.s32 $0x1, s26;
	[sflag:s24] =	ssyncset.done $0x0  }
0x76: {  	s28 =	sshll.u32 s1, $0x6;
	p0 =	sne.s32 s26, s7;
	[sflag:s24] =	ssyncadd.s32 $0xFFFFF830  }
.Ltmp3:
0x77: {  	s28 =	sor.u32 $0x1C06, s28;
	[bflag:$0x0] =	sbarrier.arrive $0xFFFF;
	(pc) =	sbr.rel @p0 .LBB2_1-.Ltmp3, $4  }
0x78: {  	[hbm:s6], [sflag:s28] =	dma.local [spmem:s25], $0x500  }
0x79: {  	_ =	swait.ge [sflag:s12], $0x500  }
0x7a: {  	[sflag:s12] =	ssyncset.done $0x0  }
0x7b: {  	[sflag:s12] =	ssyncadd.s32 $0xFFFFFB00  }
0x7c: {  	_ =	sfence.sel $0x180000  }
0x7d: {  	[bflag:$0x0] =	sbarrier.arrive $0xFFFF  }
0x7e: {  	p0 =	sne.s32 s1, $0x0;
	_ =	strace $0x90000047  }
0x7f: {  	s0 =	sadd.s32 @!p0 $0x100000, s0;
	[bflag:$0x2] =	sbarrier.arrive $0xFFFF  }
0x80: {  	[sflag:s0] =	ssyncadd.tile.s32 @!p0 $0x1;
	_ =	shalt  }
.Lfunc_end2:
_tile_overlayer_lowered:
.L_overlay_start_2:
0x81: {  	(tag) =	ssettag $0x2  }
0x82: {  	s0 =	rddreg [dreg:$0x0];
	s2 =	stileid.u32  }
0x83: {  	s1 =	rddreg [dreg:$0x1];
	p0 =	sne.s32 s2, $0x0  }
0x84: {  	s3 =	rddreg [dreg:$0x2];
	[bflag:$0x3] =	sbarrier.arrive $0xFFFF;
	s2 =	simm.s32 @!p0 $0x1C06  }
0x85: {  	[timem:s3], [sflag:s2] =	dma.local @!p0 [hbm:s0], s1  }
0x86: {  	s0 =	simm.s32 @!p0 $0x6  }
0x87: {  	_ =	swait.ge @!p0 [sflag:s0], s1  }
0x88: {  	s1 =	ssub.s32 @!p0 $0x0, s1;
	[sflag:s0] =	ssyncset.done @!p0 $0x0  }
0x89: {  	[sflag:s0] =	ssyncadd.s32 @!p0 s1  }
0x8a: {  	[bflag:$0x3] =	sbarrier.arrive $0xFFFF  }
0x8b: {  	_ =	shalt  }

// kernel: kernel.14.cloned.1.call-start
scs
__scs_entry_jumppad:
0x0: {  	(pc) =	sbr.rel $0x88, $3  }
0x1: {  	(tag) =	ssettag $0x0;
	lr =	simm.s32 $0x1  }
0x2: {  	[smem:$0x3F96] =	sst lr;
	_ =	strace $0xD0000000  }
0x3: {  	_ = 	snop  }
0x4: {  	_ = 	snop  }
0x5: {  	_ = 	snop  }
0x6: {  	_ = 	snop  }
0x7: {  	_ = 	snop  }
__scs_overlays_trampoline_lowered:
0x8: {  	[smem:$0x3FA5] =	sst s0  }
0x9: {  	[smem:$0x3FA6] =	sst s1  }
0xa: {  	[smem:$0x3FA7] =	sst s2  }
0xb: {  	[smem:$0x3FA8] =	sst s3  }
0xc: {  	[smem:$0x3FA9] =	sst s4  }
0xd: {  	[smem:$0x3FAA] =	sst s5  }
0xe: {  	[smem:$0x3FAB] =	sst s6  }
0xf: {  	[smem:$0x3FAC] =	sst s7  }
0x10: {  	[smem:$0x3FAD] =	sst s8  }
0x11: {  	[smem:$0x3FAE] =	sst s9;
	s0 =	simm.s32 @!p0 $0x0  }
0x12: {  	s1 =	sld [smem:$0x3F94];
	s0 =	simm.s32 @p0 $0x1  }
0x13: {  	[smem:$0x3FAF] =	sst s0;
	s0 =	simm.s32 @!p1 $0x0  }
0x14: {  	s2 =	sld [smem:$0x3F93];
	s0 =	simm.s32 @p1 $0x1  }
0x15: {  	[smem:$0x3FB0] =	sst s0;
	s0 =	simm.s32 @!p2 $0x0  }
0x16: {  	s3 =	sld [smem:$0x3FDB];
	s0 =	simm.s32 @p2 $0x1  }
0x17: {  	s4 =	simm.s32 $0x1BF5;
	[smem:$0x3FB2] =	sst s0  }
0x18: {  	s0 =	sld [smem:$0x3F95];
	_ =	swait.ge [sflag:s4], $0x0  }
0x19: {  	s7 =	sld [smem:$0x3F96]  }
0x1a: {  	s8 =	sadd.s32 $0xFFFFE003, lr  }
0x1b: {  	s9 =	sadd.s32 $0xFFFFFEF7, lr;
	s5 =	simm.s32 $0xFFFFFFFF;
	p2 =	slt.u32 s8, $0xFFFFF086  }
0x1c: {  	p1 =	slt.u32 s9, $0xF7A;
	s5 =	simm.s32 @!p2 $0x0  }
0x1d: {  	s5 =	simm.s32 @p1 $0x1;
	p0 =	seq.s32 s7, s2  }
0x1e: {  	s7 =	smul.u32 @!p0 $0xF7A, s2;
	p2 =	seq.s32 @!p0 s5, $0x0  }
0x1f: {  	s9 =	smul.u32 $0xF7A, s1;
	s8 =	simm.s32 @!p0 $0x1BF5;
	p2 =	por !p2, p0  }
0x20: {  	[sflag:s8] =	ssyncset.s32 @!p0 $0xFFFFF086;
	s6 =	sadd.s32 @!p0 s3, s7;
	s7 =	simm.s32 @!p0 $0x108  }
0x21: {  	s3 =	sadd.s32 s3, s9;
	s6 =	sadd.s32 @!p0 $0x88, s6;
	s7 =	simm.s32 @p2 $0x1082  }
0x22: {  	[simem:s7], [sflag:s8] =	dma.local @!p0 [hbm:s6], $0xF7A  }
0x23: {  	s9 =	sor.u32 $0xD0000000, s2;
	s6 =	simm.s32 $0x108;
	_ =	swait.ge @!p0 [sflag:s8], $0x0  }
0x24: {  	s3 =	sadd.s32 $0x88, s3;
	s6 =	simm.s32 @!p1 $0x1082;
	[sflag:s4] =	ssyncset.s32 $0xFFFFF086  }
0x25: {  	[simem:s6], [sflag:s4] =	dma.local [hbm:s3], $0xF7A  }
0x26: {  	[smem:$0x3F96] =	sst s1;
	(tag) =	ssettag s2;
	_ =	strace s9  }
0x27: {  	s1 =	sld [smem:$0x3FA6]  }
0x28: {  	s2 =	sld [smem:$0x3FA7]  }
0x29: {  	s4 =	sld [smem:$0x3FA9]  }
0x2a: {  	p0 =	seq.s32 s5, $0x0;
	s5 =	sld [smem:$0x3FAA]  }
0x2b: {  	s6 =	sld [smem:$0x3FAB]  }
0x2c: {  	s7 =	sld [smem:$0x3FAC]  }
0x2d: {  	s3 =	simm.s32 $0x108;
	s8 =	sld [smem:$0x3FAD]  }
0x2e: {  	s3 =	simm.s32 @!p0 $0x1082;
	s9 =	sld [smem:$0x3FAE]  }
0x2f: {  	lr =	sadd.s32 s0, s3;
	s0 =	sld [smem:$0x3FA5]  }
0x30: {  	s3 =	sld [smem:$0x3FA8]  }
0x31: {  	[smem:$0x3FB1] =	sst s10  }
0x32: {  	s10 =	sld [smem:$0x3FAF];
	_ =	sdelay $0x3  }
0x33: {  	p0 =	seq.s32 s10, $0x1;
	s10 =	sld [smem:$0x3FB1];
	_ =	sdelay $0x3  }
0x34: {  	[smem:$0x3FB1] =	sst s10  }
0x35: {  	s10 =	sld [smem:$0x3FB0];
	_ =	sdelay $0x3  }
0x36: {  	p1 =	seq.s32 s10, $0x1;
	s10 =	sld [smem:$0x3FB1];
	_ =	sdelay $0x3  }
0x37: {  	[smem:$0x3FB1] =	sst s10  }
0x38: {  	s10 =	sld [smem:$0x3FB2]  }
0x39: {  	_ = 	snop;
	(pc) =	sbr.ind lr, $3  }
0x3a: {  	_ = 	snop  }
0x3b: {  	_ = 	snop  }
0x3c: {  	p2 =	seq.s32 s10, $0x1;
	s10 =	sld [smem:$0x3FB1]  }
0x3d: {  	_ =	shalt  }
0x3e: {  	_ =	shalt  }
0x3f: {  	_ =	shalt  }
0x40: {  	_ =	shalt  }
0x41: {  	_ =	shalt  }
0x42: {  	_ =	shalt  }
0x43: {  	_ =	shalt  }
0x44: {  	_ =	shalt  }
0x45: {  	_ =	shalt  }
0x46: {  	_ =	shalt  }
0x47: {  	_ =	shalt  }
0x48: {  	_ =	shalt  }
0x49: {  	_ =	shalt  }
0x4a: {  	_ =	shalt  }
0x4b: {  	_ =	shalt  }
0x4c: {  	_ =	shalt  }
0x4d: {  	_ =	shalt  }
0x4e: {  	_ =	shalt  }
0x4f: {  	_ =	shalt  }
0x50: {  	_ =	shalt  }
0x51: {  	_ =	shalt  }
0x52: {  	_ =	shalt  }
0x53: {  	_ =	shalt  }
0x54: {  	_ =	shalt  }
0x55: {  	_ =	shalt  }
0x56: {  	_ =	shalt  }
0x57: {  	_ =	shalt  }
0x58: {  	_ =	shalt  }
0x59: {  	_ =	shalt  }
0x5a: {  	_ =	shalt  }
0x5b: {  	_ =	shalt  }
0x5c: {  	_ =	shalt  }
0x5d: {  	_ =	shalt  }
0x5e: {  	_ =	shalt  }
0x5f: {  	_ =	shalt  }
0x60: {  	_ =	shalt  }
0x61: {  	_ =	shalt  }
0x62: {  	_ =	shalt  }
0x63: {  	_ =	shalt  }
0x64: {  	_ =	shalt  }
0x65: {  	_ =	shalt  }
0x66: {  	_ =	shalt  }
0x67: {  	_ =	shalt  }
0x68: {  	_ =	shalt  }
0x69: {  	_ =	shalt  }
0x6a: {  	_ =	shalt  }
0x6b: {  	_ =	shalt  }
0x6c: {  	_ =	shalt  }
0x6d: {  	_ =	shalt  }
0x6e: {  	_ =	shalt  }
0x6f: {  	_ =	shalt  }
0x70: {  	_ =	shalt  }
0x71: {  	_ =	shalt  }
0x72: {  	_ =	shalt  }
0x73: {  	_ =	shalt  }
0x74: {  	_ =	shalt  }
0x75: {  	_ =	shalt  }
0x76: {  	_ =	shalt  }
0x77: {  	_ =	shalt  }
0x78: {  	_ =	shalt  }
0x79: {  	_ =	shalt  }
0x7a: {  	_ =	shalt  }
0x7b: {  	_ =	shalt  }
0x7c: {  	_ =	shalt  }
0x7d: {  	_ =	shalt  }
0x7e: {  	_ =	shalt  }
0x7f: {  	_ =	shalt  }
0x80: {  	_ =	shalt  }
0x81: {  	_ =	shalt  }
0x82: {  	_ =	shalt  }
0x83: {  	_ =	shalt  }
0x84: {  	_ =	shalt  }
0x85: {  	_ =	shalt  }
0x86: {  	_ =	shalt  }
0x87: {  	_ =	shalt  }
.Lfunc_end0:
.L_simem_size_0:
called_computation.1_lowered:
.L_overlay_start_0:
0x88: {  	s2 =	sld [smem:$0x3FD9]  }
0x89: {  	s3 =	sld [smem:$0x3FFE];
	_ =	sdelay $0x1  }
0x8a: {  	s1 =	srdreg.scid  }
0x8b: {  	s0 =	sand.u32 $0x1, s1  }
0x8c: {  	s16 =	sshll.u32 s0, $0xA;
	s2 =	sadd.s32 s3, s2  }
0x8d: {  	s2 =	sadd.s32 s2, s16  }
0x8e: {  	[smem:$0x3FBD] =	sst s2  }
0x8f: {  	_ = 	snop  }
0x90: {  	(tm) =	ssettm $0x1  }
0x91: {  	s17 =	sld [smem:$0x3FFB];
	_ =	sdelay $0x3  }
0x92: {  	_ =	strace s17  }
0x93: {  	s2 =	sld [smem:$0x3FFC];
	_ =	sdelay $0x3  }
0x94: {  	_ =	strace s2  }
0x95: {  	s2 =	sld [smem:$0x3FFD];
	_ =	sdelay $0x3  }
0x96: {  	_ =	strace s2  }
0x97: {  	_ =	strace $0x8FFFFFFF  }
0x98: {  	s18 =	sld [smem:$0x3FDB];
	_ =	sdelay $0x1  }
0x99: {  	s19 =	simm.s32 $_scs_section_size  }
0x9a: {  	s4 =	simm.s32 $_size__tile_overlayer_lowered;
	s5 =	simm.s32 $_tile_overlayer_lowered  }
0x9b: {  	s22 =	simm.s32 $0x1BFF;
	s21 =	sshll.u32 s5, $0x1;
	s2 =	sadd.s32 s19, s18  }
0x9c: {  	s6 =	simm.s32 $0x0;
	s20 =	sshll.u32 s4, $0x1;
	s4 =	sadd.s32 s21, s2  }
0x9d: {  	[timem:s6], [sflag:s22] =	dma.local [hbm:s4], s20  }
0x9e: {  	_ =	swait.ge [sflag:s22], s20  }
0x9f: {  	s3 =	ssub.s32 $0x0, s20;
	[sflag:s22] =	ssyncset.done $0x0  }
0xa0: {  	[sflag:s22] =	ssyncadd.s32 s3;
	_ =	sdelay $0x1  }
0xa1: {  	s23 =	simm.s32 $0x1B8B  }
0xa2: {  	_ =	swait.ge [sflag:s23], $0x1  }
0xa3: {  	[sflag:s23] =	ssyncset.done $0x0  }
0xa4: {  	s25 =	simm.s32 $0x1B8E;
	s24 =	sld [smem:$0x3FFE];
	[sflag:s23] =	ssyncadd.s32 $0xFFFFFFFF  }
0xa5: {  	s26 =	simm.s32 $execute0_lowered;
	[smem:$0x3FD2] =	sst s25  }
0xa6: {  	s4 =	sshll.u32 s26, $0x1;
	_ =	strace $0x80000049;
	[dreg:$0x1] =	wrdreg $0xFFFFFFFF  }
0xa7: {  	s28 =	simm.s32 $_size_execute0_lowered;
	s2 =	sadd.s32 s2, s4;
	[dreg:$0x0] =	wrdreg $0x0  }
0xa8: {  	s4 =	sshll.u32 s28, $0x1;
	[dreg:$0x2] =	wrdreg s2  }
0xa9: {  	[dreg:$0x3] =	wrdreg s4  }
0xaa: {  	[dreg:$0x4] =	wrdreg $0xC0  }
0xab: {  	_ =	task [dreg:s6], $0x5FFFF  }
0xac: {  	[dreg:$0x1] =	wrdreg $0xFFFFFFFF  }
0xad: {  	[dreg:$0x0] =	wrdreg $0x60  }
0xae: {  	[dreg:$0x2] =	wrdreg s24  }
0xaf: {  	[dreg:$0x3] =	wrdreg $0x10C400  }
0xb0: {  	[dreg:$0x4] =	wrdreg $0x9  }
0xb1: {  	_ =	task.clear_ibuf [dreg:s6], $0x5FFFF;
	_ =	strace $0x90000049  }
0xb2: {  	s29 =	simm.s32 $0x9;
	_ =	strace $0x8000004B  }
0xb3: {  	_ =	swait.ge [sflag:s29], $0x1  }
0xb4: {  	[sflag:s29] =	ssyncadd.s32 $0xFFFFFFFF  }
0xb5: {  	_ =	strace $0x9000004B  }
0xb6: {  	_ =	sfence  }
0xb7: {  	s30 =	sld [smem:$0x0];
	_ =	sdelay $0x2  }
0xb8: {  	s31 =	sshll.u32 s1, $0xD;
	s1 =	sshrl.u32 s1, $0x2  }
0xb9: {  	s3 =	sand.u32 $0x4000, s31;
	s1 =	sadd.s32 s1, s30  }
0xba: {  	s0 =	sor.u32 s3, s0;
	s1 =	sshll.u32 s1, $0x11  }
0xbb: {  	s0 =	sor.u32 s1, s0  }
0xbc: {  	s0 =	sadd.s32 $0x8F2B, s0  }
0xbd: {  	[sflag:s0] =	ssyncadd.remote.s32 $0x1  }
0xbe: {  	_ =	sfence.sel $0xFFFF  }
0xbf: {  	[dreg:$0x0] =	wrdreg $0xFFFFFFFF;
	(pc) =	sbr.abs _section_cstart, $3  }
0xc0: {  	[dreg:$0x1] =	wrdreg $0xFFFFFFFF  }
0xc1: {  	_ =	task.clear_ibuf [dreg:s6], $0x2FFFF;
	_ =	strace $0x9FFFFFFF  }
0xc2: {  	(tm) =	ssettm $0x7FFFFFFF  }
0xc3: {  	_ =	shalt  }
tec
execute0_lowered:
.L_overlay_start_1:
0x0: {  	(tag) =	ssettag $0x1  }
0x1: {  	s0 =	srdreg.scid  }
0x2: {  	s7 =	stileid.u32;
	s3 =	rddreg [dreg:$0x0]  }
0x3: {  	s2 =	rddreg [dreg:$0x1];
	s4 =	simm.s32 $0x0;
	s14 =	simm.s32 $0xB  }
0x4: {  	s16 =	simm.s32 $0xEC40;
	s17 =	simm.s32 $0x7D;
	s18 =	simm.s32 $0x5000  }
0x5: {  	s20 =	simm.s32 $0x6F40;
	s28 =	simm.s32 $0xCD00;
	s29 =	simm.s32 $0x1  }
0x6: {  	s30 =	simm.s32 $0x6;
	s31 =	simm.s32 $0x2;
	s15 =	simm.s32 $0x8  }
0x7: {  	s19 =	simm.s32 $0x4;
	s21 =	simm.s32 $0x9;
	s0 =	sand.u32 $0x1, s0  }
0x8: {  	[smem:$0x7FF] =	sst s4;
	s6 =	smul.u32 $0xA000, s7;
	s4 =	sadd.s32 $0x16E00, s3  }
0x9: {  	s1 =	sshll.u32 s0, $0x4;
	s5 =	smul.u32 $0xA0000, s0;
	_ =	strace $0x8000004A  }
0xa: {  	s0 =	ssub.s32 $0x2, s0;
	s1 =	sor.u32 s7, s1;
	s7 =	smul.u32 $0x28000, s7  }
0xb: {  	s22 =	sshrl.u32 s0, $0x1;
	s26 =	sadd.s32 s6, s2;
	s1 =	smul.u32 $0x2800, s1  }
0xc: {  	s5 =	sadd.s32 s6, s5;
	s0 =	ssub.s32 s0, s22;
	s22 =	simm.s32 $0x8E80  }
0xd: {  	s5 =	sshrl.u32 s5, $0x3;
	s24 =	sshrl.u32 s7, $0x2;
	s9 =	smax.u32 s0, $0x1  }
0xe: {  	s0 =	simm.s32 $0x3;
	s1 =	sshrl.u32 s1, $0x3;
	s7 =	sadd.s32 s24, s2  }
0xf: {  	s24 =	simm.s32 $0xADC0;
	s1 =	sadd.s32 s1, s3;
	s3 =	sadd.s32 s5, s3  }
0x10: {  	s10 =	sadd.s32 $0x2000, s7;
	s11 =	sadd.s32 $0x4000, s7;
	s23 =	sadd.s32 $0x2E00, s1  }
0x11: {  	s12 =	sadd.s32 $0x6000, s7;
	s1 =	sadd.s32 $0xCE00, s1;
	[dreg:$0x3] =	wrdreg s23  }
0x12: {  	s13 =	sadd.s32 $0x8000, s7;
	s25 =	sadd.s32 $0x2A800, s3;
	[dreg:$0x4] =	wrdreg s1  }
0x13: {  	s3 =	simm.s32 $0x0;
	[dreg:$0x5] =	wrdreg s25;
	s25 =	sshrl.u32 s26, $0x3  }
0x14: {  	v0 =	vimm.f32 $0.0e+00;
	s1 =	simm.s32 $0x7;
	s23 =	simm.s32 $0x5;
	s26 =	simm.s32 $0xA  }
.LBB2_1:
0x15: {  	s5 =	simm.s32 $0x0;
	s6 =	rddreg [dreg:$0x3]  }
0x16: {  	[tilespmem:s5], [sflag:$0xB] =	stream.linear.gather [hbm4b:s6+s5], $0x2800, $0x38;
	[tilespmem:$0x1AC40] =	vst v63  }
0x17: {  	_ =	swait.ge [sflag:s14], $0x2800  }
0x18: {  	[sflag:s14] =	ssyncset.done $0x0  }
0x19: {  	s8 =	simm.s32 $0x2800;
	s6 =	rddreg [dreg:$0x4];
	[sflag:s14] =	ssyncadd.s32 $0xFFFFD800  }
0x1a: {  	[tilespmem:s8], [sflag:$0xB] =	stream.linear.gather [hbm4b:s6+s5], $0x2800, $0x38;
	[tilespmem:$0x1AC40] =	vst v63  }
0x1b: {  	_ =	swait.ge [sflag:s14], $0x2800  }
0x1c: {  	[sflag:s14] =	ssyncset.done $0x0  }
0x1d: {  	s6 =	simm.s32 $0x100;
	s5 =	simm.s32 $0x0;
	[sflag:s14] =	ssyncadd.s32 $0xFFFFD800  }
.LBB2_2:
0x1e: {  	p0 =	sne.s32 s6, $0x7F00;
	[tilespmem:s5+$0xEC70] =	vst v0;
	s8 =	smov.u32 s6;
	s6 =	sadd.s32 $0x100, s6  }
.Ltmp0:
0x1f: {  	[tilespmem:s5+$0xEC60] =	vst v0;
	(pc) =	sbr.rel @p0 .LBB2_2-.Ltmp0, $3  }
0x20: {  	[tilespmem:s5+$0xEC40] =	vst v0  }
0x21: {  	[tilespmem:s5+$0xEC50] =	vst v0;
	_ =	sdelay $0x1  }
0x22: {  	s5 =	sshra.s32 s8, $0x2  }
0x23: {  	[tilespmem:s5+$0xEC70] =	vst v0  }
0x24: {  	[tilespmem:s5+$0xEC60] =	vst v0  }
0x25: {  	[tilespmem:s5+$0xEC40] =	vst v0  }
0x26: {  	[tilespmem:s5+$0xEC50] =	vst v0  }
0x27: {  	[spmem:s7] =	stream.linear.scatter [tilespmem:s16], [sflag:$0xB], $0x2000, $0x38;
	[tilespmem:$0x1AC40] =	vst v63  }
0x28: {  	_ =	swait.ge [sflag:s14], $0x2000  }
0x29: {  	[sflag:s14] =	ssyncset.done $0x0  }
0x2a: {  	[sflag:s14] =	ssyncadd.s32 $0xFFFFE000  }
0x2b: {  	[spmem:s10] =	stream.linear.scatter [tilespmem:s16], [sflag:$0xB], $0x2000, $0x38;
	[tilespmem:$0x1AC40] =	vst v63  }
0x2c: {  	_ =	swait.ge [sflag:s14], $0x2000  }
0x2d: {  	[sflag:s14] =	ssyncset.done $0x0  }
0x2e: {  	[sflag:s14] =	ssyncadd.s32 $0xFFFFE000  }
0x2f: {  	[spmem:s11] =	stream.linear.scatter [tilespmem:s16], [sflag:$0xB], $0x2000, $0x38;
	[tilespmem:$0x1AC40] =	vst v63  }
0x30: {  	_ =	swait.ge [sflag:s14], $0x2000  }
0x31: {  	[sflag:s14] =	ssyncset.done $0x0  }
0x32: {  	[sflag:s14] =	ssyncadd.s32 $0xFFFFE000  }
0x33: {  	[spmem:s12] =	stream.linear.scatter [tilespmem:s16], [sflag:$0xB], $0x2000, $0x38;
	[tilespmem:$0x1AC40] =	vst v63  }
0x34: {  	_ =	swait.ge [sflag:s14], $0x2000  }
0x35: {  	[sflag:s14] =	ssyncset.done $0x0  }
0x36: {  	[sflag:s14] =	ssyncadd.s32 $0xFFFFE000  }
0x37: {  	[spmem:s13] =	stream.linear.scatter [tilespmem:s16], [sflag:$0xB], $0x2000, $0x38;
	[tilespmem:$0x1AC40] =	vst v63  }
0x38: {  	_ =	swait.ge [sflag:s14], $0x2000  }
0x39: {  	[sflag:s14] =	ssyncset.done $0x0  }
0x3a: {  	[sflag:s14] =	ssyncadd.s32 $0xFFFFE000  }
0x3b: {  	s6 =	simm.s32 $0x0;
	[bflag:$0x0] =	sbarrier.arrive $0xFFFF  }
0x3c: {  	[tilespmem:s18], [sflag:$0x1] =	stream.indirect.gather [hbm4b:s4+s17], $0x40, s6, s17, $0xb8;
	[tilespmem:$0x1AC40] =	vst v63  }
0x3d: {  	s8 =	simm.s32 $0x80  }
0x3e: {  	[tilespmem:s20], [sflag:$0x2] =	stream.indirect.gather [hbm4b:s4+s17], $0x40, s8, s17, $0xb8;
	[tilespmem:$0x1AC40] =	vst v63  }
0x3f: {  	s6 =	simm.s32 $0x100  }
0x40: {  	[tilespmem:s22], [sflag:$0x3] =	stream.indirect.gather [hbm4b:s4+s17], $0x40, s6, s17, $0xb8;
	[tilespmem:$0x1AC40] =	vst v63  }
0x41: {  	s8 =	simm.s32 $0x180  }
0x42: {  	[tilespmem:s24], [sflag:$0x4] =	stream.indirect.gather [hbm4b:s4+s17], $0x40, s8, s17, $0xb8;
	[tilespmem:$0x1AC40] =	vst v63  }
0x43: {  	s6 =	simm.s32 $0x200  }
0x44: {  	[tilespmem:s28], [sflag:$0x5] =	stream.indirect.gather [hbm4b:s4+s17], $0x40, s6, s17, $0xb8;
	[tilespmem:$0x1AC40] =	vst v63  }
0x45: {  	_ =	swait.ge [sflag:s29], $0x1F40  }
0x46: {  	[sflag:s29] =	ssyncset.done $0x0  }
0x47: {  	s8 =	simm.s32 $0x2800;
	[sflag:s29] =	ssyncadd.s32 $0xFFFFE0C0  }
0x48: {  	[spmem:s2] =	stream.indirect.scatter.add.f32 [tilespmem:s18], [sflag:$0x6], $0x40, s8, s17, $0xb8;
	[tilespmem:$0x1AC40] =	vst v63  }
0x49: {  	_ =	swait.ge [sflag:s30], $0x1F40  }
0x4a: {  	[sflag:s30] =	ssyncset.done $0x0  }
0x4b: {  	s6 =	simm.s32 $0x280;
	[sflag:s30] =	ssyncadd.s32 $0xFFFFE0C0  }
0x4c: {  	[tilespmem:s18], [sflag:$0x1] =	stream.indirect.gather [hbm4b:s4+s17], $0x40, s6, s17, $0xb8;
	[tilespmem:$0x1AC40] =	vst v63  }
0x4d: {  	_ =	swait.ge [sflag:s31], $0x1F40  }
0x4e: {  	[sflag:s31] =	ssyncset.done $0x0  }
0x4f: {  	s8 =	simm.s32 $0x2880;
	[sflag:s31] =	ssyncadd.s32 $0xFFFFE0C0  }
0x50: {  	[spmem:s2] =	stream.indirect.scatter.add.f32 [tilespmem:s20], [sflag:$0x7], $0x40, s8, s17, $0xb8;
	[tilespmem:$0x1AC40] =	vst v63  }
0x51: {  	_ =	swait.ge [sflag:s1], $0x1F40  }
0x52: {  	[sflag:s1] =	ssyncset.done $0x0  }
0x53: {  	s6 =	simm.s32 $0x300;
	[sflag:s1] =	ssyncadd.s32 $0xFFFFE0C0  }
0x54: {  	[tilespmem:s20], [sflag:$0x2] =	stream.indirect.gather [hbm4b:s4+s17], $0x40, s6, s17, $0xb8;
	[tilespmem:$0x1AC40] =	vst v63  }
0x55: {  	_ =	swait.ge [sflag:s0], $0x1F40  }
0x56: {  	[sflag:s0] =	ssyncset.done $0x0  }
0x57: {  	s8 =	simm.s32 $0x2900;
	[sflag:s0] =	ssyncadd.s32 $0xFFFFE0C0  }
0x58: {  	[spmem:s2] =	stream.indirect.scatter.add.f32 [tilespmem:s22], [sflag:$0x8], $0x40, s8, s17, $0xb8;
	[tilespmem:$0x1AC40] =	vst v63  }
0x59: {  	_ =	swait.ge [sflag:s15], $0x1F40  }
0x5a: {  	[sflag:s15] =	ssyncset.done $0x0  }
0x5b: {  	s6 =	simm.s32 $0x380;
	[sflag:s15] =	ssyncadd.s32 $0xFFFFE0C0  }
0x5c: {  	[tilespmem:s22], [sflag:$0x3] =	stream.indirect.gather [hbm4b:s4+s17], $0x40, s6, s17, $0xb8;
	[tilespmem:$0x1AC40] =	vst v63  }
0x5d: {  	_ =	swait.ge [sflag:s19], $0x1F40  }
0x5e: {  	[sflag:s19] =	ssyncset.done $0x0  }
0x5f: {  	s8 =	simm.s32 $0x2980;
	[sflag:s19] =	ssyncadd.s32 $0xFFFFE0C0  }
0x60: {  	[spmem:s2] =	stream.indirect.scatter.add.f32 [tilespmem:s24], [sflag:$0x9], $0x40, s8, s17, $0xb8;
	[tilespmem:$0x1AC40] =	vst v63  }
0x61: {  	_ =	swait.ge [sflag:s21], $0x1F40  }
0x62: {  	[sflag:s21] =	ssyncset.done $0x0  }
0x63: {  	s6 =	simm.s32 $0x400;
	[sflag:s21] =	ssyncadd.s32 $0xFFFFE0C0  }
0x64: {  	[tilespmem:s24], [sflag:$0x4] =	stream.indirect.gather [hbm4b:s4+s17], $0x40, s6, s17, $0xb8;
	[tilespmem:$0x1AC40] =	vst v63  }
0x65: {  	_ =	swait.ge [sflag:s23], $0x1F40  }
0x66: {  	[sflag:s23] =	ssyncset.done $0x0  }
0x67: {  	s8 =	simm.s32 $0x2A00;
	[sflag:s23] =	ssyncadd.s32 $0xFFFFE0C0  }
0x68: {  	[spmem:s2] =	stream.indirect.scatter.add.f32 [tilespmem:s28], [sflag:$0xA], $0x40, s8, s17, $0xb8;
	[tilespmem:$0x1AC40] =	vst v63  }
0x69: {  	_ =	swait.ge [sflag:s26], $0x1F40  }
0x6a: {  	[sflag:s26] =	ssyncset.done $0x0  }
0x6b: {  	s5 =	simm.s32 $0xA00;
	s6 =	simm.s32 $0x480;
	[sflag:s26] =	ssyncadd.s32 $0xFFFFE0C0  }
.LBB2_4:
0x6c: {  	[tilespmem:s28], [sflag:$0x5] =	stream.indirect.gather [hbm4b:s4+s17], $0x40, s6, s17, $0xb8;
	[tilespmem:$0x1AC40] =	vst v63  }
0x6d: {  	s6 =	smov.u32 s5  }
0x6e: {  	p0 =	sne.s32 s5, $0x8C00;
	s5 =	sadd.s32 $0xA00, s5;
	_ =	swait.ge [sflag:s29], $0x1F40  }
0x6f: {  	s6 =	sshra.s32 s6, $0x2;
	[sflag:s29] =	ssyncset.done $0x0  }
0x70: {  	s8 =	sadd.s32 $0x2800, s6;
	[sflag:s29] =	ssyncadd.s32 $0xFFFFE0C0  }
0x71: {  	[spmem:s2] =	stream.indirect.scatter.add.f32 [tilespmem:s18], [sflag:$0x6], $0x40, s8, s17, $0xb8;
	[tilespmem:$0x1AC40] =	vst v63  }
0x72: {  	_ =	swait.ge [sflag:s30], $0x1F40  }
0x73: {  	[sflag:s30] =	ssyncset.done $0x0  }
0x74: {  	s8 =	sadd.s32 $0x280, s6;
	[sflag:s30] =	ssyncadd.s32 $0xFFFFE0C0  }
0x75: {  	[tilespmem:s18], [sflag:$0x1] =	stream.indirect.gather [hbm4b:s4+s17], $0x40, s8, s17, $0xb8;
	[tilespmem:$0x1AC40] =	vst v63  }
0x76: {  	_ =	swait.ge [sflag:s31], $0x1F40  }
0x77: {  	[sflag:s31] =	ssyncset.done $0x0  }
0x78: {  	s8 =	sadd.s32 $0x2880, s6;
	[sflag:s31] =	ssyncadd.s32 $0xFFFFE0C0  }
0x79: {  	[spmem:s2] =	stream.indirect.scatter.add.f32 [tilespmem:s20], [sflag:$0x7], $0x40, s8, s17, $0xb8;
	[tilespmem:$0x1AC40] =	vst v63  }
0x7a: {  	_ =	swait.ge [sflag:s1], $0x1F40  }
0x7b: {  	[sflag:s1] =	ssyncset.done $0x0  }
0x7c: {  	s8 =	sadd.s32 $0x300, s6;
	[sflag:s1] =	ssyncadd.s32 $0xFFFFE0C0  }
0x7d: {  	[tilespmem:s20], [sflag:$0x2] =	stream.indirect.gather [hbm4b:s4+s17], $0x40, s8, s17, $0xb8;
	[tilespmem:$0x1AC40] =	vst v63  }
0x7e: {  	_ =	swait.ge [sflag:s0], $0x1F40  }
0x7f: {  	[sflag:s0] =	ssyncset.done $0x0  }
0x80: {  	s8 =	sadd.s32 $0x2900, s6;
	[sflag:s0] =	ssyncadd.s32 $0xFFFFE0C0  }
0x81: {  	[spmem:s2] =	stream.indirect.scatter.add.f32 [tilespmem:s22], [sflag:$0x8], $0x40, s8, s17, $0xb8;
	[tilespmem:$0x1AC40] =	vst v63  }
0x82: {  	_ =	swait.ge [sflag:s15], $0x1F40  }
0x83: {  	[sflag:s15] =	ssyncset.done $0x0  }
0x84: {  	s8 =	sadd.s32 $0x380, s6;
	[sflag:s15] =	ssyncadd.s32 $0xFFFFE0C0  }
0x85: {  	[tilespmem:s22], [sflag:$0x3] =	stream.indirect.gather [hbm4b:s4+s17], $0x40, s8, s17, $0xb8;
	[tilespmem:$0x1AC40] =	vst v63  }
0x86: {  	_ =	swait.ge [sflag:s19], $0x1F40  }
0x87: {  	[sflag:s19] =	ssyncset.done $0x0  }
0x88: {  	s8 =	sadd.s32 $0x2980, s6;
	[sflag:s19] =	ssyncadd.s32 $0xFFFFE0C0  }
0x89: {  	[spmem:s2] =	stream.indirect.scatter.add.f32 [tilespmem:s24], [sflag:$0x9], $0x40, s8, s17, $0xb8;
	[tilespmem:$0x1AC40] =	vst v63  }
0x8a: {  	_ =	swait.ge [sflag:s21], $0x1F40  }
0x8b: {  	[sflag:s21] =	ssyncset.done $0x0  }
0x8c: {  	s8 =	sadd.s32 $0x400, s6;
	[sflag:s21] =	ssyncadd.s32 $0xFFFFE0C0  }
0x8d: {  	[tilespmem:s24], [sflag:$0x4] =	stream.indirect.gather [hbm4b:s4+s17], $0x40, s8, s17, $0xb8;
	[tilespmem:$0x1AC40] =	vst v63  }
0x8e: {  	_ =	swait.ge [sflag:s23], $0x1F40  }
0x8f: {  	[sflag:s23] =	ssyncset.done $0x0  }
.Ltmp1:
0x90: {  	s8 =	sadd.s32 $0x2A00, s6;
	[sflag:s23] =	ssyncadd.s32 $0xFFFFE0C0;
	(pc) =	sbr.rel @p0 .LBB2_4-.Ltmp1, $4  }
0x91: {  	[spmem:s2] =	stream.indirect.scatter.add.f32 [tilespmem:s28], [sflag:$0xA], $0x40, s8, s17, $0xb8;
	[tilespmem:$0x1AC40] =	vst v63  }
0x92: {  	_ =	swait.ge [sflag:s26], $0x1F40  }
0x93: {  	[sflag:s26] =	ssyncset.done $0x0  }
0x94: {  	s6 =	sadd.s32 $0x480, s6;
	[sflag:s26] =	ssyncadd.s32 $0xFFFFE0C0  }
0x95: {  	[tilespmem:s28], [sflag:$0x5] =	stream.indirect.gather [hbm4b:s4+s17], $0x40, s6, s17, $0xb8;
	[tilespmem:$0x1AC40] =	vst v63  }
0x96: {  	_ =	swait.ge [sflag:s29], $0x1F40  }
0x97: {  	[sflag:s29] =	ssyncset.done $0x0  }
0x98: {  	s5 =	simm.s32 $0x4D80;
	[sflag:s29] =	ssyncadd.s32 $0xFFFFE0C0  }
0x99: {  	[spmem:s2] =	stream.indirect.scatter.add.f32 [tilespmem:s18], [sflag:$0x6], $0x40, s5, s17, $0xb8;
	[tilespmem:$0x1AC40] =	vst v63  }
0x9a: {  	_ =	swait.ge [sflag:s31], $0x1F40  }
0x9b: {  	[sflag:s31] =	ssyncset.done $0x0  }
0x9c: {  	s6 =	simm.s32 $0x4E00;
	[sflag:s31] =	ssyncadd.s32 $0xFFFFE0C0  }
0x9d: {  	[spmem:s2] =	stream.indirect.scatter.add.f32 [tilespmem:s20], [sflag:$0x7], $0x40, s6, s17, $0xb8;
	[tilespmem:$0x1AC40] =	vst v63  }
0x9e: {  	_ =	swait.ge [sflag:s0], $0x1F40  }
0x9f: {  	[sflag:s0] =	ssyncset.done $0x0  }
0xa0: {  	s8 =	simm.s32 $0x4E80;
	[sflag:s0] =	ssyncadd.s32 $0xFFFFE0C0  }
0xa1: {  	[spmem:s2] =	stream.indirect.scatter.add.f32 [tilespmem:s22], [sflag:$0x8], $0x40, s8, s17, $0xb8;
	[tilespmem:$0x1AC40] =	vst v63  }
0xa2: {  	_ =	swait.ge [sflag:s19], $0x1F40  }
0xa3: {  	[sflag:s19] =	ssyncset.done $0x0  }
0xa4: {  	s6 =	simm.s32 $0x4F00;
	[sflag:s19] =	ssyncadd.s32 $0xFFFFE0C0  }
0xa5: {  	[spmem:s2] =	stream.indirect.scatter.add.f32 [tilespmem:s24], [sflag:$0x9], $0x40, s6, s17, $0xb8;
	[tilespmem:$0x1AC40] =	vst v63  }
0xa6: {  	_ =	swait.ge [sflag:s23], $0x1F40  }
0xa7: {  	[sflag:s23] =	ssyncset.done $0x0  }
0xa8: {  	s8 =	simm.s32 $0x4F80;
	[sflag:s23] =	ssyncadd.s32 $0xFFFFE0C0  }
0xa9: {  	[spmem:s2] =	stream.indirect.scatter.add.f32 [tilespmem:s28], [sflag:$0xA], $0x40, s8, s17, $0xb8;
	[tilespmem:$0x1AC40] =	vst v63  }
0xaa: {  	_ =	swait.ge [sflag:s30], $0x1F40  }
0xab: {  	[sflag:s30] =	ssyncset.done $0x0  }
0xac: {  	[sflag:s30] =	ssyncadd.s32 $0xFFFFE0C0  }
0xad: {  	_ =	swait.ge [sflag:s1], $0x1F40  }
0xae: {  	[sflag:s1] =	ssyncset.done $0x0  }
0xaf: {  	[sflag:s1] =	ssyncadd.s32 $0xFFFFE0C0  }
0xb0: {  	_ =	swait.ge [sflag:s15], $0x1F40  }
0xb1: {  	[sflag:s15] =	ssyncset.done $0x0  }
0xb2: {  	[sflag:s15] =	ssyncadd.s32 $0xFFFFE0C0  }
0xb3: {  	_ =	swait.ge [sflag:s21], $0x1F40  }
0xb4: {  	[sflag:s21] =	ssyncset.done $0x0  }
0xb5: {  	[sflag:s21] =	ssyncadd.s32 $0xFFFFE0C0  }
0xb6: {  	_ =	swait.ge [sflag:s26], $0x1F40  }
0xb7: {  	[sflag:s26] =	ssyncset.done $0x0  }
0xb8: {  	s3 =	sadd.s32 $0x1, s3;
	s6 =	stileid.u32;
	[sflag:s26] =	ssyncadd.s32 $0xFFFFE0C0  }
0xb9: {  	p0 =	sne.s32 s3, s9;
	s5 =	sshll.u32 s6, $0x6;
	[bflag:$0x0] =	sbarrier.arrive $0xFFFF  }
.Ltmp2:
0xba: {  	s5 =	sor.u32 $0x1C0B, s5;
	s8 =	rddreg [dreg:$0x5];
	(pc) =	sbr.rel @p0 .LBB2_1-.Ltmp2, $4  }
0xbb: {  	[hbm:s8], [sflag:s5] =	dma.local [spmem:s25], $0x1400  }
0xbc: {  	_ =	swait.ge [sflag:s14], $0x1400  }
0xbd: {  	[sflag:s14] =	ssyncset.done $0x0  }
0xbe: {  	[sflag:s14] =	ssyncadd.s32 $0xFFFFEC00  }
0xbf: {  	_ =	sfence.sel $0x180000  }
0xc0: {  	[bflag:$0x0] =	sbarrier.arrive $0xFFFF  }
0xc1: {  	_ =	strace $0x9000004A  }
0xc2: {  	s0 =	stileid.u32;
	[bflag:$0x2] =	sbarrier.arrive $0xFFFF  }
0xc3: {  	p0 =	sne.s32 s0, $0x0;
	s0 =	rddreg [dreg:$0x2]  }
0xc4: {  	s0 =	sadd.s32 @!p0 $0x100000, s0  }
0xc5: {  	[sflag:s0] =	ssyncadd.tile.s32 @!p0 $0x1;
	_ =	shalt  }
.Lfunc_end2:
_tile_overlayer_lowered:
.L_overlay_start_2:
0xc6: {  	(tag) =	ssettag $0x2  }
0xc7: {  	s0 =	rddreg [dreg:$0x0];
	s2 =	stileid.u32  }
0xc8: {  	s1 =	rddreg [dreg:$0x1];
	p0 =	sne.s32 s2, $0x0  }
0xc9: {  	s3 =	rddreg [dreg:$0x2];
	[bflag:$0x3] =	sbarrier.arrive $0xFFFF;
	s2 =	simm.s32 @!p0 $0x1C0B  }
0xca: {  	[timem:s3], [sflag:s2] =	dma.local @!p0 [hbm:s0], s1  }
0xcb: {  	s0 =	simm.s32 @!p0 $0xB  }
0xcc: {  	_ =	swait.ge @!p0 [sflag:s0], s1  }
0xcd: {  	s1 =	ssub.s32 @!p0 $0x0, s1;
	[sflag:s0] =	ssyncset.done @!p0 $0x0  }
0xce: {  	[sflag:s0] =	ssyncadd.s32 @!p0 s1  }
0xcf: {  	[bflag:$0x3] =	sbarrier.arrive $0xFFFF  }
0xd0: {  	_ =	shalt  }

// kernel: kernel.17.cloned.1.call-start
scs
__scs_entry_jumppad:
0x0: {  	(pc) =	sbr.rel $0x88, $3  }
0x1: {  	(tag) =	ssettag $0x0;
	lr =	simm.s32 $0x1  }
0x2: {  	[smem:$0x3F96] =	sst lr;
	_ =	strace $0xD0000000  }
0x3: {  	_ = 	snop  }
0x4: {  	_ = 	snop  }
0x5: {  	_ = 	snop  }
0x6: {  	_ = 	snop  }
0x7: {  	_ = 	snop  }
__scs_overlays_trampoline_lowered:
0x8: {  	[smem:$0x3FA5] =	sst s0  }
0x9: {  	[smem:$0x3FA6] =	sst s1  }
0xa: {  	[smem:$0x3FA7] =	sst s2  }
0xb: {  	[smem:$0x3FA8] =	sst s3  }
0xc: {  	[smem:$0x3FA9] =	sst s4  }
0xd: {  	[smem:$0x3FAA] =	sst s5  }
0xe: {  	[smem:$0x3FAB] =	sst s6  }
0xf: {  	[smem:$0x3FAC] =	sst s7  }
0x10: {  	[smem:$0x3FAD] =	sst s8  }
0x11: {  	[smem:$0x3FAE] =	sst s9;
	s0 =	simm.s32 @!p0 $0x0  }
0x12: {  	s1 =	sld [smem:$0x3F94];
	s0 =	simm.s32 @p0 $0x1  }
0x13: {  	[smem:$0x3FAF] =	sst s0;
	s0 =	simm.s32 @!p1 $0x0  }
0x14: {  	s2 =	sld [smem:$0x3F93];
	s0 =	simm.s32 @p1 $0x1  }
0x15: {  	[smem:$0x3FB0] =	sst s0;
	s0 =	simm.s32 @!p2 $0x0  }
0x16: {  	s3 =	sld [smem:$0x3FDB];
	s0 =	simm.s32 @p2 $0x1  }
0x17: {  	s4 =	simm.s32 $0x1BF5;
	[smem:$0x3FB2] =	sst s0  }
0x18: {  	s0 =	sld [smem:$0x3F95];
	_ =	swait.ge [sflag:s4], $0x0  }
0x19: {  	s7 =	sld [smem:$0x3F96]  }
0x1a: {  	s8 =	sadd.s32 $0xFFFFE003, lr  }
0x1b: {  	s9 =	sadd.s32 $0xFFFFFEF7, lr;
	s5 =	simm.s32 $0xFFFFFFFF;
	p2 =	slt.u32 s8, $0xFFFFF086  }
0x1c: {  	p1 =	slt.u32 s9, $0xF7A;
	s5 =	simm.s32 @!p2 $0x0  }
0x1d: {  	s5 =	simm.s32 @p1 $0x1;
	p0 =	seq.s32 s7, s2  }
0x1e: {  	s7 =	smul.u32 @!p0 $0xF7A, s2;
	p2 =	seq.s32 @!p0 s5, $0x0  }
0x1f: {  	s9 =	smul.u32 $0xF7A, s1;
	s8 =	simm.s32 @!p0 $0x1BF5;
	p2 =	por !p2, p0  }
0x20: {  	[sflag:s8] =	ssyncset.s32 @!p0 $0xFFFFF086;
	s6 =	sadd.s32 @!p0 s3, s7;
	s7 =	simm.s32 @!p0 $0x108  }
0x21: {  	s3 =	sadd.s32 s3, s9;
	s6 =	sadd.s32 @!p0 $0x88, s6;
	s7 =	simm.s32 @p2 $0x1082  }
0x22: {  	[simem:s7], [sflag:s8] =	dma.local @!p0 [hbm:s6], $0xF7A  }
0x23: {  	s9 =	sor.u32 $0xD0000000, s2;
	s6 =	simm.s32 $0x108;
	_ =	swait.ge @!p0 [sflag:s8], $0x0  }
0x24: {  	s3 =	sadd.s32 $0x88, s3;
	s6 =	simm.s32 @!p1 $0x1082;
	[sflag:s4] =	ssyncset.s32 $0xFFFFF086  }
0x25: {  	[simem:s6], [sflag:s4] =	dma.local [hbm:s3], $0xF7A  }
0x26: {  	[smem:$0x3F96] =	sst s1;
	(tag) =	ssettag s2;
	_ =	strace s9  }
0x27: {  	s1 =	sld [smem:$0x3FA6]  }
0x28: {  	s2 =	sld [smem:$0x3FA7]  }
0x29: {  	s4 =	sld [smem:$0x3FA9]  }
0x2a: {  	p0 =	seq.s32 s5, $0x0;
	s5 =	sld [smem:$0x3FAA]  }
0x2b: {  	s6 =	sld [smem:$0x3FAB]  }
0x2c: {  	s7 =	sld [smem:$0x3FAC]  }
0x2d: {  	s3 =	simm.s32 $0x108;
	s8 =	sld [smem:$0x3FAD]  }
0x2e: {  	s3 =	simm.s32 @!p0 $0x1082;
	s9 =	sld [smem:$0x3FAE]  }
0x2f: {  	lr =	sadd.s32 s0, s3;
	s0 =	sld [smem:$0x3FA5]  }
0x30: {  	s3 =	sld [smem:$0x3FA8]  }
0x31: {  	[smem:$0x3FB1] =	sst s10  }
0x32: {  	s10 =	sld [smem:$0x3FAF];
	_ =	sdelay $0x3  }
0x33: {  	p0 =	seq.s32 s10, $0x1;
	s10 =	sld [smem:$0x3FB1];
	_ =	sdelay $0x3  }
0x34: {  	[smem:$0x3FB1] =	sst s10  }
0x35: {  	s10 =	sld [smem:$0x3FB0];
	_ =	sdelay $0x3  }
0x36: {  	p1 =	seq.s32 s10, $0x1;
	s10 =	sld [smem:$0x3FB1];
	_ =	sdelay $0x3  }
0x37: {  	[smem:$0x3FB1] =	sst s10  }
0x38: {  	s10 =	sld [smem:$0x3FB2]  }
0x39: {  	_ = 	snop;
	(pc) =	sbr.ind lr, $3  }
0x3a: {  	_ = 	snop  }
0x3b: {  	_ = 	snop  }
0x3c: {  	p2 =	seq.s32 s10, $0x1;
	s10 =	sld [smem:$0x3FB1]  }
0x3d: {  	_ =	shalt  }
0x3e: {  	_ =	shalt  }
0x3f: {  	_ =	shalt  }
0x40: {  	_ =	shalt  }
0x41: {  	_ =	shalt  }
0x42: {  	_ =	shalt  }
0x43: {  	_ =	shalt  }
0x44: {  	_ =	shalt  }
0x45: {  	_ =	shalt  }
0x46: {  	_ =	shalt  }
0x47: {  	_ =	shalt  }
0x48: {  	_ =	shalt  }
0x49: {  	_ =	shalt  }
0x4a: {  	_ =	shalt  }
0x4b: {  	_ =	shalt  }
0x4c: {  	_ =	shalt  }
0x4d: {  	_ =	shalt  }
0x4e: {  	_ =	shalt  }
0x4f: {  	_ =	shalt  }
0x50: {  	_ =	shalt  }
0x51: {  	_ =	shalt  }
0x52: {  	_ =	shalt  }
0x53: {  	_ =	shalt  }
0x54: {  	_ =	shalt  }
0x55: {  	_ =	shalt  }
0x56: {  	_ =	shalt  }
0x57: {  	_ =	shalt  }
0x58: {  	_ =	shalt  }
0x59: {  	_ =	shalt  }
0x5a: {  	_ =	shalt  }
0x5b: {  	_ =	shalt  }
0x5c: {  	_ =	shalt  }
0x5d: {  	_ =	shalt  }
0x5e: {  	_ =	shalt  }
0x5f: {  	_ =	shalt  }
0x60: {  	_ =	shalt  }
0x61: {  	_ =	shalt  }
0x62: {  	_ =	shalt  }
0x63: {  	_ =	shalt  }
0x64: {  	_ =	shalt  }
0x65: {  	_ =	shalt  }
0x66: {  	_ =	shalt  }
0x67: {  	_ =	shalt  }
0x68: {  	_ =	shalt  }
0x69: {  	_ =	shalt  }
0x6a: {  	_ =	shalt  }
0x6b: {  	_ =	shalt  }
0x6c: {  	_ =	shalt  }
0x6d: {  	_ =	shalt  }
0x6e: {  	_ =	shalt  }
0x6f: {  	_ =	shalt  }
0x70: {  	_ =	shalt  }
0x71: {  	_ =	shalt  }
0x72: {  	_ =	shalt  }
0x73: {  	_ =	shalt  }
0x74: {  	_ =	shalt  }
0x75: {  	_ =	shalt  }
0x76: {  	_ =	shalt  }
0x77: {  	_ =	shalt  }
0x78: {  	_ =	shalt  }
0x79: {  	_ =	shalt  }
0x7a: {  	_ =	shalt  }
0x7b: {  	_ =	shalt  }
0x7c: {  	_ =	shalt  }
0x7d: {  	_ =	shalt  }
0x7e: {  	_ =	shalt  }
0x7f: {  	_ =	shalt  }
0x80: {  	_ =	shalt  }
0x81: {  	_ =	shalt  }
0x82: {  	_ =	shalt  }
0x83: {  	_ =	shalt  }
0x84: {  	_ =	shalt  }
0x85: {  	_ =	shalt  }
0x86: {  	_ =	shalt  }
0x87: {  	_ =	shalt  }
.Lfunc_end0:
.L_simem_size_0:
called_computation.2_lowered:
.L_overlay_start_0:
0x88: {  	s2 =	sld [smem:$0x3FD9]  }
0x89: {  	s3 =	sld [smem:$0x3FFE];
	_ =	sdelay $0x1  }
0x8a: {  	s1 =	srdreg.scid  }
0x8b: {  	s0 =	sand.u32 $0x1, s1  }
0x8c: {  	s16 =	sshll.u32 s0, $0xA;
	s2 =	sadd.s32 s3, s2  }
0x8d: {  	s2 =	sadd.s32 s2, s16  }
0x8e: {  	[smem:$0x3FBD] =	sst s2  }
0x8f: {  	_ = 	snop  }
0x90: {  	(tm) =	ssettm $0x1  }
0x91: {  	s17 =	sld [smem:$0x3FFB];
	_ =	sdelay $0x3  }
0x92: {  	_ =	strace s17  }
0x93: {  	s2 =	sld [smem:$0x3FFC];
	_ =	sdelay $0x3  }
0x94: {  	_ =	strace s2  }
0x95: {  	s2 =	sld [smem:$0x3FFD];
	_ =	sdelay $0x3  }
0x96: {  	_ =	strace s2  }
0x97: {  	_ =	strace $0x8FFFFFFF  }
0x98: {  	s18 =	sld [smem:$0x3FDB];
	_ =	sdelay $0x1  }
0x99: {  	s19 =	simm.s32 $_scs_section_size  }
0x9a: {  	s4 =	simm.s32 $_size__tile_overlayer_lowered;
	s5 =	simm.s32 $_tile_overlayer_lowered  }
0x9b: {  	s22 =	simm.s32 $0x1BFF;
	s21 =	sshll.u32 s5, $0x1;
	s2 =	sadd.s32 s19, s18  }
0x9c: {  	s6 =	simm.s32 $0x0;
	s20 =	sshll.u32 s4, $0x1;
	s4 =	sadd.s32 s21, s2  }
0x9d: {  	[timem:s6], [sflag:s22] =	dma.local [hbm:s4], s20  }
0x9e: {  	_ =	swait.ge [sflag:s22], s20  }
0x9f: {  	s3 =	ssub.s32 $0x0, s20;
	[sflag:s22] =	ssyncset.done $0x0  }
0xa0: {  	[sflag:s22] =	ssyncadd.s32 s3;
	_ =	sdelay $0x1  }
0xa1: {  	s23 =	simm.s32 $0x1B8B  }
0xa2: {  	_ =	swait.ge [sflag:s23], $0x1  }
0xa3: {  	[sflag:s23] =	ssyncset.done $0x0  }
0xa4: {  	s25 =	simm.s32 $0x1B8E;
	s24 =	sld [smem:$0x3FFE];
	[sflag:s23] =	ssyncadd.s32 $0xFFFFFFFF  }
0xa5: {  	s26 =	simm.s32 $execute0_lowered;
	[smem:$0x3FD2] =	sst s25  }
0xa6: {  	s4 =	sshll.u32 s26, $0x1;
	_ =	strace $0x8000004C;
	[dreg:$0x1] =	wrdreg $0xFFFFFFFF  }
0xa7: {  	s28 =	simm.s32 $_size_execute0_lowered;
	s2 =	sadd.s32 s2, s4;
	[dreg:$0x0] =	wrdreg $0x0  }
0xa8: {  	s4 =	sshll.u32 s28, $0x1;
	[dreg:$0x2] =	wrdreg s2  }
0xa9: {  	[dreg:$0x3] =	wrdreg s4  }
0xaa: {  	[dreg:$0x4] =	wrdreg $0xC0  }
0xab: {  	_ =	task [dreg:s6], $0x5FFFF  }
0xac: {  	[dreg:$0x1] =	wrdreg $0xFFFFFFFF  }
0xad: {  	[dreg:$0x0] =	wrdreg $0x60  }
0xae: {  	[dreg:$0x2] =	wrdreg s24  }
0xaf: {  	[dreg:$0x3] =	wrdreg $0x10C400  }
0xb0: {  	[dreg:$0x4] =	wrdreg $0x9  }
0xb1: {  	_ =	task.clear_ibuf [dreg:s6], $0x5FFFF;
	_ =	strace $0x9000004C  }
0xb2: {  	s29 =	simm.s32 $0x9;
	_ =	strace $0x8000004E  }
0xb3: {  	_ =	swait.ge [sflag:s29], $0x1  }
0xb4: {  	[sflag:s29] =	ssyncadd.s32 $0xFFFFFFFF  }
0xb5: {  	_ =	strace $0x9000004E  }
0xb6: {  	_ =	sfence  }
0xb7: {  	s30 =	sld [smem:$0x0];
	_ =	sdelay $0x2  }
0xb8: {  	s31 =	sshll.u32 s1, $0xD;
	s1 =	sshrl.u32 s1, $0x2  }
0xb9: {  	s3 =	sand.u32 $0x4000, s31;
	s1 =	sadd.s32 s1, s30  }
0xba: {  	s0 =	sor.u32 s3, s0;
	s1 =	sshll.u32 s1, $0x11  }
0xbb: {  	s0 =	sor.u32 s1, s0  }
0xbc: {  	s0 =	sadd.s32 $0x8F2B, s0  }
0xbd: {  	[sflag:s0] =	ssyncadd.remote.s32 $0x1  }
0xbe: {  	_ =	sfence.sel $0xFFFF  }
0xbf: {  	[dreg:$0x0] =	wrdreg $0xFFFFFFFF;
	(pc) =	sbr.abs _section_cstart, $3  }
0xc0: {  	[dreg:$0x1] =	wrdreg $0xFFFFFFFF  }
0xc1: {  	_ =	task.clear_ibuf [dreg:s6], $0x2FFFF;
	_ =	strace $0x9FFFFFFF  }
0xc2: {  	(tm) =	ssettm $0x7FFFFFFF  }
0xc3: {  	_ =	shalt  }
tec
execute0_lowered:
.L_overlay_start_1:
0x0: {  	(tag) =	ssettag $0x1  }
0x1: {  	s0 =	srdreg.scid  }
0x2: {  	s7 =	stileid.u32;
	s3 =	rddreg [dreg:$0x0]  }
0x3: {  	s2 =	rddreg [dreg:$0x1];
	s4 =	simm.s32 $0x0;
	s14 =	simm.s32 $0xB  }
0x4: {  	s16 =	simm.s32 $0xEC40;
	s17 =	simm.s32 $0x7D;
	s18 =	simm.s32 $0x5000  }
0x5: {  	s20 =	simm.s32 $0x6F40;
	s28 =	simm.s32 $0xCD00;
	s29 =	simm.s32 $0x1  }
0x6: {  	s30 =	simm.s32 $0x6;
	s31 =	simm.s32 $0x2;
	s15 =	simm.s32 $0x8  }
0x7: {  	s19 =	simm.s32 $0x4;
	s21 =	simm.s32 $0x9;
	s0 =	sand.u32 $0x1, s0  }
0x8: {  	[smem:$0x7FF] =	sst s4;
	s6 =	smul.u32 $0xA000, s7;
	s4 =	sadd.s32 $0x16E00, s3  }
0x9: {  	s1 =	sshll.u32 s0, $0x4;
	s5 =	smul.u32 $0xA0000, s0;
	_ =	strace $0x8000004D  }
0xa: {  	s0 =	ssub.s32 $0x2, s0;
	s1 =	sor.u32 s7, s1;
	s7 =	smul.u32 $0x28000, s7  }
0xb: {  	s22 =	sshrl.u32 s0, $0x1;
	s26 =	sadd.s32 s6, s2;
	s1 =	smul.u32 $0x2800, s1  }
0xc: {  	s5 =	sadd.s32 s6, s5;
	s0 =	ssub.s32 s0, s22;
	s22 =	simm.s32 $0x8E80  }
0xd: {  	s5 =	sshrl.u32 s5, $0x3;
	s24 =	sshrl.u32 s7, $0x2;
	s9 =	smax.u32 s0, $0x1  }
0xe: {  	s0 =	simm.s32 $0x3;
	s1 =	sshrl.u32 s1, $0x3;
	s7 =	sadd.s32 s24, s2  }
0xf: {  	s24 =	simm.s32 $0xADC0;
	s1 =	sadd.s32 s1, s3;
	s3 =	sadd.s32 s5, s3  }
0x10: {  	s10 =	sadd.s32 $0x2000, s7;
	s11 =	sadd.s32 $0x4000, s7;
	s23 =	sadd.s32 $0x2E00, s1  }
0x11: {  	s12 =	sadd.s32 $0x6000, s7;
	s1 =	sadd.s32 $0xCE00, s1;
	[dreg:$0x3] =	wrdreg s23  }
0x12: {  	s13 =	sadd.s32 $0x8000, s7;
	s25 =	sadd.s32 $0x2A800, s3;
	[dreg:$0x4] =	wrdreg s1  }
0x13: {  	s3 =	simm.s32 $0x0;
	[dreg:$0x5] =	wrdreg s25;
	s25 =	sshrl.u32 s26, $0x3  }
0x14: {  	v0 =	vimm.f32 $0.0e+00;
	s1 =	simm.s32 $0x7;
	s23 =	simm.s32 $0x5;
	s26 =	simm.s32 $0xA  }
.LBB2_1:
0x15: {  	s5 =	simm.s32 $0x0;
	s6 =	rddreg [dreg:$0x3]  }
0x16: {  	[tilespmem:s5], [sflag:$0xB] =	stream.linear.gather [hbm4b:s6+s5], $0x2800, $0x38;
	[tilespmem:$0x1AC40] =	vst v63  }
0x17: {  	_ =	swait.ge [sflag:s14], $0x2800  }
0x18: {  	[sflag:s14] =	ssyncset.done $0x0  }
0x19: {  	s8 =	simm.s32 $0x2800;
	s6 =	rddreg [dreg:$0x4];
	[sflag:s14] =	ssyncadd.s32 $0xFFFFD800  }
0x1a: {  	[tilespmem:s8], [sflag:$0xB] =	stream.linear.gather [hbm4b:s6+s5], $0x2800, $0x38;
	[tilespmem:$0x1AC40] =	vst v63  }
0x1b: {  	_ =	swait.ge [sflag:s14], $0x2800  }
0x1c: {  	[sflag:s14] =	ssyncset.done $0x0  }
0x1d: {  	s6 =	simm.s32 $0x100;
	s5 =	simm.s32 $0x0;
	[sflag:s14] =	ssyncadd.s32 $0xFFFFD800  }
.LBB2_2:
0x1e: {  	p0 =	sne.s32 s6, $0x7F00;
	[tilespmem:s5+$0xEC70] =	vst v0;
	s8 =	smov.u32 s6;
	s6 =	sadd.s32 $0x100, s6  }
.Ltmp0:
0x1f: {  	[tilespmem:s5+$0xEC60] =	vst v0;
	(pc) =	sbr.rel @p0 .LBB2_2-.Ltmp0, $3  }
0x20: {  	[tilespmem:s5+$0xEC40] =	vst v0  }
0x21: {  	[tilespmem:s5+$0xEC50] =	vst v0;
	_ =	sdelay $0x1  }
0x22: {  	s5 =	sshra.s32 s8, $0x2  }
0x23: {  	[tilespmem:s5+$0xEC70] =	vst v0  }
0x24: {  	[tilespmem:s5+$0xEC60] =	vst v0  }
0x25: {  	[tilespmem:s5+$0xEC40] =	vst v0  }
0x26: {  	[tilespmem:s5+$0xEC50] =	vst v0  }
0x27: {  	[spmem:s7] =	stream.linear.scatter [tilespmem:s16], [sflag:$0xB], $0x2000, $0x38;
	[tilespmem:$0x1AC40] =	vst v63  }
0x28: {  	_ =	swait.ge [sflag:s14], $0x2000  }
0x29: {  	[sflag:s14] =	ssyncset.done $0x0  }
0x2a: {  	[sflag:s14] =	ssyncadd.s32 $0xFFFFE000  }
0x2b: {  	[spmem:s10] =	stream.linear.scatter [tilespmem:s16], [sflag:$0xB], $0x2000, $0x38;
	[tilespmem:$0x1AC40] =	vst v63  }
0x2c: {  	_ =	swait.ge [sflag:s14], $0x2000  }
0x2d: {  	[sflag:s14] =	ssyncset.done $0x0  }
0x2e: {  	[sflag:s14] =	ssyncadd.s32 $0xFFFFE000  }
0x2f: {  	[spmem:s11] =	stream.linear.scatter [tilespmem:s16], [sflag:$0xB], $0x2000, $0x38;
	[tilespmem:$0x1AC40] =	vst v63  }
0x30: {  	_ =	swait.ge [sflag:s14], $0x2000  }
0x31: {  	[sflag:s14] =	ssyncset.done $0x0  }
0x32: {  	[sflag:s14] =	ssyncadd.s32 $0xFFFFE000  }
0x33: {  	[spmem:s12] =	stream.linear.scatter [tilespmem:s16], [sflag:$0xB], $0x2000, $0x38;
	[tilespmem:$0x1AC40] =	vst v63  }
0x34: {  	_ =	swait.ge [sflag:s14], $0x2000  }
0x35: {  	[sflag:s14] =	ssyncset.done $0x0  }
0x36: {  	[sflag:s14] =	ssyncadd.s32 $0xFFFFE000  }
0x37: {  	[spmem:s13] =	stream.linear.scatter [tilespmem:s16], [sflag:$0xB], $0x2000, $0x38;
	[tilespmem:$0x1AC40] =	vst v63  }
0x38: {  	_ =	swait.ge [sflag:s14], $0x2000  }
0x39: {  	[sflag:s14] =	ssyncset.done $0x0  }
0x3a: {  	[sflag:s14] =	ssyncadd.s32 $0xFFFFE000  }
0x3b: {  	s6 =	simm.s32 $0x0;
	[bflag:$0x0] =	sbarrier.arrive $0xFFFF  }
0x3c: {  	[tilespmem:s18], [sflag:$0x1] =	stream.indirect.gather [hbm4b:s4+s17], $0x40, s6, s17, $0xb8;
	[tilespmem:$0x1AC40] =	vst v63  }
0x3d: {  	s8 =	simm.s32 $0x80  }
0x3e: {  	[tilespmem:s20], [sflag:$0x2] =	stream.indirect.gather [hbm4b:s4+s17], $0x40, s8, s17, $0xb8;
	[tilespmem:$0x1AC40] =	vst v63  }
0x3f: {  	s6 =	simm.s32 $0x100  }
0x40: {  	[tilespmem:s22], [sflag:$0x3] =	stream.indirect.gather [hbm4b:s4+s17], $0x40, s6, s17, $0xb8;
	[tilespmem:$0x1AC40] =	vst v63  }
0x41: {  	s8 =	simm.s32 $0x180  }
0x42: {  	[tilespmem:s24], [sflag:$0x4] =	stream.indirect.gather [hbm4b:s4+s17], $0x40, s8, s17, $0xb8;
	[tilespmem:$0x1AC40] =	vst v63  }
0x43: {  	s6 =	simm.s32 $0x200  }
0x44: {  	[tilespmem:s28], [sflag:$0x5] =	stream.indirect.gather [hbm4b:s4+s17], $0x40, s6, s17, $0xb8;
	[tilespmem:$0x1AC40] =	vst v63  }
0x45: {  	_ =	swait.ge [sflag:s29], $0x1F40  }
0x46: {  	[sflag:s29] =	ssyncset.done $0x0  }
0x47: {  	s8 =	simm.s32 $0x2800;
	[sflag:s29] =	ssyncadd.s32 $0xFFFFE0C0  }
0x48: {  	[spmem:s2] =	stream.indirect.scatter.add.f32 [tilespmem:s18], [sflag:$0x6], $0x40, s8, s17, $0xb8;
	[tilespmem:$0x1AC40] =	vst v63  }
0x49: {  	_ =	swait.ge [sflag:s30], $0x1F40  }
0x4a: {  	[sflag:s30] =	ssyncset.done $0x0  }
0x4b: {  	s6 =	simm.s32 $0x280;
	[sflag:s30] =	ssyncadd.s32 $0xFFFFE0C0  }
0x4c: {  	[tilespmem:s18], [sflag:$0x1] =	stream.indirect.gather [hbm4b:s4+s17], $0x40, s6, s17, $0xb8;
	[tilespmem:$0x1AC40] =	vst v63  }
0x4d: {  	_ =	swait.ge [sflag:s31], $0x1F40  }
0x4e: {  	[sflag:s31] =	ssyncset.done $0x0  }
0x4f: {  	s8 =	simm.s32 $0x2880;
	[sflag:s31] =	ssyncadd.s32 $0xFFFFE0C0  }
0x50: {  	[spmem:s2] =	stream.indirect.scatter.add.f32 [tilespmem:s20], [sflag:$0x7], $0x40, s8, s17, $0xb8;
	[tilespmem:$0x1AC40] =	vst v63  }
0x51: {  	_ =	swait.ge [sflag:s1], $0x1F40  }
0x52: {  	[sflag:s1] =	ssyncset.done $0x0  }
0x53: {  	s6 =	simm.s32 $0x300;
	[sflag:s1] =	ssyncadd.s32 $0xFFFFE0C0  }
0x54: {  	[tilespmem:s20], [sflag:$0x2] =	stream.indirect.gather [hbm4b:s4+s17], $0x40, s6, s17, $0xb8;
	[tilespmem:$0x1AC40] =	vst v63  }
0x55: {  	_ =	swait.ge [sflag:s0], $0x1F40  }
0x56: {  	[sflag:s0] =	ssyncset.done $0x0  }
0x57: {  	s8 =	simm.s32 $0x2900;
	[sflag:s0] =	ssyncadd.s32 $0xFFFFE0C0  }
0x58: {  	[spmem:s2] =	stream.indirect.scatter.add.f32 [tilespmem:s22], [sflag:$0x8], $0x40, s8, s17, $0xb8;
	[tilespmem:$0x1AC40] =	vst v63  }
0x59: {  	_ =	swait.ge [sflag:s15], $0x1F40  }
0x5a: {  	[sflag:s15] =	ssyncset.done $0x0  }
0x5b: {  	s6 =	simm.s32 $0x380;
	[sflag:s15] =	ssyncadd.s32 $0xFFFFE0C0  }
0x5c: {  	[tilespmem:s22], [sflag:$0x3] =	stream.indirect.gather [hbm4b:s4+s17], $0x40, s6, s17, $0xb8;
	[tilespmem:$0x1AC40] =	vst v63  }
0x5d: {  	_ =	swait.ge [sflag:s19], $0x1F40  }
0x5e: {  	[sflag:s19] =	ssyncset.done $0x0  }
0x5f: {  	s8 =	simm.s32 $0x2980;
	[sflag:s19] =	ssyncadd.s32 $0xFFFFE0C0  }
0x60: {  	[spmem:s2] =	stream.indirect.scatter.add.f32 [tilespmem:s24], [sflag:$0x9], $0x40, s8, s17, $0xb8;
	[tilespmem:$0x1AC40] =	vst v63  }
0x61: {  	_ =	swait.ge [sflag:s21], $0x1F40  }
0x62: {  	[sflag:s21] =	ssyncset.done $0x0  }
0x63: {  	s6 =	simm.s32 $0x400;
	[sflag:s21] =	ssyncadd.s32 $0xFFFFE0C0  }
0x64: {  	[tilespmem:s24], [sflag:$0x4] =	stream.indirect.gather [hbm4b:s4+s17], $0x40, s6, s17, $0xb8;
	[tilespmem:$0x1AC40] =	vst v63  }
0x65: {  	_ =	swait.ge [sflag:s23], $0x1F40  }
0x66: {  	[sflag:s23] =	ssyncset.done $0x0  }
0x67: {  	s8 =	simm.s32 $0x2A00;
	[sflag:s23] =	ssyncadd.s32 $0xFFFFE0C0  }
0x68: {  	[spmem:s2] =	stream.indirect.scatter.add.f32 [tilespmem:s28], [sflag:$0xA], $0x40, s8, s17, $0xb8;
	[tilespmem:$0x1AC40] =	vst v63  }
0x69: {  	_ =	swait.ge [sflag:s26], $0x1F40  }
0x6a: {  	[sflag:s26] =	ssyncset.done $0x0  }
0x6b: {  	s5 =	simm.s32 $0xA00;
	s6 =	simm.s32 $0x480;
	[sflag:s26] =	ssyncadd.s32 $0xFFFFE0C0  }
.LBB2_4:
0x6c: {  	[tilespmem:s28], [sflag:$0x5] =	stream.indirect.gather [hbm4b:s4+s17], $0x40, s6, s17, $0xb8;
	[tilespmem:$0x1AC40] =	vst v63  }
0x6d: {  	s6 =	smov.u32 s5  }
0x6e: {  	p0 =	sne.s32 s5, $0x8C00;
	s5 =	sadd.s32 $0xA00, s5;
	_ =	swait.ge [sflag:s29], $0x1F40  }
0x6f: {  	s6 =	sshra.s32 s6, $0x2;
	[sflag:s29] =	ssyncset.done $0x0  }
0x70: {  	s8 =	sadd.s32 $0x2800, s6;
	[sflag:s29] =	ssyncadd.s32 $0xFFFFE0C0  }
0x71: {  	[spmem:s2] =	stream.indirect.scatter.add.f32 [tilespmem:s18], [sflag:$0x6], $0x40, s8, s17, $0xb8;
	[tilespmem:$0x1AC40] =	vst v63  }
0x72: {  	_ =	swait.ge [sflag:s30], $0x1F40  }
0x73: {  	[sflag:s30] =	ssyncset.done $0x0  }
0x74: {  	s8 =	sadd.s32 $0x280, s6;
	[sflag:s30] =	ssyncadd.s32 $0xFFFFE0C0  }
0x75: {  	[tilespmem:s18], [sflag:$0x1] =	stream.indirect.gather [hbm4b:s4+s17], $0x40, s8, s17, $0xb8;
	[tilespmem:$0x1AC40] =	vst v63  }
0x76: {  	_ =	swait.ge [sflag:s31], $0x1F40  }
0x77: {  	[sflag:s31] =	ssyncset.done $0x0  }
0x78: {  	s8 =	sadd.s32 $0x2880, s6;
	[sflag:s31] =	ssyncadd.s32 $0xFFFFE0C0  }
0x79: {  	[spmem:s2] =	stream.indirect.scatter.add.f32 [tilespmem:s20], [sflag:$0x7], $0x40, s8, s17, $0xb8;
	[tilespmem:$0x1AC40] =	vst v63  }
0x7a: {  	_ =	swait.ge [sflag:s1], $0x1F40  }
0x7b: {  	[sflag:s1] =	ssyncset.done $0x0  }
0x7c: {  	s8 =	sadd.s32 $0x300, s6;
	[sflag:s1] =	ssyncadd.s32 $0xFFFFE0C0  }
0x7d: {  	[tilespmem:s20], [sflag:$0x2] =	stream.indirect.gather [hbm4b:s4+s17], $0x40, s8, s17, $0xb8;
	[tilespmem:$0x1AC40] =	vst v63  }
0x7e: {  	_ =	swait.ge [sflag:s0], $0x1F40  }
0x7f: {  	[sflag:s0] =	ssyncset.done $0x0  }
0x80: {  	s8 =	sadd.s32 $0x2900, s6;
	[sflag:s0] =	ssyncadd.s32 $0xFFFFE0C0  }
0x81: {  	[spmem:s2] =	stream.indirect.scatter.add.f32 [tilespmem:s22], [sflag:$0x8], $0x40, s8, s17, $0xb8;
	[tilespmem:$0x1AC40] =	vst v63  }
0x82: {  	_ =	swait.ge [sflag:s15], $0x1F40  }
0x83: {  	[sflag:s15] =	ssyncset.done $0x0  }
0x84: {  	s8 =	sadd.s32 $0x380, s6;
	[sflag:s15] =	ssyncadd.s32 $0xFFFFE0C0  }
0x85: {  	[tilespmem:s22], [sflag:$0x3] =	stream.indirect.gather [hbm4b:s4+s17], $0x40, s8, s17, $0xb8;
	[tilespmem:$0x1AC40] =	vst v63  }
0x86: {  	_ =	swait.ge [sflag:s19], $0x1F40  }
0x87: {  	[sflag:s19] =	ssyncset.done $0x0  }
0x88: {  	s8 =	sadd.s32 $0x2980, s6;
	[sflag:s19] =	ssyncadd.s32 $0xFFFFE0C0  }
0x89: {  	[spmem:s2] =	stream.indirect.scatter.add.f32 [tilespmem:s24], [sflag:$0x9], $0x40, s8, s17, $0xb8;
	[tilespmem:$0x1AC40] =	vst v63  }
0x8a: {  	_ =	swait.ge [sflag:s21], $0x1F40  }
0x8b: {  	[sflag:s21] =	ssyncset.done $0x0  }
0x8c: {  	s8 =	sadd.s32 $0x400, s6;
	[sflag:s21] =	ssyncadd.s32 $0xFFFFE0C0  }
0x8d: {  	[tilespmem:s24], [sflag:$0x4] =	stream.indirect.gather [hbm4b:s4+s17], $0x40, s8, s17, $0xb8;
	[tilespmem:$0x1AC40] =	vst v63  }
0x8e: {  	_ =	swait.ge [sflag:s23], $0x1F40  }
0x8f: {  	[sflag:s23] =	ssyncset.done $0x0  }
.Ltmp1:
0x90: {  	s8 =	sadd.s32 $0x2A00, s6;
	[sflag:s23] =	ssyncadd.s32 $0xFFFFE0C0;
	(pc) =	sbr.rel @p0 .LBB2_4-.Ltmp1, $4  }
0x91: {  	[spmem:s2] =	stream.indirect.scatter.add.f32 [tilespmem:s28], [sflag:$0xA], $0x40, s8, s17, $0xb8;
	[tilespmem:$0x1AC40] =	vst v63  }
0x92: {  	_ =	swait.ge [sflag:s26], $0x1F40  }
0x93: {  	[sflag:s26] =	ssyncset.done $0x0  }
0x94: {  	s6 =	sadd.s32 $0x480, s6;
	[sflag:s26] =	ssyncadd.s32 $0xFFFFE0C0  }
0x95: {  	[tilespmem:s28], [sflag:$0x5] =	stream.indirect.gather [hbm4b:s4+s17], $0x40, s6, s17, $0xb8;
	[tilespmem:$0x1AC40] =	vst v63  }
0x96: {  	_ =	swait.ge [sflag:s29], $0x1F40  }
0x97: {  	[sflag:s29] =	ssyncset.done $0x0  }
0x98: {  	s5 =	simm.s32 $0x4D80;
	[sflag:s29] =	ssyncadd.s32 $0xFFFFE0C0  }
0x99: {  	[spmem:s2] =	stream.indirect.scatter.add.f32 [tilespmem:s18], [sflag:$0x6], $0x40, s5, s17, $0xb8;
	[tilespmem:$0x1AC40] =	vst v63  }
0x9a: {  	_ =	swait.ge [sflag:s31], $0x1F40  }
0x9b: {  	[sflag:s31] =	ssyncset.done $0x0  }
0x9c: {  	s6 =	simm.s32 $0x4E00;
	[sflag:s31] =	ssyncadd.s32 $0xFFFFE0C0  }
0x9d: {  	[spmem:s2] =	stream.indirect.scatter.add.f32 [tilespmem:s20], [sflag:$0x7], $0x40, s6, s17, $0xb8;
	[tilespmem:$0x1AC40] =	vst v63  }
0x9e: {  	_ =	swait.ge [sflag:s0], $0x1F40  }
0x9f: {  	[sflag:s0] =	ssyncset.done $0x0  }
0xa0: {  	s8 =	simm.s32 $0x4E80;
	[sflag:s0] =	ssyncadd.s32 $0xFFFFE0C0  }
0xa1: {  	[spmem:s2] =	stream.indirect.scatter.add.f32 [tilespmem:s22], [sflag:$0x8], $0x40, s8, s17, $0xb8;
	[tilespmem:$0x1AC40] =	vst v63  }
0xa2: {  	_ =	swait.ge [sflag:s19], $0x1F40  }
0xa3: {  	[sflag:s19] =	ssyncset.done $0x0  }
0xa4: {  	s6 =	simm.s32 $0x4F00;
	[sflag:s19] =	ssyncadd.s32 $0xFFFFE0C0  }
0xa5: {  	[spmem:s2] =	stream.indirect.scatter.add.f32 [tilespmem:s24], [sflag:$0x9], $0x40, s6, s17, $0xb8;
	[tilespmem:$0x1AC40] =	vst v63  }
0xa6: {  	_ =	swait.ge [sflag:s23], $0x1F40  }
0xa7: {  	[sflag:s23] =	ssyncset.done $0x0  }
0xa8: {  	s8 =	simm.s32 $0x4F80;
	[sflag:s23] =	ssyncadd.s32 $0xFFFFE0C0  }
0xa9: {  	[spmem:s2] =	stream.indirect.scatter.add.f32 [tilespmem:s28], [sflag:$0xA], $0x40, s8, s17, $0xb8;
	[tilespmem:$0x1AC40] =	vst v63  }
0xaa: {  	_ =	swait.ge [sflag:s30], $0x1F40  }
0xab: {  	[sflag:s30] =	ssyncset.done $0x0  }
0xac: {  	[sflag:s30] =	ssyncadd.s32 $0xFFFFE0C0  }
0xad: {  	_ =	swait.ge [sflag:s1], $0x1F40  }
0xae: {  	[sflag:s1] =	ssyncset.done $0x0  }
0xaf: {  	[sflag:s1] =	ssyncadd.s32 $0xFFFFE0C0  }
0xb0: {  	_ =	swait.ge [sflag:s15], $0x1F40  }
0xb1: {  	[sflag:s15] =	ssyncset.done $0x0  }
0xb2: {  	[sflag:s15] =	ssyncadd.s32 $0xFFFFE0C0  }
0xb3: {  	_ =	swait.ge [sflag:s21], $0x1F40  }
0xb4: {  	[sflag:s21] =	ssyncset.done $0x0  }
0xb5: {  	[sflag:s21] =	ssyncadd.s32 $0xFFFFE0C0  }
0xb6: {  	_ =	swait.ge [sflag:s26], $0x1F40  }
0xb7: {  	[sflag:s26] =	ssyncset.done $0x0  }
0xb8: {  	s3 =	sadd.s32 $0x1, s3;
	s6 =	stileid.u32;
	[sflag:s26] =	ssyncadd.s32 $0xFFFFE0C0  }
0xb9: {  	p0 =	sne.s32 s3, s9;
	s5 =	sshll.u32 s6, $0x6;
	[bflag:$0x0] =	sbarrier.arrive $0xFFFF  }
.Ltmp2:
0xba: {  	s5 =	sor.u32 $0x1C0B, s5;
	s8 =	rddreg [dreg:$0x5];
	(pc) =	sbr.rel @p0 .LBB2_1-.Ltmp2, $4  }
0xbb: {  	[hbm:s8], [sflag:s5] =	dma.local [spmem:s25], $0x1400  }
0xbc: {  	_ =	swait.ge [sflag:s14], $0x1400  }
0xbd: {  	[sflag:s14] =	ssyncset.done $0x0  }
0xbe: {  	[sflag:s14] =	ssyncadd.s32 $0xFFFFEC00  }
0xbf: {  	_ =	sfence.sel $0x180000  }
0xc0: {  	[bflag:$0x0] =	sbarrier.arrive $0xFFFF  }
0xc1: {  	_ =	strace $0x9000004D  }
0xc2: {  	s0 =	stileid.u32;
	[bflag:$0x2] =	sbarrier.arrive $0xFFFF  }
0xc3: {  	p0 =	sne.s32 s0, $0x0;
	s0 =	rddreg [dreg:$0x2]  }
0xc4: {  	s0 =	sadd.s32 @!p0 $0x100000, s0  }
0xc5: {  	[sflag:s0] =	ssyncadd.tile.s32 @!p0 $0x1;
	_ =	shalt  }
.Lfunc_end2:
_tile_overlayer_lowered:
.L_overlay_start_2:
0xc6: {  	(tag) =	ssettag $0x2  }
0xc7: {  	s0 =	rddreg [dreg:$0x0];
	s2 =	stileid.u32  }
0xc8: {  	s1 =	rddreg [dreg:$0x1];
	p0 =	sne.s32 s2, $0x0  }
0xc9: {  	s3 =	rddreg [dreg:$0x2];
	[bflag:$0x3] =	sbarrier.arrive $0xFFFF;
	s2 =	simm.s32 @!p0 $0x1C0B  }
0xca: {  	[timem:s3], [sflag:s2] =	dma.local @!p0 [hbm:s0], s1  }
0xcb: {  	s0 =	simm.s32 @!p0 $0xB  }
0xcc: {  	_ =	swait.ge @!p0 [sflag:s0], s1  }
0xcd: {  	s1 =	ssub.s32 @!p0 $0x0, s1;
	[sflag:s0] =	ssyncset.done @!p0 $0x0  }
0xce: {  	[sflag:s0] =	ssyncadd.s32 @!p0 s1  }
0xcf: {  	[bflag:$0x3] =	sbarrier.arrive $0xFFFF  }
0xd0: {  	_ =	shalt  }

// kernel: kernel.20.cloned.1.call-start
scs
__scs_entry_jumppad:
0x0: {  	(pc) =	sbr.rel $0x88, $3  }
0x1: {  	(tag) =	ssettag $0x0;
	lr =	simm.s32 $0x1  }
0x2: {  	[smem:$0x3F96] =	sst lr;
	_ =	strace $0xD0000000  }
0x3: {  	_ = 	snop  }
0x4: {  	_ = 	snop  }
0x5: {  	_ = 	snop  }
0x6: {  	_ = 	snop  }
0x7: {  	_ = 	snop  }
__scs_overlays_trampoline_lowered:
0x8: {  	[smem:$0x3FA5] =	sst s0  }
0x9: {  	[smem:$0x3FA6] =	sst s1  }
0xa: {  	[smem:$0x3FA7] =	sst s2  }
0xb: {  	[smem:$0x3FA8] =	sst s3  }
0xc: {  	[smem:$0x3FA9] =	sst s4  }
0xd: {  	[smem:$0x3FAA] =	sst s5  }
0xe: {  	[smem:$0x3FAB] =	sst s6  }
0xf: {  	[smem:$0x3FAC] =	sst s7  }
0x10: {  	[smem:$0x3FAD] =	sst s8  }
0x11: {  	[smem:$0x3FAE] =	sst s9;
	s0 =	simm.s32 @!p0 $0x0  }
0x12: {  	s1 =	sld [smem:$0x3F94];
	s0 =	simm.s32 @p0 $0x1  }
0x13: {  	[smem:$0x3FAF] =	sst s0;
	s0 =	simm.s32 @!p1 $0x0  }
0x14: {  	s2 =	sld [smem:$0x3F93];
	s0 =	simm.s32 @p1 $0x1  }
0x15: {  	[smem:$0x3FB0] =	sst s0;
	s0 =	simm.s32 @!p2 $0x0  }
0x16: {  	s3 =	sld [smem:$0x3FDB];
	s0 =	simm.s32 @p2 $0x1  }
0x17: {  	s4 =	simm.s32 $0x1BF5;
	[smem:$0x3FB2] =	sst s0  }
0x18: {  	s0 =	sld [smem:$0x3F95];
	_ =	swait.ge [sflag:s4], $0x0  }
0x19: {  	s7 =	sld [smem:$0x3F96]  }
0x1a: {  	s8 =	sadd.s32 $0xFFFFE003, lr  }
0x1b: {  	s9 =	sadd.s32 $0xFFFFFEF7, lr;
	s5 =	simm.s32 $0xFFFFFFFF;
	p2 =	slt.u32 s8, $0xFFFFF086  }
0x1c: {  	p1 =	slt.u32 s9, $0xF7A;
	s5 =	simm.s32 @!p2 $0x0  }
0x1d: {  	s5 =	simm.s32 @p1 $0x1;
	p0 =	seq.s32 s7, s2  }
0x1e: {  	s7 =	smul.u32 @!p0 $0xF7A, s2;
	p2 =	seq.s32 @!p0 s5, $0x0  }
0x1f: {  	s9 =	smul.u32 $0xF7A, s1;
	s8 =	simm.s32 @!p0 $0x1BF5;
	p2 =	por !p2, p0  }
0x20: {  	[sflag:s8] =	ssyncset.s32 @!p0 $0xFFFFF086;
	s6 =	sadd.s32 @!p0 s3, s7;
	s7 =	simm.s32 @!p0 $0x108  }
0x21: {  	s3 =	sadd.s32 s3, s9;
	s6 =	sadd.s32 @!p0 $0x88, s6;
	s7 =	simm.s32 @p2 $0x1082  }
0x22: {  	[simem:s7], [sflag:s8] =	dma.local @!p0 [hbm:s6], $0xF7A  }
0x23: {  	s9 =	sor.u32 $0xD0000000, s2;
	s6 =	simm.s32 $0x108;
	_ =	swait.ge @!p0 [sflag:s8], $0x0  }
0x24: {  	s3 =	sadd.s32 $0x88, s3;
	s6 =	simm.s32 @!p1 $0x1082;
	[sflag:s4] =	ssyncset.s32 $0xFFFFF086  }
0x25: {  	[simem:s6], [sflag:s4] =	dma.local [hbm:s3], $0xF7A  }
0x26: {  	[smem:$0x3F96] =	sst s1;
	(tag) =	ssettag s2;
	_ =	strace s9  }
0x27: {  	s1 =	sld [smem:$0x3FA6]  }
0x28: {  	s2 =	sld [smem:$0x3FA7]  }
0x29: {  	s4 =	sld [smem:$0x3FA9]  }
0x2a: {  	p0 =	seq.s32 s5, $0x0;
	s5 =	sld [smem:$0x3FAA]  }
0x2b: {  	s6 =	sld [smem:$0x3FAB]  }
0x2c: {  	s7 =	sld [smem:$0x3FAC]  }
0x2d: {  	s3 =	simm.s32 $0x108;
	s8 =	sld [smem:$0x3FAD]  }
0x2e: {  	s3 =	simm.s32 @!p0 $0x1082;
	s9 =	sld [smem:$0x3FAE]  }
0x2f: {  	lr =	sadd.s32 s0, s3;
	s0 =	sld [smem:$0x3FA5]  }
0x30: {  	s3 =	sld [smem:$0x3FA8]  }
0x31: {  	[smem:$0x3FB1] =	sst s10  }
0x32: {  	s10 =	sld [smem:$0x3FAF];
	_ =	sdelay $0x3  }
0x33: {  	p0 =	seq.s32 s10, $0x1;
	s10 =	sld [smem:$0x3FB1];
	_ =	sdelay $0x3  }
0x34: {  	[smem:$0x3FB1] =	sst s10  }
0x35: {  	s10 =	sld [smem:$0x3FB0];
	_ =	sdelay $0x3  }
0x36: {  	p1 =	seq.s32 s10, $0x1;
	s10 =	sld [smem:$0x3FB1];
	_ =	sdelay $0x3  }
0x37: {  	[smem:$0x3FB1] =	sst s10  }
0x38: {  	s10 =	sld [smem:$0x3FB2]  }
0x39: {  	_ = 	snop;
	(pc) =	sbr.ind lr, $3  }
0x3a: {  	_ = 	snop  }
0x3b: {  	_ = 	snop  }
0x3c: {  	p2 =	seq.s32 s10, $0x1;
	s10 =	sld [smem:$0x3FB1]  }
0x3d: {  	_ =	shalt  }
0x3e: {  	_ =	shalt  }
0x3f: {  	_ =	shalt  }
0x40: {  	_ =	shalt  }
0x41: {  	_ =	shalt  }
0x42: {  	_ =	shalt  }
0x43: {  	_ =	shalt  }
0x44: {  	_ =	shalt  }
0x45: {  	_ =	shalt  }
0x46: {  	_ =	shalt  }
0x47: {  	_ =	shalt  }
0x48: {  	_ =	shalt  }
0x49: {  	_ =	shalt  }
0x4a: {  	_ =	shalt  }
0x4b: {  	_ =	shalt  }
0x4c: {  	_ =	shalt  }
0x4d: {  	_ =	shalt  }
0x4e: {  	_ =	shalt  }
0x4f: {  	_ =	shalt  }
0x50: {  	_ =	shalt  }
0x51: {  	_ =	shalt  }
0x52: {  	_ =	shalt  }
0x53: {  	_ =	shalt  }
0x54: {  	_ =	shalt  }
0x55: {  	_ =	shalt  }
0x56: {  	_ =	shalt  }
0x57: {  	_ =	shalt  }
0x58: {  	_ =	shalt  }
0x59: {  	_ =	shalt  }
0x5a: {  	_ =	shalt  }
0x5b: {  	_ =	shalt  }
0x5c: {  	_ =	shalt  }
0x5d: {  	_ =	shalt  }
0x5e: {  	_ =	shalt  }
0x5f: {  	_ =	shalt  }
0x60: {  	_ =	shalt  }
0x61: {  	_ =	shalt  }
0x62: {  	_ =	shalt  }
0x63: {  	_ =	shalt  }
0x64: {  	_ =	shalt  }
0x65: {  	_ =	shalt  }
0x66: {  	_ =	shalt  }
0x67: {  	_ =	shalt  }
0x68: {  	_ =	shalt  }
0x69: {  	_ =	shalt  }
0x6a: {  	_ =	shalt  }
0x6b: {  	_ =	shalt  }
0x6c: {  	_ =	shalt  }
0x6d: {  	_ =	shalt  }
0x6e: {  	_ =	shalt  }
0x6f: {  	_ =	shalt  }
0x70: {  	_ =	shalt  }
0x71: {  	_ =	shalt  }
0x72: {  	_ =	shalt  }
0x73: {  	_ =	shalt  }
0x74: {  	_ =	shalt  }
0x75: {  	_ =	shalt  }
0x76: {  	_ =	shalt  }
0x77: {  	_ =	shalt  }
0x78: {  	_ =	shalt  }
0x79: {  	_ =	shalt  }
0x7a: {  	_ =	shalt  }
0x7b: {  	_ =	shalt  }
0x7c: {  	_ =	shalt  }
0x7d: {  	_ =	shalt  }
0x7e: {  	_ =	shalt  }
0x7f: {  	_ =	shalt  }
0x80: {  	_ =	shalt  }
0x81: {  	_ =	shalt  }
0x82: {  	_ =	shalt  }
0x83: {  	_ =	shalt  }
0x84: {  	_ =	shalt  }
0x85: {  	_ =	shalt  }
0x86: {  	_ =	shalt  }
0x87: {  	_ =	shalt  }
.Lfunc_end0:
.L_simem_size_0:
called_computation.3_lowered:
.L_overlay_start_0:
0x88: {  	s2 =	sld [smem:$0x3FD9]  }
0x89: {  	s3 =	sld [smem:$0x3FFE];
	_ =	sdelay $0x1  }
0x8a: {  	s1 =	srdreg.scid  }
0x8b: {  	s0 =	sand.u32 $0x1, s1  }
0x8c: {  	s16 =	sshll.u32 s0, $0xA;
	s2 =	sadd.s32 s3, s2  }
0x8d: {  	s2 =	sadd.s32 s2, s16  }
0x8e: {  	[smem:$0x3FBD] =	sst s2  }
0x8f: {  	_ = 	snop  }
0x90: {  	(tm) =	ssettm $0x1  }
0x91: {  	s17 =	sld [smem:$0x3FFB];
	_ =	sdelay $0x3  }
0x92: {  	_ =	strace s17  }
0x93: {  	s2 =	sld [smem:$0x3FFC];
	_ =	sdelay $0x3  }
0x94: {  	_ =	strace s2  }
0x95: {  	s2 =	sld [smem:$0x3FFD];
	_ =	sdelay $0x3  }
0x96: {  	_ =	strace s2  }
0x97: {  	_ =	strace $0x8FFFFFFF  }
0x98: {  	s18 =	sld [smem:$0x3FDB];
	_ =	sdelay $0x1  }
0x99: {  	s19 =	simm.s32 $_scs_section_size  }
0x9a: {  	s4 =	simm.s32 $_size__tile_overlayer_lowered;
	s5 =	simm.s32 $_tile_overlayer_lowered  }
0x9b: {  	s22 =	simm.s32 $0x1BFF;
	s21 =	sshll.u32 s5, $0x1;
	s2 =	sadd.s32 s19, s18  }
0x9c: {  	s6 =	simm.s32 $0x0;
	s20 =	sshll.u32 s4, $0x1;
	s4 =	sadd.s32 s21, s2  }
0x9d: {  	[timem:s6], [sflag:s22] =	dma.local [hbm:s4], s20  }
0x9e: {  	_ =	swait.ge [sflag:s22], s20  }
0x9f: {  	s3 =	ssub.s32 $0x0, s20;
	[sflag:s22] =	ssyncset.done $0x0  }
0xa0: {  	[sflag:s22] =	ssyncadd.s32 s3;
	_ =	sdelay $0x1  }
0xa1: {  	s23 =	simm.s32 $0x1B8B  }
0xa2: {  	_ =	swait.ge [sflag:s23], $0x1  }
0xa3: {  	[sflag:s23] =	ssyncset.done $0x0  }
0xa4: {  	s25 =	simm.s32 $0x1B8E;
	s24 =	sld [smem:$0x3FFE];
	[sflag:s23] =	ssyncadd.s32 $0xFFFFFFFF  }
0xa5: {  	s26 =	simm.s32 $execute0_lowered;
	[smem:$0x3FD2] =	sst s25  }
0xa6: {  	s4 =	sshll.u32 s26, $0x1;
	_ =	strace $0x8000004F;
	[dreg:$0x1] =	wrdreg $0xFFFFFFFF  }
0xa7: {  	s28 =	simm.s32 $_size_execute0_lowered;
	s2 =	sadd.s32 s2, s4;
	[dreg:$0x0] =	wrdreg $0x0  }
0xa8: {  	s4 =	sshll.u32 s28, $0x1;
	[dreg:$0x2] =	wrdreg s2  }
0xa9: {  	[dreg:$0x3] =	wrdreg s4  }
0xaa: {  	[dreg:$0x4] =	wrdreg $0xC0  }
0xab: {  	_ =	task [dreg:s6], $0x5FFFF  }
0xac: {  	[dreg:$0x1] =	wrdreg $0xFFFFFFFF  }
0xad: {  	[dreg:$0x0] =	wrdreg $0x60  }
0xae: {  	[dreg:$0x2] =	wrdreg s24  }
0xaf: {  	[dreg:$0x3] =	wrdreg $0x10C400  }
0xb0: {  	[dreg:$0x4] =	wrdreg $0x9  }
0xb1: {  	_ =	task.clear_ibuf [dreg:s6], $0x5FFFF;
	_ =	strace $0x9000004F  }
0xb2: {  	s29 =	simm.s32 $0x9;
	_ =	strace $0x80000051  }
0xb3: {  	_ =	swait.ge [sflag:s29], $0x1  }
0xb4: {  	[sflag:s29] =	ssyncadd.s32 $0xFFFFFFFF  }
0xb5: {  	_ =	strace $0x90000051  }
0xb6: {  	_ =	sfence  }
0xb7: {  	s30 =	sld [smem:$0x0];
	_ =	sdelay $0x2  }
0xb8: {  	s31 =	sshll.u32 s1, $0xD;
	s1 =	sshrl.u32 s1, $0x2  }
0xb9: {  	s3 =	sand.u32 $0x4000, s31;
	s1 =	sadd.s32 s1, s30  }
0xba: {  	s0 =	sor.u32 s3, s0;
	s1 =	sshll.u32 s1, $0x11  }
0xbb: {  	s0 =	sor.u32 s1, s0  }
0xbc: {  	s0 =	sadd.s32 $0x8F2B, s0  }
0xbd: {  	[sflag:s0] =	ssyncadd.remote.s32 $0x1  }
0xbe: {  	_ =	sfence.sel $0xFFFF  }
0xbf: {  	[dreg:$0x0] =	wrdreg $0xFFFFFFFF;
	(pc) =	sbr.abs _section_cstart, $3  }
0xc0: {  	[dreg:$0x1] =	wrdreg $0xFFFFFFFF  }
0xc1: {  	_ =	task.clear_ibuf [dreg:s6], $0x2FFFF;
	_ =	strace $0x9FFFFFFF  }
0xc2: {  	(tm) =	ssettm $0x7FFFFFFF  }
0xc3: {  	_ =	shalt  }
tec
execute0_lowered:
.L_overlay_start_1:
0x0: {  	(tag) =	ssettag $0x1  }
0x1: {  	s0 =	srdreg.scid  }
0x2: {  	s7 =	stileid.u32;
	s3 =	rddreg [dreg:$0x0]  }
0x3: {  	s2 =	rddreg [dreg:$0x1];
	s4 =	simm.s32 $0x0;
	s14 =	simm.s32 $0xB  }
0x4: {  	s16 =	simm.s32 $0xEC40;
	s17 =	simm.s32 $0x7D;
	s18 =	simm.s32 $0x5000  }
0x5: {  	s20 =	simm.s32 $0x6F40;
	s28 =	simm.s32 $0xCD00;
	s29 =	simm.s32 $0x1  }
0x6: {  	s30 =	simm.s32 $0x6;
	s31 =	simm.s32 $0x2;
	s15 =	simm.s32 $0x8  }
0x7: {  	s19 =	simm.s32 $0x4;
	s21 =	simm.s32 $0x9;
	s0 =	sand.u32 $0x1, s0  }
0x8: {  	[smem:$0x7FF] =	sst s4;
	s6 =	smul.u32 $0xA000, s7;
	s4 =	sadd.s32 $0x16E00, s3  }
0x9: {  	s1 =	sshll.u32 s0, $0x4;
	s5 =	smul.u32 $0xA0000, s0;
	_ =	strace $0x80000050  }
0xa: {  	s0 =	ssub.s32 $0x2, s0;
	s1 =	sor.u32 s7, s1;
	s7 =	smul.u32 $0x28000, s7  }
0xb: {  	s22 =	sshrl.u32 s0, $0x1;
	s26 =	sadd.s32 s6, s2;
	s1 =	smul.u32 $0x2800, s1  }
0xc: {  	s5 =	sadd.s32 s6, s5;
	s0 =	ssub.s32 s0, s22;
	s22 =	simm.s32 $0x8E80  }
0xd: {  	s5 =	sshrl.u32 s5, $0x3;
	s24 =	sshrl.u32 s7, $0x2;
	s9 =	smax.u32 s0, $0x1  }
0xe: {  	s0 =	simm.s32 $0x3;
	s1 =	sshrl.u32 s1, $0x3;
	s7 =	sadd.s32 s24, s2  }
0xf: {  	s24 =	simm.s32 $0xADC0;
	s1 =	sadd.s32 s1, s3;
	s3 =	sadd.s32 s5, s3  }
0x10: {  	s10 =	sadd.s32 $0x2000, s7;
	s11 =	sadd.s32 $0x4000, s7;
	s23 =	sadd.s32 $0x2E00, s1  }
0x11: {  	s12 =	sadd.s32 $0x6000, s7;
	s1 =	sadd.s32 $0xCE00, s1;
	[dreg:$0x3] =	wrdreg s23  }
0x12: {  	s13 =	sadd.s32 $0x8000, s7;
	s25 =	sadd.s32 $0x2A800, s3;
	[dreg:$0x4] =	wrdreg s1  }
0x13: {  	s3 =	simm.s32 $0x0;
	[dreg:$0x5] =	wrdreg s25;
	s25 =	sshrl.u32 s26, $0x3  }
0x14: {  	v0 =	vimm.f32 $0.0e+00;
	s1 =	simm.s32 $0x7;
	s23 =	simm.s32 $0x5;
	s26 =	simm.s32 $0xA  }
.LBB2_1:
0x15: {  	s5 =	simm.s32 $0x0;
	s6 =	rddreg [dreg:$0x3]  }
0x16: {  	[tilespmem:s5], [sflag:$0xB] =	stream.linear.gather [hbm4b:s6+s5], $0x2800, $0x38;
	[tilespmem:$0x1AC40] =	vst v63  }
0x17: {  	_ =	swait.ge [sflag:s14], $0x2800  }
0x18: {  	[sflag:s14] =	ssyncset.done $0x0  }
0x19: {  	s8 =	simm.s32 $0x2800;
	s6 =	rddreg [dreg:$0x4];
	[sflag:s14] =	ssyncadd.s32 $0xFFFFD800  }
0x1a: {  	[tilespmem:s8], [sflag:$0xB] =	stream.linear.gather [hbm4b:s6+s5], $0x2800, $0x38;
	[tilespmem:$0x1AC40] =	vst v63  }
0x1b: {  	_ =	swait.ge [sflag:s14], $0x2800  }
0x1c: {  	[sflag:s14] =	ssyncset.done $0x0  }
0x1d: {  	s6 =	simm.s32 $0x100;
	s5 =	simm.s32 $0x0;
	[sflag:s14] =	ssyncadd.s32 $0xFFFFD800  }
.LBB2_2:
0x1e: {  	p0 =	sne.s32 s6, $0x7F00;
	[tilespmem:s5+$0xEC70] =	vst v0;
	s8 =	smov.u32 s6;
	s6 =	sadd.s32 $0x100, s6  }
.Ltmp0:
0x1f: {  	[tilespmem:s5+$0xEC60] =	vst v0;
	(pc) =	sbr.rel @p0 .LBB2_2-.Ltmp0, $3  }
0x20: {  	[tilespmem:s5+$0xEC40] =	vst v0  }
0x21: {  	[tilespmem:s5+$0xEC50] =	vst v0;
	_ =	sdelay $0x1  }
0x22: {  	s5 =	sshra.s32 s8, $0x2  }
0x23: {  	[tilespmem:s5+$0xEC70] =	vst v0  }
0x24: {  	[tilespmem:s5+$0xEC60] =	vst v0  }
0x25: {  	[tilespmem:s5+$0xEC40] =	vst v0  }
0x26: {  	[tilespmem:s5+$0xEC50] =	vst v0  }
0x27: {  	[spmem:s7] =	stream.linear.scatter [tilespmem:s16], [sflag:$0xB], $0x2000, $0x38;
	[tilespmem:$0x1AC40] =	vst v63  }
0x28: {  	_ =	swait.ge [sflag:s14], $0x2000  }
0x29: {  	[sflag:s14] =	ssyncset.done $0x0  }
0x2a: {  	[sflag:s14] =	ssyncadd.s32 $0xFFFFE000  }
0x2b: {  	[spmem:s10] =	stream.linear.scatter [tilespmem:s16], [sflag:$0xB], $0x2000, $0x38;
	[tilespmem:$0x1AC40] =	vst v63  }
0x2c: {  	_ =	swait.ge [sflag:s14], $0x2000  }
0x2d: {  	[sflag:s14] =	ssyncset.done $0x0  }
0x2e: {  	[sflag:s14] =	ssyncadd.s32 $0xFFFFE000  }
0x2f: {  	[spmem:s11] =	stream.linear.scatter [tilespmem:s16], [sflag:$0xB], $0x2000, $0x38;
	[tilespmem:$0x1AC40] =	vst v63  }
0x30: {  	_ =	swait.ge [sflag:s14], $0x2000  }
0x31: {  	[sflag:s14] =	ssyncset.done $0x0  }
0x32: {  	[sflag:s14] =	ssyncadd.s32 $0xFFFFE000  }
0x33: {  	[spmem:s12] =	stream.linear.scatter [tilespmem:s16], [sflag:$0xB], $0x2000, $0x38;
	[tilespmem:$0x1AC40] =	vst v63  }
0x34: {  	_ =	swait.ge [sflag:s14], $0x2000  }
0x35: {  	[sflag:s14] =	ssyncset.done $0x0  }
0x36: {  	[sflag:s14] =	ssyncadd.s32 $0xFFFFE000  }
0x37: {  	[spmem:s13] =	stream.linear.scatter [tilespmem:s16], [sflag:$0xB], $0x2000, $0x38;
	[tilespmem:$0x1AC40] =	vst v63  }
0x38: {  	_ =	swait.ge [sflag:s14], $0x2000  }
0x39: {  	[sflag:s14] =	ssyncset.done $0x0  }
0x3a: {  	[sflag:s14] =	ssyncadd.s32 $0xFFFFE000  }
0x3b: {  	s6 =	simm.s32 $0x0;
	[bflag:$0x0] =	sbarrier.arrive $0xFFFF  }
0x3c: {  	[tilespmem:s18], [sflag:$0x1] =	stream.indirect.gather [hbm4b:s4+s17], $0x40, s6, s17, $0xb8;
	[tilespmem:$0x1AC40] =	vst v63  }
0x3d: {  	s8 =	simm.s32 $0x80  }
0x3e: {  	[tilespmem:s20], [sflag:$0x2] =	stream.indirect.gather [hbm4b:s4+s17], $0x40, s8, s17, $0xb8;
	[tilespmem:$0x1AC40] =	vst v63  }
0x3f: {  	s6 =	simm.s32 $0x100  }
0x40: {  	[tilespmem:s22], [sflag:$0x3] =	stream.indirect.gather [hbm4b:s4+s17], $0x40, s6, s17, $0xb8;
	[tilespmem:$0x1AC40] =	vst v63  }
0x41: {  	s8 =	simm.s32 $0x180  }
0x42: {  	[tilespmem:s24], [sflag:$0x4] =	stream.indirect.gather [hbm4b:s4+s17], $0x40, s8, s17, $0xb8;
	[tilespmem:$0x1AC40] =	vst v63  }
0x43: {  	s6 =	simm.s32 $0x200  }
0x44: {  	[tilespmem:s28], [sflag:$0x5] =	stream.indirect.gather [hbm4b:s4+s17], $0x40, s6, s17, $0xb8;
	[tilespmem:$0x1AC40] =	vst v63  }
0x45: {  	_ =	swait.ge [sflag:s29], $0x1F40  }
0x46: {  	[sflag:s29] =	ssyncset.done $0x0  }
0x47: {  	s8 =	simm.s32 $0x2800;
	[sflag:s29] =	ssyncadd.s32 $0xFFFFE0C0  }
0x48: {  	[spmem:s2] =	stream.indirect.scatter.add.f32 [tilespmem:s18], [sflag:$0x6], $0x40, s8, s17, $0xb8;
	[tilespmem:$0x1AC40] =	vst v63  }
0x49: {  	_ =	swait.ge [sflag:s30], $0x1F40  }
0x4a: {  	[sflag:s30] =	ssyncset.done $0x0  }
0x4b: {  	s6 =	simm.s32 $0x280;
	[sflag:s30] =	ssyncadd.s32 $0xFFFFE0C0  }
0x4c: {  	[tilespmem:s18], [sflag:$0x1] =	stream.indirect.gather [hbm4b:s4+s17], $0x40, s6, s17, $0xb8;
	[tilespmem:$0x1AC40] =	vst v63  }
0x4d: {  	_ =	swait.ge [sflag:s31], $0x1F40  }
0x4e: {  	[sflag:s31] =	ssyncset.done $0x0  }
0x4f: {  	s8 =	simm.s32 $0x2880;
	[sflag:s31] =	ssyncadd.s32 $0xFFFFE0C0  }
0x50: {  	[spmem:s2] =	stream.indirect.scatter.add.f32 [tilespmem:s20], [sflag:$0x7], $0x40, s8, s17, $0xb8;
	[tilespmem:$0x1AC40] =	vst v63  }
0x51: {  	_ =	swait.ge [sflag:s1], $0x1F40  }
0x52: {  	[sflag:s1] =	ssyncset.done $0x0  }
0x53: {  	s6 =	simm.s32 $0x300;
	[sflag:s1] =	ssyncadd.s32 $0xFFFFE0C0  }
0x54: {  	[tilespmem:s20], [sflag:$0x2] =	stream.indirect.gather [hbm4b:s4+s17], $0x40, s6, s17, $0xb8;
	[tilespmem:$0x1AC40] =	vst v63  }
0x55: {  	_ =	swait.ge [sflag:s0], $0x1F40  }
0x56: {  	[sflag:s0] =	ssyncset.done $0x0  }
0x57: {  	s8 =	simm.s32 $0x2900;
	[sflag:s0] =	ssyncadd.s32 $0xFFFFE0C0  }
0x58: {  	[spmem:s2] =	stream.indirect.scatter.add.f32 [tilespmem:s22], [sflag:$0x8], $0x40, s8, s17, $0xb8;
	[tilespmem:$0x1AC40] =	vst v63  }
0x59: {  	_ =	swait.ge [sflag:s15], $0x1F40  }
0x5a: {  	[sflag:s15] =	ssyncset.done $0x0  }
0x5b: {  	s6 =	simm.s32 $0x380;
	[sflag:s15] =	ssyncadd.s32 $0xFFFFE0C0  }
0x5c: {  	[tilespmem:s22], [sflag:$0x3] =	stream.indirect.gather [hbm4b:s4+s17], $0x40, s6, s17, $0xb8;
	[tilespmem:$0x1AC40] =	vst v63  }
0x5d: {  	_ =	swait.ge [sflag:s19], $0x1F40  }
0x5e: {  	[sflag:s19] =	ssyncset.done $0x0  }
0x5f: {  	s8 =	simm.s32 $0x2980;
	[sflag:s19] =	ssyncadd.s32 $0xFFFFE0C0  }
0x60: {  	[spmem:s2] =	stream.indirect.scatter.add.f32 [tilespmem:s24], [sflag:$0x9], $0x40, s8, s17, $0xb8;
	[tilespmem:$0x1AC40] =	vst v63  }
0x61: {  	_ =	swait.ge [sflag:s21], $0x1F40  }
0x62: {  	[sflag:s21] =	ssyncset.done $0x0  }
0x63: {  	s6 =	simm.s32 $0x400;
	[sflag:s21] =	ssyncadd.s32 $0xFFFFE0C0  }
0x64: {  	[tilespmem:s24], [sflag:$0x4] =	stream.indirect.gather [hbm4b:s4+s17], $0x40, s6, s17, $0xb8;
	[tilespmem:$0x1AC40] =	vst v63  }
0x65: {  	_ =	swait.ge [sflag:s23], $0x1F40  }
0x66: {  	[sflag:s23] =	ssyncset.done $0x0  }
0x67: {  	s8 =	simm.s32 $0x2A00;
	[sflag:s23] =	ssyncadd.s32 $0xFFFFE0C0  }
0x68: {  	[spmem:s2] =	stream.indirect.scatter.add.f32 [tilespmem:s28], [sflag:$0xA], $0x40, s8, s17, $0xb8;
	[tilespmem:$0x1AC40] =	vst v63  }
0x69: {  	_ =	swait.ge [sflag:s26], $0x1F40  }
0x6a: {  	[sflag:s26] =	ssyncset.done $0x0  }
0x6b: {  	s5 =	simm.s32 $0xA00;
	s6 =	simm.s32 $0x480;
	[sflag:s26] =	ssyncadd.s32 $0xFFFFE0C0  }
.LBB2_4:
0x6c: {  	[tilespmem:s28], [sflag:$0x5] =	stream.indirect.gather [hbm4b:s4+s17], $0x40, s6, s17, $0xb8;
	[tilespmem:$0x1AC40] =	vst v63  }
0x6d: {  	s6 =	smov.u32 s5  }
0x6e: {  	p0 =	sne.s32 s5, $0x8C00;
	s5 =	sadd.s32 $0xA00, s5;
	_ =	swait.ge [sflag:s29], $0x1F40  }
0x6f: {  	s6 =	sshra.s32 s6, $0x2;
	[sflag:s29] =	ssyncset.done $0x0  }
0x70: {  	s8 =	sadd.s32 $0x2800, s6;
	[sflag:s29] =	ssyncadd.s32 $0xFFFFE0C0  }
0x71: {  	[spmem:s2] =	stream.indirect.scatter.add.f32 [tilespmem:s18], [sflag:$0x6], $0x40, s8, s17, $0xb8;
	[tilespmem:$0x1AC40] =	vst v63  }
0x72: {  	_ =	swait.ge [sflag:s30], $0x1F40  }
0x73: {  	[sflag:s30] =	ssyncset.done $0x0  }
0x74: {  	s8 =	sadd.s32 $0x280, s6;
	[sflag:s30] =	ssyncadd.s32 $0xFFFFE0C0  }
0x75: {  	[tilespmem:s18], [sflag:$0x1] =	stream.indirect.gather [hbm4b:s4+s17], $0x40, s8, s17, $0xb8;
	[tilespmem:$0x1AC40] =	vst v63  }
0x76: {  	_ =	swait.ge [sflag:s31], $0x1F40  }
0x77: {  	[sflag:s31] =	ssyncset.done $0x0  }
0x78: {  	s8 =	sadd.s32 $0x2880, s6;
	[sflag:s31] =	ssyncadd.s32 $0xFFFFE0C0  }
0x79: {  	[spmem:s2] =	stream.indirect.scatter.add.f32 [tilespmem:s20], [sflag:$0x7], $0x40, s8, s17, $0xb8;
	[tilespmem:$0x1AC40] =	vst v63  }
0x7a: {  	_ =	swait.ge [sflag:s1], $0x1F40  }
0x7b: {  	[sflag:s1] =	ssyncset.done $0x0  }
0x7c: {  	s8 =	sadd.s32 $0x300, s6;
	[sflag:s1] =	ssyncadd.s32 $0xFFFFE0C0  }
0x7d: {  	[tilespmem:s20], [sflag:$0x2] =	stream.indirect.gather [hbm4b:s4+s17], $0x40, s8, s17, $0xb8;
	[tilespmem:$0x1AC40] =	vst v63  }
0x7e: {  	_ =	swait.ge [sflag:s0], $0x1F40  }
0x7f: {  	[sflag:s0] =	ssyncset.done $0x0  }
0x80: {  	s8 =	sadd.s32 $0x2900, s6;
	[sflag:s0] =	ssyncadd.s32 $0xFFFFE0C0  }
0x81: {  	[spmem:s2] =	stream.indirect.scatter.add.f32 [tilespmem:s22], [sflag:$0x8], $0x40, s8, s17, $0xb8;
	[tilespmem:$0x1AC40] =	vst v63  }
0x82: {  	_ =	swait.ge [sflag:s15], $0x1F40  }
0x83: {  	[sflag:s15] =	ssyncset.done $0x0  }
0x84: {  	s8 =	sadd.s32 $0x380, s6;
	[sflag:s15] =	ssyncadd.s32 $0xFFFFE0C0  }
0x85: {  	[tilespmem:s22], [sflag:$0x3] =	stream.indirect.gather [hbm4b:s4+s17], $0x40, s8, s17, $0xb8;
	[tilespmem:$0x1AC40] =	vst v63  }
0x86: {  	_ =	swait.ge [sflag:s19], $0x1F40  }
0x87: {  	[sflag:s19] =	ssyncset.done $0x0  }
0x88: {  	s8 =	sadd.s32 $0x2980, s6;
	[sflag:s19] =	ssyncadd.s32 $0xFFFFE0C0  }
0x89: {  	[spmem:s2] =	stream.indirect.scatter.add.f32 [tilespmem:s24], [sflag:$0x9], $0x40, s8, s17, $0xb8;
	[tilespmem:$0x1AC40] =	vst v63  }
0x8a: {  	_ =	swait.ge [sflag:s21], $0x1F40  }
0x8b: {  	[sflag:s21] =	ssyncset.done $0x0  }
0x8c: {  	s8 =	sadd.s32 $0x400, s6;
	[sflag:s21] =	ssyncadd.s32 $0xFFFFE0C0  }
0x8d: {  	[tilespmem:s24], [sflag:$0x4] =	stream.indirect.gather [hbm4b:s4+s17], $0x40, s8, s17, $0xb8;
	[tilespmem:$0x1AC40] =	vst v63  }
0x8e: {  	_ =	swait.ge [sflag:s23], $0x1F40  }
0x8f: {  	[sflag:s23] =	ssyncset.done $0x0  }
.Ltmp1:
0x90: {  	s8 =	sadd.s32 $0x2A00, s6;
	[sflag:s23] =	ssyncadd.s32 $0xFFFFE0C0;
	(pc) =	sbr.rel @p0 .LBB2_4-.Ltmp1, $4  }
0x91: {  	[spmem:s2] =	stream.indirect.scatter.add.f32 [tilespmem:s28], [sflag:$0xA], $0x40, s8, s17, $0xb8;
	[tilespmem:$0x1AC40] =	vst v63  }
0x92: {  	_ =	swait.ge [sflag:s26], $0x1F40  }
0x93: {  	[sflag:s26] =	ssyncset.done $0x0  }
0x94: {  	s6 =	sadd.s32 $0x480, s6;
	[sflag:s26] =	ssyncadd.s32 $0xFFFFE0C0  }
0x95: {  	[tilespmem:s28], [sflag:$0x5] =	stream.indirect.gather [hbm4b:s4+s17], $0x40, s6, s17, $0xb8;
	[tilespmem:$0x1AC40] =	vst v63  }
0x96: {  	_ =	swait.ge [sflag:s29], $0x1F40  }
0x97: {  	[sflag:s29] =	ssyncset.done $0x0  }
0x98: {  	s5 =	simm.s32 $0x4D80;
	[sflag:s29] =	ssyncadd.s32 $0xFFFFE0C0  }
0x99: {  	[spmem:s2] =	stream.indirect.scatter.add.f32 [tilespmem:s18], [sflag:$0x6], $0x40, s5, s17, $0xb8;
	[tilespmem:$0x1AC40] =	vst v63  }
0x9a: {  	_ =	swait.ge [sflag:s31], $0x1F40  }
0x9b: {  	[sflag:s31] =	ssyncset.done $0x0  }
0x9c: {  	s6 =	simm.s32 $0x4E00;
	[sflag:s31] =	ssyncadd.s32 $0xFFFFE0C0  }
0x9d: {  	[spmem:s2] =	stream.indirect.scatter.add.f32 [tilespmem:s20], [sflag:$0x7], $0x40, s6, s17, $0xb8;
	[tilespmem:$0x1AC40] =	vst v63  }
0x9e: {  	_ =	swait.ge [sflag:s0], $0x1F40  }
0x9f: {  	[sflag:s0] =	ssyncset.done $0x0  }
0xa0: {  	s8 =	simm.s32 $0x4E80;
	[sflag:s0] =	ssyncadd.s32 $0xFFFFE0C0  }
0xa1: {  	[spmem:s2] =	stream.indirect.scatter.add.f32 [tilespmem:s22], [sflag:$0x8], $0x40, s8, s17, $0xb8;
	[tilespmem:$0x1AC40] =	vst v63  }
0xa2: {  	_ =	swait.ge [sflag:s19], $0x1F40  }
0xa3: {  	[sflag:s19] =	ssyncset.done $0x0  }
0xa4: {  	s6 =	simm.s32 $0x4F00;
	[sflag:s19] =	ssyncadd.s32 $0xFFFFE0C0  }
0xa5: {  	[spmem:s2] =	stream.indirect.scatter.add.f32 [tilespmem:s24], [sflag:$0x9], $0x40, s6, s17, $0xb8;
	[tilespmem:$0x1AC40] =	vst v63  }
0xa6: {  	_ =	swait.ge [sflag:s23], $0x1F40  }
0xa7: {  	[sflag:s23] =	ssyncset.done $0x0  }
0xa8: {  	s8 =	simm.s32 $0x4F80;
	[sflag:s23] =	ssyncadd.s32 $0xFFFFE0C0  }
0xa9: {  	[spmem:s2] =	stream.indirect.scatter.add.f32 [tilespmem:s28], [sflag:$0xA], $0x40, s8, s17, $0xb8;
	[tilespmem:$0x1AC40] =	vst v63  }
0xaa: {  	_ =	swait.ge [sflag:s30], $0x1F40  }
0xab: {  	[sflag:s30] =	ssyncset.done $0x0  }
0xac: {  	[sflag:s30] =	ssyncadd.s32 $0xFFFFE0C0  }
0xad: {  	_ =	swait.ge [sflag:s1], $0x1F40  }
0xae: {  	[sflag:s1] =	ssyncset.done $0x0  }
0xaf: {  	[sflag:s1] =	ssyncadd.s32 $0xFFFFE0C0  }
0xb0: {  	_ =	swait.ge [sflag:s15], $0x1F40  }
0xb1: {  	[sflag:s15] =	ssyncset.done $0x0  }
0xb2: {  	[sflag:s15] =	ssyncadd.s32 $0xFFFFE0C0  }
0xb3: {  	_ =	swait.ge [sflag:s21], $0x1F40  }
0xb4: {  	[sflag:s21] =	ssyncset.done $0x0  }
0xb5: {  	[sflag:s21] =	ssyncadd.s32 $0xFFFFE0C0  }
0xb6: {  	_ =	swait.ge [sflag:s26], $0x1F40  }
0xb7: {  	[sflag:s26] =	ssyncset.done $0x0  }
0xb8: {  	s3 =	sadd.s32 $0x1, s3;
	s6 =	stileid.u32;
	[sflag:s26] =	ssyncadd.s32 $0xFFFFE0C0  }
0xb9: {  	p0 =	sne.s32 s3, s9;
	s5 =	sshll.u32 s6, $0x6;
	[bflag:$0x0] =	sbarrier.arrive $0xFFFF  }
.Ltmp2:
0xba: {  	s5 =	sor.u32 $0x1C0B, s5;
	s8 =	rddreg [dreg:$0x5];
	(pc) =	sbr.rel @p0 .LBB2_1-.Ltmp2, $4  }
0xbb: {  	[hbm:s8], [sflag:s5] =	dma.local [spmem:s25], $0x1400  }
0xbc: {  	_ =	swait.ge [sflag:s14], $0x1400  }
0xbd: {  	[sflag:s14] =	ssyncset.done $0x0  }
0xbe: {  	[sflag:s14] =	ssyncadd.s32 $0xFFFFEC00  }
0xbf: {  	_ =	sfence.sel $0x180000  }
0xc0: {  	[bflag:$0x0] =	sbarrier.arrive $0xFFFF  }
0xc1: {  	_ =	strace $0x90000050  }
0xc2: {  	s0 =	stileid.u32;
	[bflag:$0x2] =	sbarrier.arrive $0xFFFF  }
0xc3: {  	p0 =	sne.s32 s0, $0x0;
	s0 =	rddreg [dreg:$0x2]  }
0xc4: {  	s0 =	sadd.s32 @!p0 $0x100000, s0  }
0xc5: {  	[sflag:s0] =	ssyncadd.tile.s32 @!p0 $0x1;
	_ =	shalt  }
.Lfunc_end2:
_tile_overlayer_lowered:
.L_overlay_start_2:
0xc6: {  	(tag) =	ssettag $0x2  }
0xc7: {  	s0 =	rddreg [dreg:$0x0];
	s2 =	stileid.u32  }
0xc8: {  	s1 =	rddreg [dreg:$0x1];
	p0 =	sne.s32 s2, $0x0  }
0xc9: {  	s3 =	rddreg [dreg:$0x2];
	[bflag:$0x3] =	sbarrier.arrive $0xFFFF;
	s2 =	simm.s32 @!p0 $0x1C0B  }
0xca: {  	[timem:s3], [sflag:s2] =	dma.local @!p0 [hbm:s0], s1  }
0xcb: {  	s0 =	simm.s32 @!p0 $0xB  }
0xcc: {  	_ =	swait.ge @!p0 [sflag:s0], s1  }
0xcd: {  	s1 =	ssub.s32 @!p0 $0x0, s1;
	[sflag:s0] =	ssyncset.done @!p0 $0x0  }
0xce: {  	[sflag:s0] =	ssyncadd.s32 @!p0 s1  }
0xcf: {  	[bflag:$0x3] =	sbarrier.arrive $0xFFFF  }
0xd0: {  	_ =	shalt  }

</sc_bundles>
